<compile_context>
chip_gen: v7x
topology: tpu7x:2x2x1
jax: 0.10.2.dev20260603
libtpu: 0.0.44.dev20260713+nightly
codegen_flags: <defaults>
</compile_context>

<pallas_src>
import functools

import jax
import jax.numpy as jnp
from jax import lax
from jax.experimental import pallas as pl
from jax.experimental.pallas import tpu as pltpu
from jax.experimental.pallas import tpu_sc as plsc

N = 10000
D = 128
NC = 2
NS = 16
NW = NC * NS
CH = 128
TILE_ROWS = 624
CR = 16


def _sc_agg_body(nch, x_hbm, src_hbm, dst_hbm, w_hbm, out_hbm,
                 acc_sh, zbuf, sidx, didx, wbuf, rows, sem):
    cid = lax.axis_index("c")
    sid = lax.axis_index("s")
    wid = sid * NC + cid
    epw = nch * CH

    row0 = sid * TILE_ROWS
    ncop = jnp.where(sid >= NS - 1, (N - (NS - 1) * TILE_ROWS) // CR,
                     TILE_ROWS // CR)

    def zero_zbuf(i, _):
        for j in range(D // 16):
            zbuf[i, pl.ds(j * 16, 16)] = jnp.zeros((16,), jnp.float32)
        return _
    lax.fori_loop(0, CR, zero_zbuf, None)

    def zero_acc(k, _):
        pltpu.sync_copy(zbuf, acc_sh.at[pl.ds(row0 + k * CR, CR)])
        return _
    lax.fori_loop(0, ncop, zero_acc, None)

    plsc.subcore_barrier()

    def chunk(c, _):
        base = wid * epw + c * CH
        pltpu.sync_copy(src_hbm.at[pl.ds(base, CH)], sidx)
        pltpu.sync_copy(dst_hbm.at[pl.ds(base, CH)], didx)
        pltpu.sync_copy(w_hbm.at[pl.ds(base, CH)], wbuf)
        pltpu.async_copy(x_hbm.at[sidx], rows, sem).wait()

        def scale_group(g, _):
            w16 = wbuf[pl.ds(g * 16, 16)]
            for i in range(16):
                e = g * 16 + i
                w = w16[i]
                for j in range(D // 16):
                    rows[e, pl.ds(j * 16, 16)] = rows[e, pl.ds(j * 16, 16)] * w
            return _
        lax.fori_loop(0, CH // 16, scale_group, None)

        pltpu.sync_copy(rows, acc_sh.at[didx], add=True)
        return _
    lax.fori_loop(0, nch, chunk, None)

    plsc.subcore_barrier()

    def writeback(k, _):
        r = row0 + k * CR
        pltpu.sync_copy(acc_sh.at[pl.ds(r, CR)], out_hbm.at[pl.ds(cid * N + r, CR)])
        return _
    lax.fori_loop(0, ncop, writeback, None)


def _sc_agg(x, src, dst, w, nch):
    mesh = plsc.VectorSubcoreMesh(core_axis_name="c", subcore_axis_name="s")
    f = pl.kernel(
        functools.partial(_sc_agg_body, nch),
        out_type=jax.ShapeDtypeStruct((NC * N, D), jnp.float32),
        mesh=mesh,
        scratch_types=[
            pltpu.VMEM_SHARED((N, D), jnp.float32),
            pltpu.VMEM((CR, D), jnp.float32),
            pltpu.VMEM((CH,), jnp.int32),
            pltpu.VMEM((CH,), jnp.int32),
            pltpu.VMEM((CH,), jnp.float32),
            pltpu.VMEM((CH, D), jnp.float32),
            pltpu.SemaphoreType.DMA,
        ],
    )
    return f(x, src, dst, w)


def _tc_finish_body(p0_ref, p1_ref, w_ref, b_ref, o_ref):
    wn = jax.nn.softplus(w_ref[...])
    agg = p0_ref[...] + p1_ref[...]
    h = jnp.dot(agg, wn, preferred_element_type=jnp.float32)
    o_ref[...] = jnp.maximum(h + b_ref[...], 0.0)


def _tc_finish(partials, W, bias):
    nb = 10
    blk = N // nb
    return pl.pallas_call(
        _tc_finish_body,
        grid=(nb,),
        in_specs=[
            pl.BlockSpec((blk, D), lambda i: (i, 0)),
            pl.BlockSpec((blk, D), lambda i: (i + nb, 0)),
            pl.BlockSpec((D, D), lambda i: (0, 0)),
            pl.BlockSpec((1, D), lambda i: (0, 0)),
        ],
        out_specs=pl.BlockSpec((blk, D), lambda i: (i, 0)),
        out_shape=jax.ShapeDtypeStruct((N, D), jnp.float32),
    )(partials, partials, W, bias.reshape(1, D))


def kernel(x, edge_index, edge_weight, W, bias):
    e = edge_weight.shape[0]
    grain = NW * CH
    e_pad = ((e + grain - 1) // grain) * grain
    nch = e_pad // (NW * CH)
    pad = e_pad - e
    src = jnp.pad(edge_index[0], (0, pad))
    dst = jnp.pad(edge_index[1], (0, pad))
    w = jnp.pad(edge_weight, (0, pad))
    partials = _sc_agg(x, src, dst, w, nch)
    return _tc_finish(partials, W, bias)

# --- scband reference (transcript-rebuilt; emitter-appended) ---
"""Pipeline reference for scband-icgnnlayer-27865747816744 (READ-ONLY COPY).

The authoritative reference and input builder live on the scoring server;
editing this copy changes nothing except your own understanding.
"""

import jax, jax.numpy as jnp
import numpy as np

N = 10000
E = 320000
D = 128

def setup_inputs(seed: int = 0) -> dict:
    key = jax.random.key(seed)
    k1, k2, k3, k4 = jax.random.split(key, 4)
    x = jax.random.normal(k1, (N, D), dtype=jnp.float32)
    edge_index = jax.random.randint(k2, (2, E), 0, N).astype(jnp.int32)
    edge_weight = jax.random.uniform(k3, (E,), dtype=jnp.float32)
    # learned params: W xavier-uniform, bias zeros (matches reset_parameters)
    limit = float(np.sqrt(6.0 / (D + D)))
    W = jax.random.uniform(k4, (D, D), minval=-limit, maxval=limit, dtype=jnp.float32)
    bias = jnp.zeros((D,), dtype=jnp.float32)
    return {"x": x, "edge_index": edge_index, "edge_weight": edge_weight, "W": W, "bias": bias}

def reference(x, edge_index, edge_weight, W, bias):
    # Faithful vectorization of the per-edge loop:
    # output[dst] += edge_weight[i] * (x[src] @ softplus(W))
    W_non_neg = jax.nn.softplus(W)
    h = x @ W_non_neg                      # [N, D] precompute (matmul is linear, identical math)
    rows = edge_index[0]                   # src
    cols = edge_index[1]                   # dst
    msgs = jnp.take(h, rows, axis=0) * edge_weight[:, None]   # gather + scale, [E, D]
    output = jax.ops.segment_sum(msgs, cols, num_segments=x.shape[0])  # scatter-add to dst
    output = output + bias
    return jax.nn.relu(output)

if __name__ == "__main__":
    import jax
    _d = setup_inputs()
    print(jax.jit(kernel)(*tuple(_d.values())))

</pallas_src>

<mosaic_0001>
#map = affine_map<(d0, d1) -> (0, 0)>
#map1 = affine_map<(d0, d1) -> (0)>
module attributes {stable_mosaic.version = 14 : i64} {
  func.func @_sc_agg_body(%arg0: i32, %arg1: i32, %arg2: memref<10000x128xf32, #tpu.memory_space<hbm>>, %arg3: memref<323584xi32, #tpu.memory_space<hbm>>, %arg4: memref<323584xi32, #tpu.memory_space<hbm>>, %arg5: memref<323584xf32, #tpu.memory_space<hbm>>, %arg6: memref<20000x128xf32, #tpu.memory_space<hbm>>, %arg7: memref<10000x128xf32, #tpu.memory_space<vmem_shared>>, %arg8: memref<16x128xf32, #tpu.memory_space<vmem>>, %arg9: memref<128xi32, #tpu.memory_space<vmem>>, %arg10: memref<128xi32, #tpu.memory_space<vmem>>, %arg11: memref<128xf32, #tpu.memory_space<vmem>>, %arg12: memref<128x128xf32, #tpu.memory_space<vmem>>, %arg13: memref<!tpu.dma_semaphore, #tpu.memory_space<semaphore_mem>>) attributes {dimension_semantics = [#tpu.dimension_semantics<core_parallel>, #tpu.dimension_semantics<subcore_parallel>], iteration_bounds = array<i64: 2, 16>, scalar_prefetch = 0 : i64, scratch_operands = 7 : i64, tpu.core_type = #tpu.core_type<sc_vector_subcore>, window_params = [{transform_indices = #map}, {transform_indices = #map1}, {transform_indices = #map1}, {transform_indices = #map1}, {transform_indices = #map}]} {
    %mul3A = arith.constant 2 : i32
    %mul3A_0 = arith.muli %arg1, %mul3A : i32
    %add3A = arith.addi %mul3A_0, %arg0 : i32
    %mul3A_1 = arith.constant 624 : i32
    %mul3A_2 = arith.muli %arg1, %mul3A_1 : i32
    %ge3A = arith.constant 15 : i32
    %ge3A_3 = arith.cmpi sge, %arg1, %ge3A : i32
    %jit3A = arith.constant 40 : i32
    %jit3A_4 = arith.constant 39 : i32
    %select_n3A = arith.select %ge3A_3, %jit3A, %jit3A_4 : i32
    %scan3A = arith.constant 0 : i32
    %scan3A_5 = arith.constant 16 : i32
    %scan3A_6 = arith.addi %scan3A, %scan3A_5 : i32
    %scan3A_7 = arith.constant 1 : i32
    scf.for %scan3A_32 = %scan3A to %scan3A_6 step %scan3A_7  : i32 {
      %broadcast_in_dim3A = arith.constant 0.000000e+00 : f32
      %broadcast_in_dim3A_33 = vector.broadcast %broadcast_in_dim3A : f32 to vector<16xf32>
      %swap3A = arith.index_cast %scan3A_32 : i32 to index
      %swap3A_34 = arith.constant 0 : index
      %swap3A_35 = tpu.vector_load %arg8[%swap3A, %swap3A_34] {strides = array<i32>} : memref<16x128xf32, #tpu.memory_space<vmem>>, vector<1x16xf32>,
      %swap3A_36 = vector.shape_cast %swap3A_35 : vector<1x16xf32> to vector<16xf32>
      %swap3A_37 = vector.shape_cast %broadcast_in_dim3A_33 : vector<16xf32> to vector<1x16xf32>
      tpu.vector_store %arg8[%swap3A, %swap3A_34], %swap3A_37 {strides = array<i32>} : memref<16x128xf32, #tpu.memory_space<vmem>>, vector<1x16xf32>,
      %broadcast_in_dim3A_38 = arith.constant 0.000000e+00 : f32
      %broadcast_in_dim3A_39 = vector.broadcast %broadcast_in_dim3A_38 : f32 to vector<16xf32>
      %swap3A_40 = arith.index_cast %scan3A_32 : i32 to index
      %swap3A_41 = arith.constant 16 : index
      %swap3A_42 = tpu.vector_load %arg8[%swap3A_40, %swap3A_41] {strides = array<i32>} : memref<16x128xf32, #tpu.memory_space<vmem>>, vector<1x16xf32>,
      %swap3A_43 = vector.shape_cast %swap3A_42 : vector<1x16xf32> to vector<16xf32>
      %swap3A_44 = vector.shape_cast %broadcast_in_dim3A_39 : vector<16xf32> to vector<1x16xf32>
      tpu.vector_store %arg8[%swap3A_40, %swap3A_41], %swap3A_44 {strides = array<i32>} : memref<16x128xf32, #tpu.memory_space<vmem>>, vector<1x16xf32>,
      %broadcast_in_dim3A_45 = arith.constant 0.000000e+00 : f32
      %broadcast_in_dim3A_46 = vector.broadcast %broadcast_in_dim3A_45 : f32 to vector<16xf32>
      %swap3A_47 = arith.index_cast %scan3A_32 : i32 to index
      %swap3A_48 = arith.constant 32 : index
      %swap3A_49 = tpu.vector_load %arg8[%swap3A_47, %swap3A_48] {strides = array<i32>} : memref<16x128xf32, #tpu.memory_space<vmem>>, vector<1x16xf32>,
      %swap3A_50 = vector.shape_cast %swap3A_49 : vector<1x16xf32> to vector<16xf32>
      %swap3A_51 = vector.shape_cast %broadcast_in_dim3A_46 : vector<16xf32> to vector<1x16xf32>
      tpu.vector_store %arg8[%swap3A_47, %swap3A_48], %swap3A_51 {strides = array<i32>} : memref<16x128xf32, #tpu.memory_space<vmem>>, vector<1x16xf32>,
      %broadcast_in_dim3A_52 = arith.constant 0.000000e+00 : f32
      %broadcast_in_dim3A_53 = vector.broadcast %broadcast_in_dim3A_52 : f32 to vector<16xf32>
      %swap3A_54 = arith.index_cast %scan3A_32 : i32 to index
      %swap3A_55 = arith.constant 48 : index
      %swap3A_56 = tpu.vector_load %arg8[%swap3A_54, %swap3A_55] {strides = array<i32>} : memref<16x128xf32, #tpu.memory_space<vmem>>, vector<1x16xf32>,
      %swap3A_57 = vector.shape_cast %swap3A_56 : vector<1x16xf32> to vector<16xf32>
      %swap3A_58 = vector.shape_cast %broadcast_in_dim3A_53 : vector<16xf32> to vector<1x16xf32>
      tpu.vector_store %arg8[%swap3A_54, %swap3A_55], %swap3A_58 {strides = array<i32>} : memref<16x128xf32, #tpu.memory_space<vmem>>, vector<1x16xf32>,
      %broadcast_in_dim3A_59 = arith.constant 0.000000e+00 : f32
      %broadcast_in_dim3A_60 = vector.broadcast %broadcast_in_dim3A_59 : f32 to vector<16xf32>
      %swap3A_61 = arith.index_cast %scan3A_32 : i32 to index
      %swap3A_62 = arith.constant 64 : index
      %swap3A_63 = tpu.vector_load %arg8[%swap3A_61, %swap3A_62] {strides = array<i32>} : memref<16x128xf32, #tpu.memory_space<vmem>>, vector<1x16xf32>,
      %swap3A_64 = vector.shape_cast %swap3A_63 : vector<1x16xf32> to vector<16xf32>
      %swap3A_65 = vector.shape_cast %broadcast_in_dim3A_60 : vector<16xf32> to vector<1x16xf32>
      tpu.vector_store %arg8[%swap3A_61, %swap3A_62], %swap3A_65 {strides = array<i32>} : memref<16x128xf32, #tpu.memory_space<vmem>>, vector<1x16xf32>,
      %broadcast_in_dim3A_66 = arith.constant 0.000000e+00 : f32
      %broadcast_in_dim3A_67 = vector.broadcast %broadcast_in_dim3A_66 : f32 to vector<16xf32>
      %swap3A_68 = arith.index_cast %scan3A_32 : i32 to index
      %swap3A_69 = arith.constant 80 : index
      %swap3A_70 = tpu.vector_load %arg8[%swap3A_68, %swap3A_69] {strides = array<i32>} : memref<16x128xf32, #tpu.memory_space<vmem>>, vector<1x16xf32>,
      %swap3A_71 = vector.shape_cast %swap3A_70 : vector<1x16xf32> to vector<16xf32>
      %swap3A_72 = vector.shape_cast %broadcast_in_dim3A_67 : vector<16xf32> to vector<1x16xf32>
      tpu.vector_store %arg8[%swap3A_68, %swap3A_69], %swap3A_72 {strides = array<i32>} : memref<16x128xf32, #tpu.memory_space<vmem>>, vector<1x16xf32>,
      %broadcast_in_dim3A_73 = arith.constant 0.000000e+00 : f32
      %broadcast_in_dim3A_74 = vector.broadcast %broadcast_in_dim3A_73 : f32 to vector<16xf32>
      %swap3A_75 = arith.index_cast %scan3A_32 : i32 to index
      %swap3A_76 = arith.constant 96 : index
      %swap3A_77 = tpu.vector_load %arg8[%swap3A_75, %swap3A_76] {strides = array<i32>} : memref<16x128xf32, #tpu.memory_space<vmem>>, vector<1x16xf32>,
      %swap3A_78 = vector.shape_cast %swap3A_77 : vector<1x16xf32> to vector<16xf32>
      %swap3A_79 = vector.shape_cast %broadcast_in_dim3A_74 : vector<16xf32> to vector<1x16xf32>
      tpu.vector_store %arg8[%swap3A_75, %swap3A_76], %swap3A_79 {strides = array<i32>} : memref<16x128xf32, #tpu.memory_space<vmem>>, vector<1x16xf32>,
      %broadcast_in_dim3A_80 = arith.constant 0.000000e+00 : f32
      %broadcast_in_dim3A_81 = vector.broadcast %broadcast_in_dim3A_80 : f32 to vector<16xf32>
      %swap3A_82 = arith.index_cast %scan3A_32 : i32 to index
      %swap3A_83 = arith.constant 112 : index
      %swap3A_84 = tpu.vector_load %arg8[%swap3A_82, %swap3A_83] {strides = array<i32>} : memref<16x128xf32, #tpu.memory_space<vmem>>, vector<1x16xf32>,
      %swap3A_85 = vector.shape_cast %swap3A_84 : vector<1x16xf32> to vector<16xf32>
      %swap3A_86 = vector.shape_cast %broadcast_in_dim3A_81 : vector<16xf32> to vector<1x16xf32>
      tpu.vector_store %arg8[%swap3A_82, %swap3A_83], %swap3A_86 {strides = array<i32>} : memref<16x128xf32, #tpu.memory_space<vmem>>, vector<1x16xf32>,
    }
    %scan3A_8 = arith.constant 16 : i32
    %while3A = arith.constant 0 : i32
    %while3A_9 = arith.subi %select_n3A, %while3A : i32
    %while3A_10 = arith.addi %while3A, %while3A_9 : i32
    %while3A_11 = arith.constant 1 : i32
    %while3A_12 = arith.divsi %while3A_9, %while3A_11 : i32
    %while3A_13 = arith.muli %while3A_12, %while3A_11 : i32
    %while3A_14 = arith.addi %while3A, %while3A_13 : i32
    %while3A_15 = arith.constant 1 : i32
    scf.for %while3A_32 = %while3A to %while3A_14 step %while3A_15  : i32 {
      %mul3A_33 = arith.constant 16 : i32
      %mul3A_34 = arith.muli %while3A_32, %mul3A_33 : i32
      %add3A_35 = arith.addi %mul3A_2, %mul3A_34 : i32
      "tpu.region"() ({
        %run_scoped3A = tpu.sem_alloc : memref<!tpu.dma_semaphore, #tpu.memory_space<semaphore_mem>>
        %dma_start3A = arith.constant 0 : i32
        %dma_start3A_36 = tpu.memref_slice %arg7[%add3A_35, %dma_start3A] : memref<10000x128xf32, #tpu.memory_space<vmem_shared>> -> memref<16x128xf32, #tpu.memory_space<vmem_shared>>
        %dma_start3A_37 = arith.constant 0 : i32
        %dma_start3A_38 = tpu.memref_slice %arg7[%add3A_35, %dma_start3A_37] : memref<10000x128xf32, #tpu.memory_space<vmem_shared>> -> memref<16x128xf32, #tpu.memory_space<vmem_shared>>
        tpu.enqueue_dma source(%arg8 : memref<16x128xf32, #tpu.memory_space<vmem>>) target(%dma_start3A_38 : memref<16x128xf32, #tpu.memory_space<vmem_shared>>) target_semaphore(%run_scoped3A : memref<!tpu.dma_semaphore, #tpu.memory_space<semaphore_mem>>)
        %dma_wait3A = arith.constant 0 : i32
        %dma_wait3A_39 = tpu.memref_slice %arg7[%add3A_35, %dma_wait3A] : memref<10000x128xf32, #tpu.memory_space<vmem_shared>> -> memref<16x128xf32, #tpu.memory_space<vmem_shared>>
        %dma_wait3A_40 = arith.constant 0 : i32
        %dma_wait3A_41 = tpu.memref_slice %arg7[%add3A_35, %dma_wait3A_40] : memref<10000x128xf32, #tpu.memory_space<vmem_shared>> -> memref<16x128xf32, #tpu.memory_space<vmem_shared>>
        tpu.wait_dma2 semaphore(%run_scoped3A : memref<!tpu.dma_semaphore, #tpu.memory_space<semaphore_mem>>) src(%arg8 : memref<16x128xf32, #tpu.memory_space<vmem>>) dst(%dma_wait3A_41 : memref<16x128xf32, #tpu.memory_space<vmem_shared>>)
        tpu.yield
      }) : () -> ()
    }
    %while3A_16 = arith.constant 1 : i32
    scf.for %while3A_32 = %while3A_14 to %while3A_10 step %while3A_16  : i32 {
      %mul3A_33 = arith.constant 16 : i32
      %mul3A_34 = arith.muli %while3A_32, %mul3A_33 : i32
      %add3A_35 = arith.addi %mul3A_2, %mul3A_34 : i32
      "tpu.region"() ({
        %run_scoped3A = tpu.sem_alloc : memref<!tpu.dma_semaphore, #tpu.memory_space<semaphore_mem>>
        %dma_start3A = arith.constant 0 : i32
        %dma_start3A_36 = tpu.memref_slice %arg7[%add3A_35, %dma_start3A] : memref<10000x128xf32, #tpu.memory_space<vmem_shared>> -> memref<16x128xf32, #tpu.memory_space<vmem_shared>>
        %dma_start3A_37 = arith.constant 0 : i32
        %dma_start3A_38 = tpu.memref_slice %arg7[%add3A_35, %dma_start3A_37] : memref<10000x128xf32, #tpu.memory_space<vmem_shared>> -> memref<16x128xf32, #tpu.memory_space<vmem_shared>>
        tpu.enqueue_dma source(%arg8 : memref<16x128xf32, #tpu.memory_space<vmem>>) target(%dma_start3A_38 : memref<16x128xf32, #tpu.memory_space<vmem_shared>>) target_semaphore(%run_scoped3A : memref<!tpu.dma_semaphore, #tpu.memory_space<semaphore_mem>>)
        %dma_wait3A = arith.constant 0 : i32
        %dma_wait3A_39 = tpu.memref_slice %arg7[%add3A_35, %dma_wait3A] : memref<10000x128xf32, #tpu.memory_space<vmem_shared>> -> memref<16x128xf32, #tpu.memory_space<vmem_shared>>
        %dma_wait3A_40 = arith.constant 0 : i32
        %dma_wait3A_41 = tpu.memref_slice %arg7[%add3A_35, %dma_wait3A_40] : memref<10000x128xf32, #tpu.memory_space<vmem_shared>> -> memref<16x128xf32, #tpu.memory_space<vmem_shared>>
        tpu.wait_dma2 semaphore(%run_scoped3A : memref<!tpu.dma_semaphore, #tpu.memory_space<semaphore_mem>>) src(%arg8 : memref<16x128xf32, #tpu.memory_space<vmem>>) dst(%dma_wait3A_41 : memref<16x128xf32, #tpu.memory_space<vmem_shared>>)
        tpu.yield
      }) : () -> ()
    }
    %barrier3A = arith.constant 0 : index
    tpu.barrier barrier_id(%barrier3A)
    %scan3A_17 = arith.constant 0 : i32
    %scan3A_18 = arith.constant 79 : i32
    %scan3A_19 = arith.addi %scan3A_17, %scan3A_18 : i32
    %scan3A_20 = arith.constant 1 : i32
    scf.for %scan3A_32 = %scan3A_17 to %scan3A_19 step %scan3A_20  : i32 {
      %mul3A_33 = arith.constant 10112 : i32
      %mul3A_34 = arith.muli %add3A, %mul3A_33 : i32
      %mul3A_35 = arith.constant 128 : i32
      %mul3A_36 = arith.muli %scan3A_32, %mul3A_35 : i32
      %add3A_37 = arith.addi %mul3A_34, %mul3A_36 : i32
      "tpu.region"() ({
        %run_scoped3A = tpu.sem_alloc : memref<!tpu.dma_semaphore, #tpu.memory_space<semaphore_mem>>
        %dma_start3A_47 = tpu.memref_slice %arg3[%add3A_37] : memref<323584xi32, #tpu.memory_space<hbm>> -> memref<128xi32, #tpu.memory_space<hbm>>
        %dma_start3A_48 = tpu.memref_slice %arg3[%add3A_37] : memref<323584xi32, #tpu.memory_space<hbm>> -> memref<128xi32, #tpu.memory_space<hbm>>
        tpu.enqueue_dma source(%dma_start3A_48 : memref<128xi32, #tpu.memory_space<hbm>>) target(%arg9 : memref<128xi32, #tpu.memory_space<vmem>>) target_semaphore(%run_scoped3A : memref<!tpu.dma_semaphore, #tpu.memory_space<semaphore_mem>>)
        %dma_wait3A_49 = tpu.memref_slice %arg3[%add3A_37] : memref<323584xi32, #tpu.memory_space<hbm>> -> memref<128xi32, #tpu.memory_space<hbm>>
        %dma_wait3A_50 = tpu.memref_slice %arg3[%add3A_37] : memref<323584xi32, #tpu.memory_space<hbm>> -> memref<128xi32, #tpu.memory_space<hbm>>
        tpu.wait_dma2 semaphore(%run_scoped3A : memref<!tpu.dma_semaphore, #tpu.memory_space<semaphore_mem>>) src(%dma_wait3A_50 : memref<128xi32, #tpu.memory_space<hbm>>) dst(%arg9 : memref<128xi32, #tpu.memory_space<vmem>>)
        tpu.yield
      }) : () -> ()
      "tpu.region"() ({
        %run_scoped3A = tpu.sem_alloc : memref<!tpu.dma_semaphore, #tpu.memory_space<semaphore_mem>>
        %dma_start3A_47 = tpu.memref_slice %arg4[%add3A_37] : memref<323584xi32, #tpu.memory_space<hbm>> -> memref<128xi32, #tpu.memory_space<hbm>>
        %dma_start3A_48 = tpu.memref_slice %arg4[%add3A_37] : memref<323584xi32, #tpu.memory_space<hbm>> -> memref<128xi32, #tpu.memory_space<hbm>>
        tpu.enqueue_dma source(%dma_start3A_48 : memref<128xi32, #tpu.memory_space<hbm>>) target(%arg10 : memref<128xi32, #tpu.memory_space<vmem>>) target_semaphore(%run_scoped3A : memref<!tpu.dma_semaphore, #tpu.memory_space<semaphore_mem>>)
        %dma_wait3A_49 = tpu.memref_slice %arg4[%add3A_37] : memref<323584xi32, #tpu.memory_space<hbm>> -> memref<128xi32, #tpu.memory_space<hbm>>
        %dma_wait3A_50 = tpu.memref_slice %arg4[%add3A_37] : memref<323584xi32, #tpu.memory_space<hbm>> -> memref<128xi32, #tpu.memory_space<hbm>>
        tpu.wait_dma2 semaphore(%run_scoped3A : memref<!tpu.dma_semaphore, #tpu.memory_space<semaphore_mem>>) src(%dma_wait3A_50 : memref<128xi32, #tpu.memory_space<hbm>>) dst(%arg10 : memref<128xi32, #tpu.memory_space<vmem>>)
        tpu.yield
      }) : () -> ()
      "tpu.region"() ({
        %run_scoped3A = tpu.sem_alloc : memref<!tpu.dma_semaphore, #tpu.memory_space<semaphore_mem>>
        %dma_start3A_47 = tpu.memref_slice %arg5[%add3A_37] : memref<323584xf32, #tpu.memory_space<hbm>> -> memref<128xf32, #tpu.memory_space<hbm>>
        %dma_start3A_48 = tpu.memref_slice %arg5[%add3A_37] : memref<323584xf32, #tpu.memory_space<hbm>> -> memref<128xf32, #tpu.memory_space<hbm>>
        tpu.enqueue_dma source(%dma_start3A_48 : memref<128xf32, #tpu.memory_space<hbm>>) target(%arg11 : memref<128xf32, #tpu.memory_space<vmem>>) target_semaphore(%run_scoped3A : memref<!tpu.dma_semaphore, #tpu.memory_space<semaphore_mem>>)
        %dma_wait3A_49 = tpu.memref_slice %arg5[%add3A_37] : memref<323584xf32, #tpu.memory_space<hbm>> -> memref<128xf32, #tpu.memory_space<hbm>>
        %dma_wait3A_50 = tpu.memref_slice %arg5[%add3A_37] : memref<323584xf32, #tpu.memory_space<hbm>> -> memref<128xf32, #tpu.memory_space<hbm>>
        tpu.wait_dma2 semaphore(%run_scoped3A : memref<!tpu.dma_semaphore, #tpu.memory_space<semaphore_mem>>) src(%dma_wait3A_50 : memref<128xf32, #tpu.memory_space<hbm>>) dst(%arg11 : memref<128xf32, #tpu.memory_space<vmem>>)
        tpu.yield
      }) : () -> ()
      %dma_start3A = arith.constant 0 : i32
      %dma_start3A_38 = arith.constant 0 : i32
      %dma_start3A_39 = tpu.memref_slice %arg2[%dma_start3A, %dma_start3A_38] : memref<10000x128xf32, #tpu.memory_space<hbm>> -> memref<10000x128xf32, #tpu.memory_space<hbm>>
      tpu.enqueue_indirect_dma source(%dma_start3A_39 : memref<10000x128xf32, #tpu.memory_space<hbm>>) target(%arg12 : memref<128x128xf32, #tpu.memory_space<vmem>>) offsets(%arg9 : memref<128xi32, #tpu.memory_space<vmem>>) semaphore(%arg13 : memref<!tpu.dma_semaphore, #tpu.memory_space<semaphore_mem>>)
      %dma_wait3A = arith.constant 0 : i32
      %dma_wait3A_40 = arith.constant 0 : i32
      %dma_wait3A_41 = tpu.memref_slice %arg2[%dma_wait3A, %dma_wait3A_40] : memref<10000x128xf32, #tpu.memory_space<hbm>> -> memref<10000x128xf32, #tpu.memory_space<hbm>>
      tpu.wait_indirect_dma semaphore(%arg13 : memref<!tpu.dma_semaphore, #tpu.memory_space<semaphore_mem>>) src(%dma_wait3A_41 : memref<10000x128xf32, #tpu.memory_space<hbm>>) dst(%arg12 : memref<128x128xf32, #tpu.memory_space<vmem>>)
      %scan3A_42 = arith.constant 0 : i32
      %scan3A_43 = arith.constant 8 : i32
      %scan3A_44 = arith.addi %scan3A_42, %scan3A_43 : i32
      %scan3A_45 = arith.constant 1 : i32
      scf.for %scan3A_47 = %scan3A_42 to %scan3A_44 step %scan3A_45  : i32 {
        %mul3A_48 = arith.constant 16 : i32
        %mul3A_49 = arith.muli %scan3A_47, %mul3A_48 : i32
        %get3A = arith.index_cast %mul3A_49 : i32 to index
        %get3A_50 = tpu.vector_load %arg11[%get3A] {strides = array<i32>} : memref<128xf32, #tpu.memory_space<vmem>>, vector<16xf32>,
        %get3A_51 = vector.shape_cast %get3A_50 : vector<16xf32> to vector<16xf32>
        %mul3A_52 = arith.constant 16 : i32
        %mul3A_53 = arith.muli %scan3A_47, %mul3A_52 : i32
        %add3A_54 = arith.constant 0 : i32
        %add3A_55 = arith.addi %mul3A_53, %add3A_54 : i32
        %slice3A = vector.extract_strided_slice %get3A_51 {offsets = [0], sizes = [1], strides = [1]} : vector<16xf32> to vector<1xf32>
        %squeeze3A = vector.extract %slice3A[0] : f32 from vector<1xf32>
        %get3A_56 = arith.index_cast %add3A_55 : i32 to index
        %get3A_57 = arith.constant 0 : index
        %get3A_58 = tpu.vector_load %arg12[%get3A_56, %get3A_57] {strides = array<i32>} : memref<128x128xf32, #tpu.memory_space<vmem>>, vector<1x16xf32>,
        %get3A_59 = vector.shape_cast %get3A_58 : vector<1x16xf32> to vector<16xf32>
        %mul3A_60 = vector.broadcast %squeeze3A : f32 to vector<16xf32>
        %mul3A_61 = arith.mulf %get3A_59, %mul3A_60 : vector<16xf32>
        %swap3A = arith.index_cast %add3A_55 : i32 to index
        %swap3A_62 = arith.constant 0 : index
        %swap3A_63 = tpu.vector_load %arg12[%swap3A, %swap3A_62] {strides = array<i32>} : memref<128x128xf32, #tpu.memory_space<vmem>>, vector<1x16xf32>,
        %swap3A_64 = vector.shape_cast %swap3A_63 : vector<1x16xf32> to vector<16xf32>
        %swap3A_65 = vector.shape_cast %mul3A_61 : vector<16xf32> to vector<1x16xf32>
        tpu.vector_store %arg12[%swap3A, %swap3A_62], %swap3A_65 {strides = array<i32>} : memref<128x128xf32, #tpu.memory_space<vmem>>, vector<1x16xf32>,
        %get3A_66 = arith.index_cast %add3A_55 : i32 to index
        %get3A_67 = arith.constant 16 : index
        %get3A_68 = tpu.vector_load %arg12[%get3A_66, %get3A_67] {strides = array<i32>} : memref<128x128xf32, #tpu.memory_space<vmem>>, vector<1x16xf32>,
        %get3A_69 = vector.shape_cast %get3A_68 : vector<1x16xf32> to vector<16xf32>
        %mul3A_70 = vector.broadcast %squeeze3A : f32 to vector<16xf32>
        %mul3A_71 = arith.mulf %get3A_69, %mul3A_70 : vector<16xf32>
        %swap3A_72 = arith.index_cast %add3A_55 : i32 to index
        %swap3A_73 = arith.constant 16 : index
        %swap3A_74 = tpu.vector_load %arg12[%swap3A_72, %swap3A_73] {strides = array<i32>} : memref<128x128xf32, #tpu.memory_space<vmem>>, vector<1x16xf32>,
        %swap3A_75 = vector.shape_cast %swap3A_74 : vector<1x16xf32> to vector<16xf32>
        %swap3A_76 = vector.shape_cast %mul3A_71 : vector<16xf32> to vector<1x16xf32>
        tpu.vector_store %arg12[%swap3A_72, %swap3A_73], %swap3A_76 {strides = array<i32>} : memref<128x128xf32, #tpu.memory_space<vmem>>, vector<1x16xf32>,
        %get3A_77 = arith.index_cast %add3A_55 : i32 to index
        %get3A_78 = arith.constant 32 : index
        %get3A_79 = tpu.vector_load %arg12[%get3A_77, %get3A_78] {strides = array<i32>} : memref<128x128xf32, #tpu.memory_space<vmem>>, vector<1x16xf32>,
        %get3A_80 = vector.shape_cast %get3A_79 : vector<1x16xf32> to vector<16xf32>
        %mul3A_81 = vector.broadcast %squeeze3A : f32 to vector<16xf32>
        %mul3A_82 = arith.mulf %get3A_80, %mul3A_81 : vector<16xf32>
        %swap3A_83 = arith.index_cast %add3A_55 : i32 to index
        %swap3A_84 = arith.constant 32 : index
        %swap3A_85 = tpu.vector_load %arg12[%swap3A_83, %swap3A_84] {strides = array<i32>} : memref<128x128xf32, #tpu.memory_space<vmem>>, vector<1x16xf32>,
        %swap3A_86 = vector.shape_cast %swap3A_85 : vector<1x16xf32> to vector<16xf32>
        %swap3A_87 = vector.shape_cast %mul3A_82 : vector<16xf32> to vector<1x16xf32>
        tpu.vector_store %arg12[%swap3A_83, %swap3A_84], %swap3A_87 {strides = array<i32>} : memref<128x128xf32, #tpu.memory_space<vmem>>, vector<1x16xf32>,
        %get3A_88 = arith.index_cast %add3A_55 : i32 to index
        %get3A_89 = arith.constant 48 : index
        %get3A_90 = tpu.vector_load %arg12[%get3A_88, %get3A_89] {strides = array<i32>} : memref<128x128xf32, #tpu.memory_space<vmem>>, vector<1x16xf32>,
        %get3A_91 = vector.shape_cast %get3A_90 : vector<1x16xf32> to vector<16xf32>
        %mul3A_92 = vector.broadcast %squeeze3A : f32 to vector<16xf32>
        %mul3A_93 = arith.mulf %get3A_91, %mul3A_92 : vector<16xf32>
        %swap3A_94 = arith.index_cast %add3A_55 : i32 to index
        %swap3A_95 = arith.constant 48 : index
        %swap3A_96 = tpu.vector_load %arg12[%swap3A_94, %swap3A_95] {strides = array<i32>} : memref<128x128xf32, #tpu.memory_space<vmem>>, vector<1x16xf32>,
        %swap3A_97 = vector.shape_cast %swap3A_96 : vector<1x16xf32> to vector<16xf32>
        %swap3A_98 = vector.shape_cast %mul3A_93 : vector<16xf32> to vector<1x16xf32>
        tpu.vector_store %arg12[%swap3A_94, %swap3A_95], %swap3A_98 {strides = array<i32>} : memref<128x128xf32, #tpu.memory_space<vmem>>, vector<1x16xf32>,
        %get3A_99 = arith.index_cast %add3A_55 : i32 to index
        %get3A_100 = arith.constant 64 : index
        %get3A_101 = tpu.vector_load %arg12[%get3A_99, %get3A_100] {strides = array<i32>} : memref<128x128xf32, #tpu.memory_space<vmem>>, vector<1x16xf32>,
        %get3A_102 = vector.shape_cast %get3A_101 : vector<1x16xf32> to vector<16xf32>
        %mul3A_103 = vector.broadcast %squeeze3A : f32 to vector<16xf32>
        %mul3A_104 = arith.mulf %get3A_102, %mul3A_103 : vector<16xf32>
        %swap3A_105 = arith.index_cast %add3A_55 : i32 to index
        %swap3A_106 = arith.constant 64 : index
        %swap3A_107 = tpu.vector_load %arg12[%swap3A_105, %swap3A_106] {strides = array<i32>} : memref<128x128xf32, #tpu.memory_space<vmem>>, vector<1x16xf32>,
        %swap3A_108 = vector.shape_cast %swap3A_107 : vector<1x16xf32> to vector<16xf32>
        %swap3A_109 = vector.shape_cast %mul3A_104 : vector<16xf32> to vector<1x16xf32>
        tpu.vector_store %arg12[%swap3A_105, %swap3A_106], %swap3A_109 {strides = array<i32>} : memref<128x128xf32, #tpu.memory_space<vmem>>, vector<1x16xf32>,
        %get3A_110 = arith.index_cast %add3A_55 : i32 to index
        %get3A_111 = arith.constant 80 : index
        %get3A_112 = tpu.vector_load %arg12[%get3A_110, %get3A_111] {strides = array<i32>} : memref<128x128xf32, #tpu.memory_space<vmem>>, vector<1x16xf32>,
        %get3A_113 = vector.shape_cast %get3A_112 : vector<1x16xf32> to vector<16xf32>
        %mul3A_114 = vector.broadcast %squeeze3A : f32 to vector<16xf32>
        %mul3A_115 = arith.mulf %get3A_113, %mul3A_114 : vector<16xf32>
        %swap3A_116 = arith.index_cast %add3A_55 : i32 to index
        %swap3A_117 = arith.constant 80 : index
        %swap3A_118 = tpu.vector_load %arg12[%swap3A_116, %swap3A_117] {strides = array<i32>} : memref<128x128xf32, #tpu.memory_space<vmem>>, vector<1x16xf32>,
        %swap3A_119 = vector.shape_cast %swap3A_118 : vector<1x16xf32> to vector<16xf32>
        %swap3A_120 = vector.shape_cast %mul3A_115 : vector<16xf32> to vector<1x16xf32>
        tpu.vector_store %arg12[%swap3A_116, %swap3A_117], %swap3A_120 {strides = array<i32>} : memref<128x128xf32, #tpu.memory_space<vmem>>, vector<1x16xf32>,
        %get3A_121 = arith.index_cast %add3A_55 : i32 to index
        %get3A_122 = arith.constant 96 : index
        %get3A_123 = tpu.vector_load %arg12[%get3A_121, %get3A_122] {strides = array<i32>} : memref<128x128xf32, #tpu.memory_space<vmem>>, vector<1x16xf32>,
        %get3A_124 = vector.shape_cast %get3A_123 : vector<1x16xf32> to vector<16xf32>
        %mul3A_125 = vector.broadcast %squeeze3A : f32 to vector<16xf32>
        %mul3A_126 = arith.mulf %get3A_124, %mul3A_125 : vector<16xf32>
        %swap3A_127 = arith.index_cast %add3A_55 : i32 to index
        %swap3A_128 = arith.constant 96 : index
        %swap3A_129 = tpu.vector_load %arg12[%swap3A_127, %swap3A_128] {strides = array<i32>} : memref<128x128xf32, #tpu.memory_space<vmem>>, vector<1x16xf32>,
        %swap3A_130 = vector.shape_cast %swap3A_129 : vector<1x16xf32> to vector<16xf32>
        %swap3A_131 = vector.shape_cast %mul3A_126 : vector<16xf32> to vector<1x16xf32>
        tpu.vector_store %arg12[%swap3A_127, %swap3A_128], %swap3A_131 {strides = array<i32>} : memref<128x128xf32, #tpu.memory_space<vmem>>, vector<1x16xf32>,
        %get3A_132 = arith.index_cast %add3A_55 : i32 to index
        %get3A_133 = arith.constant 112 : index
        %get3A_134 = tpu.vector_load %arg12[%get3A_132, %get3A_133] {strides = array<i32>} : memref<128x128xf32, #tpu.memory_space<vmem>>, vector<1x16xf32>,
        %get3A_135 = vector.shape_cast %get3A_134 : vector<1x16xf32> to vector<16xf32>
        %mul3A_136 = vector.broadcast %squeeze3A : f32 to vector<16xf32>
        %mul3A_137 = arith.mulf %get3A_135, %mul3A_136 : vector<16xf32>
        %swap3A_138 = arith.index_cast %add3A_55 : i32 to index
        %swap3A_139 = arith.constant 112 : index
        %swap3A_140 = tpu.vector_load %arg12[%swap3A_138, %swap3A_139] {strides = array<i32>} : memref<128x128xf32, #tpu.memory_space<vmem>>, vector<1x16xf32>,
        %swap3A_141 = vector.shape_cast %swap3A_140 : vector<1x16xf32> to vector<16xf32>
        %swap3A_142 = vector.shape_cast %mul3A_137 : vector<16xf32> to vector<1x16xf32>
        tpu.vector_store %arg12[%swap3A_138, %swap3A_139], %swap3A_142 {strides = array<i32>} : memref<128x128xf32, #tpu.memory_space<vmem>>, vector<1x16xf32>,
        %mul3A_143 = arith.constant 16 : i32
        %mul3A_144 = arith.muli %scan3A_47, %mul3A_143 : i32
        %add3A_145 = arith.constant 1 : i32
        %add3A_146 = arith.addi %mul3A_144, %add3A_145 : i32
        %slice3A_147 = vector.extract_strided_slice %get3A_51 {offsets = [1], sizes = [1], strides = [1]} : vector<16xf32> to vector<1xf32>
        %squeeze3A_148 = vector.extract %slice3A_147[0] : f32 from vector<1xf32>
        %get3A_149 = arith.index_cast %add3A_146 : i32 to index
        %get3A_150 = arith.constant 0 : index
        %get3A_151 = tpu.vector_load %arg12[%get3A_149, %get3A_150] {strides = array<i32>} : memref<128x128xf32, #tpu.memory_space<vmem>>, vector<1x16xf32>,
        %get3A_152 = vector.shape_cast %get3A_151 : vector<1x16xf32> to vector<16xf32>
        %mul3A_153 = vector.broadcast %squeeze3A_148 : f32 to vector<16xf32>
        %mul3A_154 = arith.mulf %get3A_152, %mul3A_153 : vector<16xf32>
        %swap3A_155 = arith.index_cast %add3A_146 : i32 to index
        %swap3A_156 = arith.constant 0 : index
        %swap3A_157 = tpu.vector_load %arg12[%swap3A_155, %swap3A_156] {strides = array<i32>} : memref<128x128xf32, #tpu.memory_space<vmem>>, vector<1x16xf32>,
        %swap3A_158 = vector.shape_cast %swap3A_157 : vector<1x16xf32> to vector<16xf32>
        %swap3A_159 = vector.shape_cast %mul3A_154 : vector<16xf32> to vector<1x16xf32>
        tpu.vector_store %arg12[%swap3A_155, %swap3A_156], %swap3A_159 {strides = array<i32>} : memref<128x128xf32, #tpu.memory_space<vmem>>, vector<1x16xf32>,
        %get3A_160 = arith.index_cast %add3A_146 : i32 to index
        %get3A_161 = arith.constant 16 : index
        %get3A_162 = tpu.vector_load %arg12[%get3A_160, %get3A_161] {strides = array<i32>} : memref<128x128xf32, #tpu.memory_space<vmem>>, vector<1x16xf32>,
        %get3A_163 = vector.shape_cast %get3A_162 : vector<1x16xf32> to vector<16xf32>
        %mul3A_164 = vector.broadcast %squeeze3A_148 : f32 to vector<16xf32>
        %mul3A_165 = arith.mulf %get3A_163, %mul3A_164 : vector<16xf32>
        %swap3A_166 = arith.index_cast %add3A_146 : i32 to index
        %swap3A_167 = arith.constant 16 : index
        %swap3A_168 = tpu.vector_load %arg12[%swap3A_166, %swap3A_167] {strides = array<i32>} : memref<128x128xf32, #tpu.memory_space<vmem>>, vector<1x16xf32>,
        %swap3A_169 = vector.shape_cast %swap3A_168 : vector<1x16xf32> to vector<16xf32>
        %swap3A_170 = vector.shape_cast %mul3A_165 : vector<16xf32> to vector<1x16xf32>
        tpu.vector_store %arg12[%swap3A_166, %swap3A_167], %swap3A_170 {strides = array<i32>} : memref<128x128xf32, #tpu.memory_space<vmem>>, vector<1x16xf32>,
        %get3A_171 = arith.index_cast %add3A_146 : i32 to index
        %get3A_172 = arith.constant 32 : index
        %get3A_173 = tpu.vector_load %arg12[%get3A_171, %get3A_172] {strides = array<i32>} : memref<128x128xf32, #tpu.memory_space<vmem>>, vector<1x16xf32>,
        %get3A_174 = vector.shape_cast %get3A_173 : vector<1x16xf32> to vector<16xf32>
        %mul3A_175 = vector.broadcast %squeeze3A_148 : f32 to vector<16xf32>
        %mul3A_176 = arith.mulf %get3A_174, %mul3A_175 : vector<16xf32>
        %swap3A_177 = arith.index_cast %add3A_146 : i32 to index
        %swap3A_178 = arith.constant 32 : index
        %swap3A_179 = tpu.vector_load %arg12[%swap3A_177, %swap3A_178] {strides = array<i32>} : memref<128x128xf32, #tpu.memory_space<vmem>>, vector<1x16xf32>,
        %swap3A_180 = vector.shape_cast %swap3A_179 : vector<1x16xf32> to vector<16xf32>
        %swap3A_181 = vector.shape_cast %mul3A_176 : vector<16xf32> to vector<1x16xf32>
        tpu.vector_store %arg12[%swap3A_177, %swap3A_178], %swap3A_181 {strides = array<i32>} : memref<128x128xf32, #tpu.memory_space<vmem>>, vector<1x16xf32>,
        %get3A_182 = arith.index_cast %add3A_146 : i32 to index
        %get3A_183 = arith.constant 48 : index
        %get3A_184 = tpu.vector_load %arg12[%get3A_182, %get3A_183] {strides = array<i32>} : memref<128x128xf32, #tpu.memory_space<vmem>>, vector<1x16xf32>,
        %get3A_185 = vector.shape_cast %get3A_184 : vector<1x16xf32> to vector<16xf32>
        %mul3A_186 = vector.broadcast %squeeze3A_148 : f32 to vector<16xf32>
        %mul3A_187 = arith.mulf %get3A_185, %mul3A_186 : vector<16xf32>
        %swap3A_188 = arith.index_cast %add3A_146 : i32 to index
        %swap3A_189 = arith.constant 48 : index
        %swap3A_190 = tpu.vector_load %arg12[%swap3A_188, %swap3A_189] {strides = array<i32>} : memref<128x128xf32, #tpu.memory_space<vmem>>, vector<1x16xf32>,
        %swap3A_191 = vector.shape_cast %swap3A_190 : vector<1x16xf32> to vector<16xf32>
        %swap3A_192 = vector.shape_cast %mul3A_187 : vector<16xf32> to vector<1x16xf32>
        tpu.vector_store %arg12[%swap3A_188, %swap3A_189], %swap3A_192 {strides = array<i32>} : memref<128x128xf32, #tpu.memory_space<vmem>>, vector<1x16xf32>,
        %get3A_193 = arith.index_cast %add3A_146 : i32 to index
        %get3A_194 = arith.constant 64 : index
        %get3A_195 = tpu.vector_load %arg12[%get3A_193, %get3A_194] {strides = array<i32>} : memref<128x128xf32, #tpu.memory_space<vmem>>, vector<1x16xf32>,
        %get3A_196 = vector.shape_cast %get3A_195 : vector<1x16xf32> to vector<16xf32>
        %mul3A_197 = vector.broadcast %squeeze3A_148 : f32 to vector<16xf32>
        %mul3A_198 = arith.mulf %get3A_196, %mul3A_197 : vector<16xf32>
        %swap3A_199 = arith.index_cast %add3A_146 : i32 to index
        %swap3A_200 = arith.constant 64 : index
        %swap3A_201 = tpu.vector_load %arg12[%swap3A_199, %swap3A_200] {strides = array<i32>} : memref<128x128xf32, #tpu.memory_space<vmem>>, vector<1x16xf32>,
        %swap3A_202 = vector.shape_cast %swap3A_201 : vector<1x16xf32> to vector<16xf32>
        %swap3A_203 = vector.shape_cast %mul3A_198 : vector<16xf32> to vector<1x16xf32>
        tpu.vector_store %arg12[%swap3A_199, %swap3A_200], %swap3A_203 {strides = array<i32>} : memref<128x128xf32, #tpu.memory_space<vmem>>, vector<1x16xf32>,
        %get3A_204 = arith.index_cast %add3A_146 : i32 to index
        %get3A_205 = arith.constant 80 : index
        %get3A_206 = tpu.vector_load %arg12[%get3A_204, %get3A_205] {strides = array<i32>} : memref<128x128xf32, #tpu.memory_space<vmem>>, vector<1x16xf32>,
        %get3A_207 = vector.shape_cast %get3A_206 : vector<1x16xf32> to vector<16xf32>
        %mul3A_208 = vector.broadcast %squeeze3A_148 : f32 to vector<16xf32>
        %mul3A_209 = arith.mulf %get3A_207, %mul3A_208 : vector<16xf32>
        %swap3A_210 = arith.index_cast %add3A_146 : i32 to index
        %swap3A_211 = arith.constant 80 : index
        %swap3A_212 = tpu.vector_load %arg12[%swap3A_210, %swap3A_211] {strides = array<i32>} : memref<128x128xf32, #tpu.memory_space<vmem>>, vector<1x16xf32>,
        %swap3A_213 = vector.shape_cast %swap3A_212 : vector<1x16xf32> to vector<16xf32>
        %swap3A_214 = vector.shape_cast %mul3A_209 : vector<16xf32> to vector<1x16xf32>
        tpu.vector_store %arg12[%swap3A_210, %swap3A_211], %swap3A_214 {strides = array<i32>} : memref<128x128xf32, #tpu.memory_space<vmem>>, vector<1x16xf32>,
        %get3A_215 = arith.index_cast %add3A_146 : i32 to index
        %get3A_216 = arith.constant 96 : index
        %get3A_217 = tpu.vector_load %arg12[%get3A_215, %get3A_216] {strides = array<i32>} : memref<128x128xf32, #tpu.memory_space<vmem>>, vector<1x16xf32>,
        %get3A_218 = vector.shape_cast %get3A_217 : vector<1x16xf32> to vector<16xf32>
        %mul3A_219 = vector.broadcast %squeeze3A_148 : f32 to vector<16xf32>
        %mul3A_220 = arith.mulf %get3A_218, %mul3A_219 : vector<16xf32>
        %swap3A_221 = arith.index_cast %add3A_146 : i32 to index
        %swap3A_222 = arith.constant 96 : index
        %swap3A_223 = tpu.vector_load %arg12[%swap3A_221, %swap3A_222] {strides = array<i32>} : memref<128x128xf32, #tpu.memory_space<vmem>>, vector<1x16xf32>,
        %swap3A_224 = vector.shape_cast %swap3A_223 : vector<1x16xf32> to vector<16xf32>
        %swap3A_225 = vector.shape_cast %mul3A_220 : vector<16xf32> to vector<1x16xf32>
        tpu.vector_store %arg12[%swap3A_221, %swap3A_222], %swap3A_225 {strides = array<i32>} : memref<128x128xf32, #tpu.memory_space<vmem>>, vector<1x16xf32>,
        %get3A_226 = arith.index_cast %add3A_146 : i32 to index
        %get3A_227 = arith.constant 112 : index
        %get3A_228 = tpu.vector_load %arg12[%get3A_226, %get3A_227] {strides = array<i32>} : memref<128x128xf32, #tpu.memory_space<vmem>>, vector<1x16xf32>,
        %get3A_229 = vector.shape_cast %get3A_228 : vector<1x16xf32> to vector<16xf32>
        %mul3A_230 = vector.broadcast %squeeze3A_148 : f32 to vector<16xf32>
        %mul3A_231 = arith.mulf %get3A_229, %mul3A_230 : vector<16xf32>
        %swap3A_232 = arith.index_cast %add3A_146 : i32 to index
        %swap3A_233 = arith.constant 112 : index
        %swap3A_234 = tpu.vector_load %arg12[%swap3A_232, %swap3A_233] {strides = array<i32>} : memref<128x128xf32, #tpu.memory_space<vmem>>, vector<1x16xf32>,
        %swap3A_235 = vector.shape_cast %swap3A_234 : vector<1x16xf32> to vector<16xf32>
        %swap3A_236 = vector.shape_cast %mul3A_231 : vector<16xf32> to vector<1x16xf32>
        tpu.vector_store %arg12[%swap3A_232, %swap3A_233], %swap3A_236 {strides = array<i32>} : memref<128x128xf32, #tpu.memory_space<vmem>>, vector<1x16xf32>,
        %mul3A_237 = arith.constant 16 : i32
        %mul3A_238 = arith.muli %scan3A_47, %mul3A_237 : i32
        %add3A_239 = arith.constant 2 : i32
        %add3A_240 = arith.addi %mul3A_238, %add3A_239 : i32
        %slice3A_241 = vector.extract_strided_slice %get3A_51 {offsets = [2], sizes = [1], strides = [1]} : vector<16xf32> to vector<1xf32>
        %squeeze3A_242 = vector.extract %slice3A_241[0] : f32 from vector<1xf32>
        %get3A_243 = arith.index_cast %add3A_240 : i32 to index
        %get3A_244 = arith.constant 0 : index
        %get3A_245 = tpu.vector_load %arg12[%get3A_243, %get3A_244] {strides = array<i32>} : memref<128x128xf32, #tpu.memory_space<vmem>>, vector<1x16xf32>,
        %get3A_246 = vector.shape_cast %get3A_245 : vector<1x16xf32> to vector<16xf32>
        %mul3A_247 = vector.broadcast %squeeze3A_242 : f32 to vector<16xf32>
        %mul3A_248 = arith.mulf %get3A_246, %mul3A_247 : vector<16xf32>
        %swap3A_249 = arith.index_cast %add3A_240 : i32 to index
        %swap3A_250 = arith.constant 0 : index
        %swap3A_251 = tpu.vector_load %arg12[%swap3A_249, %swap3A_250] {strides = array<i32>} : memref<128x128xf32, #tpu.memory_space<vmem>>, vector<1x16xf32>,
        %swap3A_252 = vector.shape_cast %swap3A_251 : vector<1x16xf32> to vector<16xf32>
        %swap3A_253 = vector.shape_cast %mul3A_248 : vector<16xf32> to vector<1x16xf32>
        tpu.vector_store %arg12[%swap3A_249, %swap3A_250], %swap3A_253 {strides = array<i32>} : memref<128x128xf32, #tpu.memory_space<vmem>>, vector<1x16xf32>,
        %get3A_254 = arith.index_cast %add3A_240 : i32 to index
        %get3A_255 = arith.constant 16 : index
        %get3A_256 = tpu.vector_load %arg12[%get3A_254, %get3A_255] {strides = array<i32>} : memref<128x128xf32, #tpu.memory_space<vmem>>, vector<1x16xf32>,
        %get3A_257 = vector.shape_cast %get3A_256 : vector<1x16xf32> to vector<16xf32>
        %mul3A_258 = vector.broadcast %squeeze3A_242 : f32 to vector<16xf32>
        %mul3A_259 = arith.mulf %get3A_257, %mul3A_258 : vector<16xf32>
        %swap3A_260 = arith.index_cast %add3A_240 : i32 to index
        %swap3A_261 = arith.constant 16 : index
        %swap3A_262 = tpu.vector_load %arg12[%swap3A_260, %swap3A_261] {strides = array<i32>} : memref<128x128xf32, #tpu.memory_space<vmem>>, vector<1x16xf32>,
        %swap3A_263 = vector.shape_cast %swap3A_262 : vector<1x16xf32> to vector<16xf32>
        %swap3A_264 = vector.shape_cast %mul3A_259 : vector<16xf32> to vector<1x16xf32>
        tpu.vector_store %arg12[%swap3A_260, %swap3A_261], %swap3A_264 {strides = array<i32>} : memref<128x128xf32, #tpu.memory_space<vmem>>, vector<1x16xf32>,
        %get3A_265 = arith.index_cast %add3A_240 : i32 to index
        %get3A_266 = arith.constant 32 : index
        %get3A_267 = tpu.vector_load %arg12[%get3A_265, %get3A_266] {strides = array<i32>} : memref<128x128xf32, #tpu.memory_space<vmem>>, vector<1x16xf32>,
        %get3A_268 = vector.shape_cast %get3A_267 : vector<1x16xf32> to vector<16xf32>
        %mul3A_269 = vector.broadcast %squeeze3A_242 : f32 to vector<16xf32>
        %mul3A_270 = arith.mulf %get3A_268, %mul3A_269 : vector<16xf32>
        %swap3A_271 = arith.index_cast %add3A_240 : i32 to index
        %swap3A_272 = arith.constant 32 : index
        %swap3A_273 = tpu.vector_load %arg12[%swap3A_271, %swap3A_272] {strides = array<i32>} : memref<128x128xf32, #tpu.memory_space<vmem>>, vector<1x16xf32>,
        %swap3A_274 = vector.shape_cast %swap3A_273 : vector<1x16xf32> to vector<16xf32>
        %swap3A_275 = vector.shape_cast %mul3A_270 : vector<16xf32> to vector<1x16xf32>
        tpu.vector_store %arg12[%swap3A_271, %swap3A_272], %swap3A_275 {strides = array<i32>} : memref<128x128xf32, #tpu.memory_space<vmem>>, vector<1x16xf32>,
        %get3A_276 = arith.index_cast %add3A_240 : i32 to index
        %get3A_277 = arith.constant 48 : index
        %get3A_278 = tpu.vector_load %arg12[%get3A_276, %get3A_277] {strides = array<i32>} : memref<128x128xf32, #tpu.memory_space<vmem>>, vector<1x16xf32>,
        %get3A_279 = vector.shape_cast %get3A_278 : vector<1x16xf32> to vector<16xf32>
        %mul3A_280 = vector.broadcast %squeeze3A_242 : f32 to vector<16xf32>
        %mul3A_281 = arith.mulf %get3A_279, %mul3A_280 : vector<16xf32>
        %swap3A_282 = arith.index_cast %add3A_240 : i32 to index
        %swap3A_283 = arith.constant 48 : index
        %swap3A_284 = tpu.vector_load %arg12[%swap3A_282, %swap3A_283] {strides = array<i32>} : memref<128x128xf32, #tpu.memory_space<vmem>>, vector<1x16xf32>,
        %swap3A_285 = vector.shape_cast %swap3A_284 : vector<1x16xf32> to vector<16xf32>
        %swap3A_286 = vector.shape_cast %mul3A_281 : vector<16xf32> to vector<1x16xf32>
        tpu.vector_store %arg12[%swap3A_282, %swap3A_283], %swap3A_286 {strides = array<i32>} : memref<128x128xf32, #tpu.memory_space<vmem>>, vector<1x16xf32>,
        %get3A_287 = arith.index_cast %add3A_240 : i32 to index
        %get3A_288 = arith.constant 64 : index
        %get3A_289 = tpu.vector_load %arg12[%get3A_287, %get3A_288] {strides = array<i32>} : memref<128x128xf32, #tpu.memory_space<vmem>>, vector<1x16xf32>,
        %get3A_290 = vector.shape_cast %get3A_289 : vector<1x16xf32> to vector<16xf32>
        %mul3A_291 = vector.broadcast %squeeze3A_242 : f32 to vector<16xf32>
        %mul3A_292 = arith.mulf %get3A_290, %mul3A_291 : vector<16xf32>
        %swap3A_293 = arith.index_cast %add3A_240 : i32 to index
        %swap3A_294 = arith.constant 64 : index
        %swap3A_295 = tpu.vector_load %arg12[%swap3A_293, %swap3A_294] {strides = array<i32>} : memref<128x128xf32, #tpu.memory_space<vmem>>, vector<1x16xf32>,
        %swap3A_296 = vector.shape_cast %swap3A_295 : vector<1x16xf32> to vector<16xf32>
        %swap3A_297 = vector.shape_cast %mul3A_292 : vector<16xf32> to vector<1x16xf32>
        tpu.vector_store %arg12[%swap3A_293, %swap3A_294], %swap3A_297 {strides = array<i32>} : memref<128x128xf32, #tpu.memory_space<vmem>>, vector<1x16xf32>,
        %get3A_298 = arith.index_cast %add3A_240 : i32 to index
        %get3A_299 = arith.constant 80 : index
        %get3A_300 = tpu.vector_load %arg12[%get3A_298, %get3A_299] {strides = array<i32>} : memref<128x128xf32, #tpu.memory_space<vmem>>, vector<1x16xf32>,
        %get3A_301 = vector.shape_cast %get3A_300 : vector<1x16xf32> to vector<16xf32>
        %mul3A_302 = vector.broadcast %squeeze3A_242 : f32 to vector<16xf32>
        %mul3A_303 = arith.mulf %get3A_301, %mul3A_302 : vector<16xf32>
        %swap3A_304 = arith.index_cast %add3A_240 : i32 to index
        %swap3A_305 = arith.constant 80 : index
        %swap3A_306 = tpu.vector_load %arg12[%swap3A_304, %swap3A_305] {strides = array<i32>} : memref<128x128xf32, #tpu.memory_space<vmem>>, vector<1x16xf32>,
        %swap3A_307 = vector.shape_cast %swap3A_306 : vector<1x16xf32> to vector<16xf32>
        %swap3A_308 = vector.shape_cast %mul3A_303 : vector<16xf32> to vector<1x16xf32>
        tpu.vector_store %arg12[%swap3A_304, %swap3A_305], %swap3A_308 {strides = array<i32>} : memref<128x128xf32, #tpu.memory_space<vmem>>, vector<1x16xf32>,
        %get3A_309 = arith.index_cast %add3A_240 : i32 to index
        %get3A_310 = arith.constant 96 : index
        %get3A_311 = tpu.vector_load %arg12[%get3A_309, %get3A_310] {strides = array<i32>} : memref<128x128xf32, #tpu.memory_space<vmem>>, vector<1x16xf32>,
        %get3A_312 = vector.shape_cast %get3A_311 : vector<1x16xf32> to vector<16xf32>
        %mul3A_313 = vector.broadcast %squeeze3A_242 : f32 to vector<16xf32>
        %mul3A_314 = arith.mulf %get3A_312, %mul3A_313 : vector<16xf32>
        %swap3A_315 = arith.index_cast %add3A_240 : i32 to index
        %swap3A_316 = arith.constant 96 : index
        %swap3A_317 = tpu.vector_load %arg12[%swap3A_315, %swap3A_316] {strides = array<i32>} : memref<128x128xf32, #tpu.memory_space<vmem>>, vector<1x16xf32>,
        %swap3A_318 = vector.shape_cast %swap3A_317 : vector<1x16xf32> to vector<16xf32>
        %swap3A_319 = vector.shape_cast %mul3A_314 : vector<16xf32> to vector<1x16xf32>
        tpu.vector_store %arg12[%swap3A_315, %swap3A_316], %swap3A_319 {strides = array<i32>} : memref<128x128xf32, #tpu.memory_space<vmem>>, vector<1x16xf32>,
        %get3A_320 = arith.index_cast %add3A_240 : i32 to index
        %get3A_321 = arith.constant 112 : index
        %get3A_322 = tpu.vector_load %arg12[%get3A_320, %get3A_321] {strides = array<i32>} : memref<128x128xf32, #tpu.memory_space<vmem>>, vector<1x16xf32>,
        %get3A_323 = vector.shape_cast %get3A_322 : vector<1x16xf32> to vector<16xf32>
        %mul3A_324 = vector.broadcast %squeeze3A_242 : f32 to vector<16xf32>
        %mul3A_325 = arith.mulf %get3A_323, %mul3A_324 : vector<16xf32>
        %swap3A_326 = arith.index_cast %add3A_240 : i32 to index
        %swap3A_327 = arith.constant 112 : index
        %swap3A_328 = tpu.vector_load %arg12[%swap3A_326, %swap3A_327] {strides = array<i32>} : memref<128x128xf32, #tpu.memory_space<vmem>>, vector<1x16xf32>,
        %swap3A_329 = vector.shape_cast %swap3A_328 : vector<1x16xf32> to vector<16xf32>
        %swap3A_330 = vector.shape_cast %mul3A_325 : vector<16xf32> to vector<1x16xf32>
        tpu.vector_store %arg12[%swap3A_326, %swap3A_327], %swap3A_330 {strides = array<i32>} : memref<128x128xf32, #tpu.memory_space<vmem>>, vector<1x16xf32>,
        %mul3A_331 = arith.constant 16 : i32
        %mul3A_332 = arith.muli %scan3A_47, %mul3A_331 : i32
        %add3A_333 = arith.constant 3 : i32
        %add3A_334 = arith.addi %mul3A_332, %add3A_333 : i32
        %slice3A_335 = vector.extract_strided_slice %get3A_51 {offsets = [3], sizes = [1], strides = [1]} : vector<16xf32> to vector<1xf32>
        %squeeze3A_336 = vector.extract %slice3A_335[0] : f32 from vector<1xf32>
        %get3A_337 = arith.index_cast %add3A_334 : i32 to index
        %get3A_338 = arith.constant 0 : index
        %get3A_339 = tpu.vector_load %arg12[%get3A_337, %get3A_338] {strides = array<i32>} : memref<128x128xf32, #tpu.memory_space<vmem>>, vector<1x16xf32>,
        %get3A_340 = vector.shape_cast %get3A_339 : vector<1x16xf32> to vector<16xf32>
        %mul3A_341 = vector.broadcast %squeeze3A_336 : f32 to vector<16xf32>
        %mul3A_342 = arith.mulf %get3A_340, %mul3A_341 : vector<16xf32>
        %swap3A_343 = arith.index_cast %add3A_334 : i32 to index
        %swap3A_344 = arith.constant 0 : index
        %swap3A_345 = tpu.vector_load %arg12[%swap3A_343, %swap3A_344] {strides = array<i32>} : memref<128x128xf32, #tpu.memory_space<vmem>>, vector<1x16xf32>,
        %swap3A_346 = vector.shape_cast %swap3A_345 : vector<1x16xf32> to vector<16xf32>
        %swap3A_347 = vector.shape_cast %mul3A_342 : vector<16xf32> to vector<1x16xf32>
        tpu.vector_store %arg12[%swap3A_343, %swap3A_344], %swap3A_347 {strides = array<i32>} : memref<128x128xf32, #tpu.memory_space<vmem>>, vector<1x16xf32>,
        %get3A_348 = arith.index_cast %add3A_334 : i32 to index
        %get3A_349 = arith.constant 16 : index
        %get3A_350 = tpu.vector_load %arg12[%get3A_348, %get3A_349] {strides = array<i32>} : memref<128x128xf32, #tpu.memory_space<vmem>>, vector<1x16xf32>,
        %get3A_351 = vector.shape_cast %get3A_350 : vector<1x16xf32> to vector<16xf32>
        %mul3A_352 = vector.broadcast %squeeze3A_336 : f32 to vector<16xf32>
        %mul3A_353 = arith.mulf %get3A_351, %mul3A_352 : vector<16xf32>
        %swap3A_354 = arith.index_cast %add3A_334 : i32 to index
        %swap3A_355 = arith.constant 16 : index
        %swap3A_356 = tpu.vector_load %arg12[%swap3A_354, %swap3A_355] {strides = array<i32>} : memref<128x128xf32, #tpu.memory_space<vmem>>, vector<1x16xf32>,
        %swap3A_357 = vector.shape_cast %swap3A_356 : vector<1x16xf32> to vector<16xf32>
        %swap3A_358 = vector.shape_cast %mul3A_353 : vector<16xf32> to vector<1x16xf32>
        tpu.vector_store %arg12[%swap3A_354, %swap3A_355], %swap3A_358 {strides = array<i32>} : memref<128x128xf32, #tpu.memory_space<vmem>>, vector<1x16xf32>,
        %get3A_359 = arith.index_cast %add3A_334 : i32 to index
        %get3A_360 = arith.constant 32 : index
        %get3A_361 = tpu.vector_load %arg12[%get3A_359, %get3A_360] {strides = array<i32>} : memref<128x128xf32, #tpu.memory_space<vmem>>, vector<1x16xf32>,
        %get3A_362 = vector.shape_cast %get3A_361 : vector<1x16xf32> to vector<16xf32>
        %mul3A_363 = vector.broadcast %squeeze3A_336 : f32 to vector<16xf32>
        %mul3A_364 = arith.mulf %get3A_362, %mul3A_363 : vector<16xf32>
        %swap3A_365 = arith.index_cast %add3A_334 : i32 to index
        %swap3A_366 = arith.constant 32 : index
        %swap3A_367 = tpu.vector_load %arg12[%swap3A_365, %swap3A_366] {strides = array<i32>} : memref<128x128xf32, #tpu.memory_space<vmem>>, vector<1x16xf32>,
        %swap3A_368 = vector.shape_cast %swap3A_367 : vector<1x16xf32> to vector<16xf32>
        %swap3A_369 = vector.shape_cast %mul3A_364 : vector<16xf32> to vector<1x16xf32>
        tpu.vector_store %arg12[%swap3A_365, %swap3A_366], %swap3A_369 {strides = array<i32>} : memref<128x128xf32, #tpu.memory_space<vmem>>, vector<1x16xf32>,
        %get3A_370 = arith.index_cast %add3A_334 : i32 to index
        %get3A_371 = arith.constant 48 : index
        %get3A_372 = tpu.vector_load %arg12[%get3A_370, %get3A_371] {strides = array<i32>} : memref<128x128xf32, #tpu.memory_space<vmem>>, vector<1x16xf32>,
        %get3A_373 = vector.shape_cast %get3A_372 : vector<1x16xf32> to vector<16xf32>
        %mul3A_374 = vector.broadcast %squeeze3A_336 : f32 to vector<16xf32>
        %mul3A_375 = arith.mulf %get3A_373, %mul3A_374 : vector<16xf32>
        %swap3A_376 = arith.index_cast %add3A_334 : i32 to index
        %swap3A_377 = arith.constant 48 : index
        %swap3A_378 = tpu.vector_load %arg12[%swap3A_376, %swap3A_377] {strides = array<i32>} : memref<128x128xf32, #tpu.memory_space<vmem>>, vector<1x16xf32>,
        %swap3A_379 = vector.shape_cast %swap3A_378 : vector<1x16xf32> to vector<16xf32>
        %swap3A_380 = vector.shape_cast %mul3A_375 : vector<16xf32> to vector<1x16xf32>
        tpu.vector_store %arg12[%swap3A_376, %swap3A_377], %swap3A_380 {strides = array<i32>} : memref<128x128xf32, #tpu.memory_space<vmem>>, vector<1x16xf32>,
        %get3A_381 = arith.index_cast %add3A_334 : i32 to index
        %get3A_382 = arith.constant 64 : index
        %get3A_383 = tpu.vector_load %arg12[%get3A_381, %get3A_382] {strides = array<i32>} : memref<128x128xf32, #tpu.memory_space<vmem>>, vector<1x16xf32>,
        %get3A_384 = vector.shape_cast %get3A_383 : vector<1x16xf32> to vector<16xf32>
        %mul3A_385 = vector.broadcast %squeeze3A_336 : f32 to vector<16xf32>
        %mul3A_386 = arith.mulf %get3A_384, %mul3A_385 : vector<16xf32>
        %swap3A_387 = arith.index_cast %add3A_334 : i32 to index
        %swap3A_388 = arith.constant 64 : index
        %swap3A_389 = tpu.vector_load %arg12[%swap3A_387, %swap3A_388] {strides = array<i32>} : memref<128x128xf32, #tpu.memory_space<vmem>>, vector<1x16xf32>,
        %swap3A_390 = vector.shape_cast %swap3A_389 : vector<1x16xf32> to vector<16xf32>
        %swap3A_391 = vector.shape_cast %mul3A_386 : vector<16xf32> to vector<1x16xf32>
        tpu.vector_store %arg12[%swap3A_387, %swap3A_388], %swap3A_391 {strides = array<i32>} : memref<128x128xf32, #tpu.memory_space<vmem>>, vector<1x16xf32>,
        %get3A_392 = arith.index_cast %add3A_334 : i32 to index
        %get3A_393 = arith.constant 80 : index
        %get3A_394 = tpu.vector_load %arg12[%get3A_392, %get3A_393] {strides = array<i32>} : memref<128x128xf32, #tpu.memory_space<vmem>>, vector<1x16xf32>,
        %get3A_395 = vector.shape_cast %get3A_394 : vector<1x16xf32> to vector<16xf32>
        %mul3A_396 = vector.broadcast %squeeze3A_336 : f32 to vector<16xf32>
        %mul3A_397 = arith.mulf %get3A_395, %mul3A_396 : vector<16xf32>
        %swap3A_398 = arith.index_cast %add3A_334 : i32 to index
        %swap3A_399 = arith.constant 80 : index
        %swap3A_400 = tpu.vector_load %arg12[%swap3A_398, %swap3A_399] {strides = array<i32>} : memref<128x128xf32, #tpu.memory_space<vmem>>, vector<1x16xf32>,
        %swap3A_401 = vector.shape_cast %swap3A_400 : vector<1x16xf32> to vector<16xf32>
        %swap3A_402 = vector.shape_cast %mul3A_397 : vector<16xf32> to vector<1x16xf32>
        tpu.vector_store %arg12[%swap3A_398, %swap3A_399], %swap3A_402 {strides = array<i32>} : memref<128x128xf32, #tpu.memory_space<vmem>>, vector<1x16xf32>,
        %get3A_403 = arith.index_cast %add3A_334 : i32 to index
        %get3A_404 = arith.constant 96 : index
        %get3A_405 = tpu.vector_load %arg12[%get3A_403, %get3A_404] {strides = array<i32>} : memref<128x128xf32, #tpu.memory_space<vmem>>, vector<1x16xf32>,
        %get3A_406 = vector.shape_cast %get3A_405 : vector<1x16xf32> to vector<16xf32>
        %mul3A_407 = vector.broadcast %squeeze3A_336 : f32 to vector<16xf32>
        %mul3A_408 = arith.mulf %get3A_406, %mul3A_407 : vector<16xf32>
        %swap3A_409 = arith.index_cast %add3A_334 : i32 to index
        %swap3A_410 = arith.constant 96 : index
        %swap3A_411 = tpu.vector_load %arg12[%swap3A_409, %swap3A_410] {strides = array<i32>} : memref<128x128xf32, #tpu.memory_space<vmem>>, vector<1x16xf32>,
        %swap3A_412 = vector.shape_cast %swap3A_411 : vector<1x16xf32> to vector<16xf32>
        %swap3A_413 = vector.shape_cast %mul3A_408 : vector<16xf32> to vector<1x16xf32>
        tpu.vector_store %arg12[%swap3A_409, %swap3A_410], %swap3A_413 {strides = array<i32>} : memref<128x128xf32, #tpu.memory_space<vmem>>, vector<1x16xf32>,
        %get3A_414 = arith.index_cast %add3A_334 : i32 to index
        %get3A_415 = arith.constant 112 : index
        %get3A_416 = tpu.vector_load %arg12[%get3A_414, %get3A_415] {strides = array<i32>} : memref<128x128xf32, #tpu.memory_space<vmem>>, vector<1x16xf32>,
        %get3A_417 = vector.shape_cast %get3A_416 : vector<1x16xf32> to vector<16xf32>
        %mul3A_418 = vector.broadcast %squeeze3A_336 : f32 to vector<16xf32>
        %mul3A_419 = arith.mulf %get3A_417, %mul3A_418 : vector<16xf32>
        %swap3A_420 = arith.index_cast %add3A_334 : i32 to index
        %swap3A_421 = arith.constant 112 : index
        %swap3A_422 = tpu.vector_load %arg12[%swap3A_420, %swap3A_421] {strides = array<i32>} : memref<128x128xf32, #tpu.memory_space<vmem>>, vector<1x16xf32>,
        %swap3A_423 = vector.shape_cast %swap3A_422 : vector<1x16xf32> to vector<16xf32>
        %swap3A_424 = vector.shape_cast %mul3A_419 : vector<16xf32> to vector<1x16xf32>
        tpu.vector_store %arg12[%swap3A_420, %swap3A_421], %swap3A_424 {strides = array<i32>} : memref<128x128xf32, #tpu.memory_space<vmem>>, vector<1x16xf32>,
        %mul3A_425 = arith.constant 16 : i32
        %mul3A_426 = arith.muli %scan3A_47, %mul3A_425 : i32
        %add3A_427 = arith.constant 4 : i32
        %add3A_428 = arith.addi %mul3A_426, %add3A_427 : i32
        %slice3A_429 = vector.extract_strided_slice %get3A_51 {offsets = [4], sizes = [1], strides = [1]} : vector<16xf32> to vector<1xf32>
        %squeeze3A_430 = vector.extract %slice3A_429[0] : f32 from vector<1xf32>
        %get3A_431 = arith.index_cast %add3A_428 : i32 to index
        %get3A_432 = arith.constant 0 : index
        %get3A_433 = tpu.vector_load %arg12[%get3A_431, %get3A_432] {strides = array<i32>} : memref<128x128xf32, #tpu.memory_space<vmem>>, vector<1x16xf32>,
        %get3A_434 = vector.shape_cast %get3A_433 : vector<1x16xf32> to vector<16xf32>
        %mul3A_435 = vector.broadcast %squeeze3A_430 : f32 to vector<16xf32>
        %mul3A_436 = arith.mulf %get3A_434, %mul3A_435 : vector<16xf32>
        %swap3A_437 = arith.index_cast %add3A_428 : i32 to index
        %swap3A_438 = arith.constant 0 : index
        %swap3A_439 = tpu.vector_load %arg12[%swap3A_437, %swap3A_438] {strides = array<i32>} : memref<128x128xf32, #tpu.memory_space<vmem>>, vector<1x16xf32>,
        %swap3A_440 = vector.shape_cast %swap3A_439 : vector<1x16xf32> to vector<16xf32>
        %swap3A_441 = vector.shape_cast %mul3A_436 : vector<16xf32> to vector<1x16xf32>
        tpu.vector_store %arg12[%swap3A_437, %swap3A_438], %swap3A_441 {strides = array<i32>} : memref<128x128xf32, #tpu.memory_space<vmem>>, vector<1x16xf32>,
        %get3A_442 = arith.index_cast %add3A_428 : i32 to index
        %get3A_443 = arith.constant 16 : index
        %get3A_444 = tpu.vector_load %arg12[%get3A_442, %get3A_443] {strides = array<i32>} : memref<128x128xf32, #tpu.memory_space<vmem>>, vector<1x16xf32>,
        %get3A_445 = vector.shape_cast %get3A_444 : vector<1x16xf32> to vector<16xf32>
        %mul3A_446 = vector.broadcast %squeeze3A_430 : f32 to vector<16xf32>
        %mul3A_447 = arith.mulf %get3A_445, %mul3A_446 : vector<16xf32>
        %swap3A_448 = arith.index_cast %add3A_428 : i32 to index
        %swap3A_449 = arith.constant 16 : index
        %swap3A_450 = tpu.vector_load %arg12[%swap3A_448, %swap3A_449] {strides = array<i32>} : memref<128x128xf32, #tpu.memory_space<vmem>>, vector<1x16xf32>,
        %swap3A_451 = vector.shape_cast %swap3A_450 : vector<1x16xf32> to vector<16xf32>
        %swap3A_452 = vector.shape_cast %mul3A_447 : vector<16xf32> to vector<1x16xf32>
        tpu.vector_store %arg12[%swap3A_448, %swap3A_449], %swap3A_452 {strides = array<i32>} : memref<128x128xf32, #tpu.memory_space<vmem>>, vector<1x16xf32>,
        %get3A_453 = arith.index_cast %add3A_428 : i32 to index
        %get3A_454 = arith.constant 32 : index
        %get3A_455 = tpu.vector_load %arg12[%get3A_453, %get3A_454] {strides = array<i32>} : memref<128x128xf32, #tpu.memory_space<vmem>>, vector<1x16xf32>,
        %get3A_456 = vector.shape_cast %get3A_455 : vector<1x16xf32> to vector<16xf32>
        %mul3A_457 = vector.broadcast %squeeze3A_430 : f32 to vector<16xf32>
        %mul3A_458 = arith.mulf %get3A_456, %mul3A_457 : vector<16xf32>
        %swap3A_459 = arith.index_cast %add3A_428 : i32 to index
        %swap3A_460 = arith.constant 32 : index
        %swap3A_461 = tpu.vector_load %arg12[%swap3A_459, %swap3A_460] {strides = array<i32>} : memref<128x128xf32, #tpu.memory_space<vmem>>, vector<1x16xf32>,
        %swap3A_462 = vector.shape_cast %swap3A_461 : vector<1x16xf32> to vector<16xf32>
        %swap3A_463 = vector.shape_cast %mul3A_458 : vector<16xf32> to vector<1x16xf32>
        tpu.vector_store %arg12[%swap3A_459, %swap3A_460], %swap3A_463 {strides = array<i32>} : memref<128x128xf32, #tpu.memory_space<vmem>>, vector<1x16xf32>,
        %get3A_464 = arith.index_cast %add3A_428 : i32 to index
        %get3A_465 = arith.constant 48 : index
        %get3A_466 = tpu.vector_load %arg12[%get3A_464, %get3A_465] {strides = array<i32>} : memref<128x128xf32, #tpu.memory_space<vmem>>, vector<1x16xf32>,
        %get3A_467 = vector.shape_cast %get3A_466 : vector<1x16xf32> to vector<16xf32>
        %mul3A_468 = vector.broadcast %squeeze3A_430 : f32 to vector<16xf32>
        %mul3A_469 = arith.mulf %get3A_467, %mul3A_468 : vector<16xf32>
        %swap3A_470 = arith.index_cast %add3A_428 : i32 to index
        %swap3A_471 = arith.constant 48 : index
        %swap3A_472 = tpu.vector_load %arg12[%swap3A_470, %swap3A_471] {strides = array<i32>} : memref<128x128xf32, #tpu.memory_space<vmem>>, vector<1x16xf32>,
        %swap3A_473 = vector.shape_cast %swap3A_472 : vector<1x16xf32> to vector<16xf32>
        %swap3A_474 = vector.shape_cast %mul3A_469 : vector<16xf32> to vector<1x16xf32>
        tpu.vector_store %arg12[%swap3A_470, %swap3A_471], %swap3A_474 {strides = array<i32>} : memref<128x128xf32, #tpu.memory_space<vmem>>, vector<1x16xf32>,
        %get3A_475 = arith.index_cast %add3A_428 : i32 to index
        %get3A_476 = arith.constant 64 : index
        %get3A_477 = tpu.vector_load %arg12[%get3A_475, %get3A_476] {strides = array<i32>} : memref<128x128xf32, #tpu.memory_space<vmem>>, vector<1x16xf32>,
        %get3A_478 = vector.shape_cast %get3A_477 : vector<1x16xf32> to vector<16xf32>
        %mul3A_479 = vector.broadcast %squeeze3A_430 : f32 to vector<16xf32>
        %mul3A_480 = arith.mulf %get3A_478, %mul3A_479 : vector<16xf32>
        %swap3A_481 = arith.index_cast %add3A_428 : i32 to index
        %swap3A_482 = arith.constant 64 : index
        %swap3A_483 = tpu.vector_load %arg12[%swap3A_481, %swap3A_482] {strides = array<i32>} : memref<128x128xf32, #tpu.memory_space<vmem>>, vector<1x16xf32>,
        %swap3A_484 = vector.shape_cast %swap3A_483 : vector<1x16xf32> to vector<16xf32>
        %swap3A_485 = vector.shape_cast %mul3A_480 : vector<16xf32> to vector<1x16xf32>
        tpu.vector_store %arg12[%swap3A_481, %swap3A_482], %swap3A_485 {strides = array<i32>} : memref<128x128xf32, #tpu.memory_space<vmem>>, vector<1x16xf32>,
        %get3A_486 = arith.index_cast %add3A_428 : i32 to index
        %get3A_487 = arith.constant 80 : index
        %get3A_488 = tpu.vector_load %arg12[%get3A_486, %get3A_487] {strides = array<i32>} : memref<128x128xf32, #tpu.memory_space<vmem>>, vector<1x16xf32>,
        %get3A_489 = vector.shape_cast %get3A_488 : vector<1x16xf32> to vector<16xf32>
        %mul3A_490 = vector.broadcast %squeeze3A_430 : f32 to vector<16xf32>
        %mul3A_491 = arith.mulf %get3A_489, %mul3A_490 : vector<16xf32>
        %swap3A_492 = arith.index_cast %add3A_428 : i32 to index
        %swap3A_493 = arith.constant 80 : index
        %swap3A_494 = tpu.vector_load %arg12[%swap3A_492, %swap3A_493] {strides = array<i32>} : memref<128x128xf32, #tpu.memory_space<vmem>>, vector<1x16xf32>,
        %swap3A_495 = vector.shape_cast %swap3A_494 : vector<1x16xf32> to vector<16xf32>
        %swap3A_496 = vector.shape_cast %mul3A_491 : vector<16xf32> to vector<1x16xf32>
        tpu.vector_store %arg12[%swap3A_492, %swap3A_493], %swap3A_496 {strides = array<i32>} : memref<128x128xf32, #tpu.memory_space<vmem>>, vector<1x16xf32>,
        %get3A_497 = arith.index_cast %add3A_428 : i32 to index
        %get3A_498 = arith.constant 96 : index
        %get3A_499 = tpu.vector_load %arg12[%get3A_497, %get3A_498] {strides = array<i32>} : memref<128x128xf32, #tpu.memory_space<vmem>>, vector<1x16xf32>,
        %get3A_500 = vector.shape_cast %get3A_499 : vector<1x16xf32> to vector<16xf32>
        %mul3A_501 = vector.broadcast %squeeze3A_430 : f32 to vector<16xf32>
        %mul3A_502 = arith.mulf %get3A_500, %mul3A_501 : vector<16xf32>
        %swap3A_503 = arith.index_cast %add3A_428 : i32 to index
        %swap3A_504 = arith.constant 96 : index
        %swap3A_505 = tpu.vector_load %arg12[%swap3A_503, %swap3A_504] {strides = array<i32>} : memref<128x128xf32, #tpu.memory_space<vmem>>, vector<1x16xf32>,
        %swap3A_506 = vector.shape_cast %swap3A_505 : vector<1x16xf32> to vector<16xf32>
        %swap3A_507 = vector.shape_cast %mul3A_502 : vector<16xf32> to vector<1x16xf32>
        tpu.vector_store %arg12[%swap3A_503, %swap3A_504], %swap3A_507 {strides = array<i32>} : memref<128x128xf32, #tpu.memory_space<vmem>>, vector<1x16xf32>,
        %get3A_508 = arith.index_cast %add3A_428 : i32 to index
        %get3A_509 = arith.constant 112 : index
        %get3A_510 = tpu.vector_load %arg12[%get3A_508, %get3A_509] {strides = array<i32>} : memref<128x128xf32, #tpu.memory_space<vmem>>, vector<1x16xf32>,
        %get3A_511 = vector.shape_cast %get3A_510 : vector<1x16xf32> to vector<16xf32>
        %mul3A_512 = vector.broadcast %squeeze3A_430 : f32 to vector<16xf32>
        %mul3A_513 = arith.mulf %get3A_511, %mul3A_512 : vector<16xf32>
        %swap3A_514 = arith.index_cast %add3A_428 : i32 to index
        %swap3A_515 = arith.constant 112 : index
        %swap3A_516 = tpu.vector_load %arg12[%swap3A_514, %swap3A_515] {strides = array<i32>} : memref<128x128xf32, #tpu.memory_space<vmem>>, vector<1x16xf32>,
        %swap3A_517 = vector.shape_cast %swap3A_516 : vector<1x16xf32> to vector<16xf32>
        %swap3A_518 = vector.shape_cast %mul3A_513 : vector<16xf32> to vector<1x16xf32>
        tpu.vector_store %arg12[%swap3A_514, %swap3A_515], %swap3A_518 {strides = array<i32>} : memref<128x128xf32, #tpu.memory_space<vmem>>, vector<1x16xf32>,
        %mul3A_519 = arith.constant 16 : i32
        %mul3A_520 = arith.muli %scan3A_47, %mul3A_519 : i32
        %add3A_521 = arith.constant 5 : i32
        %add3A_522 = arith.addi %mul3A_520, %add3A_521 : i32
        %slice3A_523 = vector.extract_strided_slice %get3A_51 {offsets = [5], sizes = [1], strides = [1]} : vector<16xf32> to vector<1xf32>
        %squeeze3A_524 = vector.extract %slice3A_523[0] : f32 from vector<1xf32>
        %get3A_525 = arith.index_cast %add3A_522 : i32 to index
        %get3A_526 = arith.constant 0 : index
        %get3A_527 = tpu.vector_load %arg12[%get3A_525, %get3A_526] {strides = array<i32>} : memref<128x128xf32, #tpu.memory_space<vmem>>, vector<1x16xf32>,
        %get3A_528 = vector.shape_cast %get3A_527 : vector<1x16xf32> to vector<16xf32>
        %mul3A_529 = vector.broadcast %squeeze3A_524 : f32 to vector<16xf32>
        %mul3A_530 = arith.mulf %get3A_528, %mul3A_529 : vector<16xf32>
        %swap3A_531 = arith.index_cast %add3A_522 : i32 to index
        %swap3A_532 = arith.constant 0 : index
        %swap3A_533 = tpu.vector_load %arg12[%swap3A_531, %swap3A_532] {strides = array<i32>} : memref<128x128xf32, #tpu.memory_space<vmem>>, vector<1x16xf32>,
        %swap3A_534 = vector.shape_cast %swap3A_533 : vector<1x16xf32> to vector<16xf32>
        %swap3A_535 = vector.shape_cast %mul3A_530 : vector<16xf32> to vector<1x16xf32>
        tpu.vector_store %arg12[%swap3A_531, %swap3A_532], %swap3A_535 {strides = array<i32>} : memref<128x128xf32, #tpu.memory_space<vmem>>, vector<1x16xf32>,
        %get3A_536 = arith.index_cast %add3A_522 : i32 to index
        %get3A_537 = arith.constant 16 : index
        %get3A_538 = tpu.vector_load %arg12[%get3A_536, %get3A_537] {strides = array<i32>} : memref<128x128xf32, #tpu.memory_space<vmem>>, vector<1x16xf32>,
        %get3A_539 = vector.shape_cast %get3A_538 : vector<1x16xf32> to vector<16xf32>
        %mul3A_540 = vector.broadcast %squeeze3A_524 : f32 to vector<16xf32>
        %mul3A_541 = arith.mulf %get3A_539, %mul3A_540 : vector<16xf32>
        %swap3A_542 = arith.index_cast %add3A_522 : i32 to index
        %swap3A_543 = arith.constant 16 : index
        %swap3A_544 = tpu.vector_load %arg12[%swap3A_542, %swap3A_543] {strides = array<i32>} : memref<128x128xf32, #tpu.memory_space<vmem>>, vector<1x16xf32>,
        %swap3A_545 = vector.shape_cast %swap3A_544 : vector<1x16xf32> to vector<16xf32>
        %swap3A_546 = vector.shape_cast %mul3A_541 : vector<16xf32> to vector<1x16xf32>
        tpu.vector_store %arg12[%swap3A_542, %swap3A_543], %swap3A_546 {strides = array<i32>} : memref<128x128xf32, #tpu.memory_space<vmem>>, vector<1x16xf32>,
        %get3A_547 = arith.index_cast %add3A_522 : i32 to index
        %get3A_548 = arith.constant 32 : index
        %get3A_549 = tpu.vector_load %arg12[%get3A_547, %get3A_548] {strides = array<i32>} : memref<128x128xf32, #tpu.memory_space<vmem>>, vector<1x16xf32>,
        %get3A_550 = vector.shape_cast %get3A_549 : vector<1x16xf32> to vector<16xf32>
        %mul3A_551 = vector.broadcast %squeeze3A_524 : f32 to vector<16xf32>
        %mul3A_552 = arith.mulf %get3A_550, %mul3A_551 : vector<16xf32>
        %swap3A_553 = arith.index_cast %add3A_522 : i32 to index
        %swap3A_554 = arith.constant 32 : index
        %swap3A_555 = tpu.vector_load %arg12[%swap3A_553, %swap3A_554] {strides = array<i32>} : memref<128x128xf32, #tpu.memory_space<vmem>>, vector<1x16xf32>,
        %swap3A_556 = vector.shape_cast %swap3A_555 : vector<1x16xf32> to vector<16xf32>
        %swap3A_557 = vector.shape_cast %mul3A_552 : vector<16xf32> to vector<1x16xf32>
        tpu.vector_store %arg12[%swap3A_553, %swap3A_554], %swap3A_557 {strides = array<i32>} : memref<128x128xf32, #tpu.memory_space<vmem>>, vector<1x16xf32>,
        %get3A_558 = arith.index_cast %add3A_522 : i32 to index
        %get3A_559 = arith.constant 48 : index
        %get3A_560 = tpu.vector_load %arg12[%get3A_558, %get3A_559] {strides = array<i32>} : memref<128x128xf32, #tpu.memory_space<vmem>>, vector<1x16xf32>,
        %get3A_561 = vector.shape_cast %get3A_560 : vector<1x16xf32> to vector<16xf32>
        %mul3A_562 = vector.broadcast %squeeze3A_524 : f32 to vector<16xf32>
        %mul3A_563 = arith.mulf %get3A_561, %mul3A_562 : vector<16xf32>
        %swap3A_564 = arith.index_cast %add3A_522 : i32 to index
        %swap3A_565 = arith.constant 48 : index
        %swap3A_566 = tpu.vector_load %arg12[%swap3A_564, %swap3A_565] {strides = array<i32>} : memref<128x128xf32, #tpu.memory_space<vmem>>, vector<1x16xf32>,
        %swap3A_567 = vector.shape_cast %swap3A_566 : vector<1x16xf32> to vector<16xf32>
        %swap3A_568 = vector.shape_cast %mul3A_563 : vector<16xf32> to vector<1x16xf32>
        tpu.vector_store %arg12[%swap3A_564, %swap3A_565], %swap3A_568 {strides = array<i32>} : memref<128x128xf32, #tpu.memory_space<vmem>>, vector<1x16xf32>,
        %get3A_569 = arith.index_cast %add3A_522 : i32 to index
        %get3A_570 = arith.constant 64 : index
        %get3A_571 = tpu.vector_load %arg12[%get3A_569, %get3A_570] {strides = array<i32>} : memref<128x128xf32, #tpu.memory_space<vmem>>, vector<1x16xf32>,
        %get3A_572 = vector.shape_cast %get3A_571 : vector<1x16xf32> to vector<16xf32>
        %mul3A_573 = vector.broadcast %squeeze3A_524 : f32 to vector<16xf32>
        %mul3A_574 = arith.mulf %get3A_572, %mul3A_573 : vector<16xf32>
        %swap3A_575 = arith.index_cast %add3A_522 : i32 to index
        %swap3A_576 = arith.constant 64 : index
        %swap3A_577 = tpu.vector_load %arg12[%swap3A_575, %swap3A_576] {strides = array<i32>} : memref<128x128xf32, #tpu.memory_space<vmem>>, vector<1x16xf32>,
        %swap3A_578 = vector.shape_cast %swap3A_577 : vector<1x16xf32> to vector<16xf32>
        %swap3A_579 = vector.shape_cast %mul3A_574 : vector<16xf32> to vector<1x16xf32>
        tpu.vector_store %arg12[%swap3A_575, %swap3A_576], %swap3A_579 {strides = array<i32>} : memref<128x128xf32, #tpu.memory_space<vmem>>, vector<1x16xf32>,
        %get3A_580 = arith.index_cast %add3A_522 : i32 to index
        %get3A_581 = arith.constant 80 : index
        %get3A_582 = tpu.vector_load %arg12[%get3A_580, %get3A_581] {strides = array<i32>} : memref<128x128xf32, #tpu.memory_space<vmem>>, vector<1x16xf32>,
        %get3A_583 = vector.shape_cast %get3A_582 : vector<1x16xf32> to vector<16xf32>
        %mul3A_584 = vector.broadcast %squeeze3A_524 : f32 to vector<16xf32>
        %mul3A_585 = arith.mulf %get3A_583, %mul3A_584 : vector<16xf32>
        %swap3A_586 = arith.index_cast %add3A_522 : i32 to index
        %swap3A_587 = arith.constant 80 : index
        %swap3A_588 = tpu.vector_load %arg12[%swap3A_586, %swap3A_587] {strides = array<i32>} : memref<128x128xf32, #tpu.memory_space<vmem>>, vector<1x16xf32>,
        %swap3A_589 = vector.shape_cast %swap3A_588 : vector<1x16xf32> to vector<16xf32>
        %swap3A_590 = vector.shape_cast %mul3A_585 : vector<16xf32> to vector<1x16xf32>
        tpu.vector_store %arg12[%swap3A_586, %swap3A_587], %swap3A_590 {strides = array<i32>} : memref<128x128xf32, #tpu.memory_space<vmem>>, vector<1x16xf32>,
        %get3A_591 = arith.index_cast %add3A_522 : i32 to index
        %get3A_592 = arith.constant 96 : index
        %get3A_593 = tpu.vector_load %arg12[%get3A_591, %get3A_592] {strides = array<i32>} : memref<128x128xf32, #tpu.memory_space<vmem>>, vector<1x16xf32>,
        %get3A_594 = vector.shape_cast %get3A_593 : vector<1x16xf32> to vector<16xf32>
        %mul3A_595 = vector.broadcast %squeeze3A_524 : f32 to vector<16xf32>
        %mul3A_596 = arith.mulf %get3A_594, %mul3A_595 : vector<16xf32>
        %swap3A_597 = arith.index_cast %add3A_522 : i32 to index
        %swap3A_598 = arith.constant 96 : index
        %swap3A_599 = tpu.vector_load %arg12[%swap3A_597, %swap3A_598] {strides = array<i32>} : memref<128x128xf32, #tpu.memory_space<vmem>>, vector<1x16xf32>,
        %swap3A_600 = vector.shape_cast %swap3A_599 : vector<1x16xf32> to vector<16xf32>
        %swap3A_601 = vector.shape_cast %mul3A_596 : vector<16xf32> to vector<1x16xf32>
        tpu.vector_store %arg12[%swap3A_597, %swap3A_598], %swap3A_601 {strides = array<i32>} : memref<128x128xf32, #tpu.memory_space<vmem>>, vector<1x16xf32>,
        %get3A_602 = arith.index_cast %add3A_522 : i32 to index
        %get3A_603 = arith.constant 112 : index
        %get3A_604 = tpu.vector_load %arg12[%get3A_602, %get3A_603] {strides = array<i32>} : memref<128x128xf32, #tpu.memory_space<vmem>>, vector<1x16xf32>,
        %get3A_605 = vector.shape_cast %get3A_604 : vector<1x16xf32> to vector<16xf32>
        %mul3A_606 = vector.broadcast %squeeze3A_524 : f32 to vector<16xf32>
        %mul3A_607 = arith.mulf %get3A_605, %mul3A_606 : vector<16xf32>
        %swap3A_608 = arith.index_cast %add3A_522 : i32 to index
        %swap3A_609 = arith.constant 112 : index
        %swap3A_610 = tpu.vector_load %arg12[%swap3A_608, %swap3A_609] {strides = array<i32>} : memref<128x128xf32, #tpu.memory_space<vmem>>, vector<1x16xf32>,
        %swap3A_611 = vector.shape_cast %swap3A_610 : vector<1x16xf32> to vector<16xf32>
        %swap3A_612 = vector.shape_cast %mul3A_607 : vector<16xf32> to vector<1x16xf32>
        tpu.vector_store %arg12[%swap3A_608, %swap3A_609], %swap3A_612 {strides = array<i32>} : memref<128x128xf32, #tpu.memory_space<vmem>>, vector<1x16xf32>,
        %mul3A_613 = arith.constant 16 : i32
        %mul3A_614 = arith.muli %scan3A_47, %mul3A_613 : i32
        %add3A_615 = arith.constant 6 : i32
        %add3A_616 = arith.addi %mul3A_614, %add3A_615 : i32
        %slice3A_617 = vector.extract_strided_slice %get3A_51 {offsets = [6], sizes = [1], strides = [1]} : vector<16xf32> to vector<1xf32>
        %squeeze3A_618 = vector.extract %slice3A_617[0] : f32 from vector<1xf32>
        %get3A_619 = arith.index_cast %add3A_616 : i32 to index
        %get3A_620 = arith.constant 0 : index
        %get3A_621 = tpu.vector_load %arg12[%get3A_619, %get3A_620] {strides = array<i32>} : memref<128x128xf32, #tpu.memory_space<vmem>>, vector<1x16xf32>,
        %get3A_622 = vector.shape_cast %get3A_621 : vector<1x16xf32> to vector<16xf32>
        %mul3A_623 = vector.broadcast %squeeze3A_618 : f32 to vector<16xf32>
        %mul3A_624 = arith.mulf %get3A_622, %mul3A_623 : vector<16xf32>
        %swap3A_625 = arith.index_cast %add3A_616 : i32 to index
        %swap3A_626 = arith.constant 0 : index
        %swap3A_627 = tpu.vector_load %arg12[%swap3A_625, %swap3A_626] {strides = array<i32>} : memref<128x128xf32, #tpu.memory_space<vmem>>, vector<1x16xf32>,
        %swap3A_628 = vector.shape_cast %swap3A_627 : vector<1x16xf32> to vector<16xf32>
        %swap3A_629 = vector.shape_cast %mul3A_624 : vector<16xf32> to vector<1x16xf32>
        tpu.vector_store %arg12[%swap3A_625, %swap3A_626], %swap3A_629 {strides = array<i32>} : memref<128x128xf32, #tpu.memory_space<vmem>>, vector<1x16xf32>,
        %get3A_630 = arith.index_cast %add3A_616 : i32 to index
        %get3A_631 = arith.constant 16 : index
        %get3A_632 = tpu.vector_load %arg12[%get3A_630, %get3A_631] {strides = array<i32>} : memref<128x128xf32, #tpu.memory_space<vmem>>, vector<1x16xf32>,
        %get3A_633 = vector.shape_cast %get3A_632 : vector<1x16xf32> to vector<16xf32>
        %mul3A_634 = vector.broadcast %squeeze3A_618 : f32 to vector<16xf32>
        %mul3A_635 = arith.mulf %get3A_633, %mul3A_634 : vector<16xf32>
        %swap3A_636 = arith.index_cast %add3A_616 : i32 to index
        %swap3A_637 = arith.constant 16 : index
        %swap3A_638 = tpu.vector_load %arg12[%swap3A_636, %swap3A_637] {strides = array<i32>} : memref<128x128xf32, #tpu.memory_space<vmem>>, vector<1x16xf32>,
        %swap3A_639 = vector.shape_cast %swap3A_638 : vector<1x16xf32> to vector<16xf32>
        %swap3A_640 = vector.shape_cast %mul3A_635 : vector<16xf32> to vector<1x16xf32>
        tpu.vector_store %arg12[%swap3A_636, %swap3A_637], %swap3A_640 {strides = array<i32>} : memref<128x128xf32, #tpu.memory_space<vmem>>, vector<1x16xf32>,
        %get3A_641 = arith.index_cast %add3A_616 : i32 to index
        %get3A_642 = arith.constant 32 : index
        %get3A_643 = tpu.vector_load %arg12[%get3A_641, %get3A_642] {strides = array<i32>} : memref<128x128xf32, #tpu.memory_space<vmem>>, vector<1x16xf32>,
        %get3A_644 = vector.shape_cast %get3A_643 : vector<1x16xf32> to vector<16xf32>
        %mul3A_645 = vector.broadcast %squeeze3A_618 : f32 to vector<16xf32>
        %mul3A_646 = arith.mulf %get3A_644, %mul3A_645 : vector<16xf32>
        %swap3A_647 = arith.index_cast %add3A_616 : i32 to index
        %swap3A_648 = arith.constant 32 : index
        %swap3A_649 = tpu.vector_load %arg12[%swap3A_647, %swap3A_648] {strides = array<i32>} : memref<128x128xf32, #tpu.memory_space<vmem>>, vector<1x16xf32>,
        %swap3A_650 = vector.shape_cast %swap3A_649 : vector<1x16xf32> to vector<16xf32>
        %swap3A_651 = vector.shape_cast %mul3A_646 : vector<16xf32> to vector<1x16xf32>
        tpu.vector_store %arg12[%swap3A_647, %swap3A_648], %swap3A_651 {strides = array<i32>} : memref<128x128xf32, #tpu.memory_space<vmem>>, vector<1x16xf32>,
        %get3A_652 = arith.index_cast %add3A_616 : i32 to index
        %get3A_653 = arith.constant 48 : index
        %get3A_654 = tpu.vector_load %arg12[%get3A_652, %get3A_653] {strides = array<i32>} : memref<128x128xf32, #tpu.memory_space<vmem>>, vector<1x16xf32>,
        %get3A_655 = vector.shape_cast %get3A_654 : vector<1x16xf32> to vector<16xf32>
        %mul3A_656 = vector.broadcast %squeeze3A_618 : f32 to vector<16xf32>
        %mul3A_657 = arith.mulf %get3A_655, %mul3A_656 : vector<16xf32>
        %swap3A_658 = arith.index_cast %add3A_616 : i32 to index
        %swap3A_659 = arith.constant 48 : index
        %swap3A_660 = tpu.vector_load %arg12[%swap3A_658, %swap3A_659] {strides = array<i32>} : memref<128x128xf32, #tpu.memory_space<vmem>>, vector<1x16xf32>,
        %swap3A_661 = vector.shape_cast %swap3A_660 : vector<1x16xf32> to vector<16xf32>
        %swap3A_662 = vector.shape_cast %mul3A_657 : vector<16xf32> to vector<1x16xf32>
        tpu.vector_store %arg12[%swap3A_658, %swap3A_659], %swap3A_662 {strides = array<i32>} : memref<128x128xf32, #tpu.memory_space<vmem>>, vector<1x16xf32>,
        %get3A_663 = arith.index_cast %add3A_616 : i32 to index
        %get3A_664 = arith.constant 64 : index
        %get3A_665 = tpu.vector_load %arg12[%get3A_663, %get3A_664] {strides = array<i32>} : memref<128x128xf32, #tpu.memory_space<vmem>>, vector<1x16xf32>,
        %get3A_666 = vector.shape_cast %get3A_665 : vector<1x16xf32> to vector<16xf32>
        %mul3A_667 = vector.broadcast %squeeze3A_618 : f32 to vector<16xf32>
        %mul3A_668 = arith.mulf %get3A_666, %mul3A_667 : vector<16xf32>
        %swap3A_669 = arith.index_cast %add3A_616 : i32 to index
        %swap3A_670 = arith.constant 64 : index
        %swap3A_671 = tpu.vector_load %arg12[%swap3A_669, %swap3A_670] {strides = array<i32>} : memref<128x128xf32, #tpu.memory_space<vmem>>, vector<1x16xf32>,
        %swap3A_672 = vector.shape_cast %swap3A_671 : vector<1x16xf32> to vector<16xf32>
        %swap3A_673 = vector.shape_cast %mul3A_668 : vector<16xf32> to vector<1x16xf32>
        tpu.vector_store %arg12[%swap3A_669, %swap3A_670], %swap3A_673 {strides = array<i32>} : memref<128x128xf32, #tpu.memory_space<vmem>>, vector<1x16xf32>,
        %get3A_674 = arith.index_cast %add3A_616 : i32 to index
        %get3A_675 = arith.constant 80 : index
        %get3A_676 = tpu.vector_load %arg12[%get3A_674, %get3A_675] {strides = array<i32>} : memref<128x128xf32, #tpu.memory_space<vmem>>, vector<1x16xf32>,
        %get3A_677 = vector.shape_cast %get3A_676 : vector<1x16xf32> to vector<16xf32>
        %mul3A_678 = vector.broadcast %squeeze3A_618 : f32 to vector<16xf32>
        %mul3A_679 = arith.mulf %get3A_677, %mul3A_678 : vector<16xf32>
        %swap3A_680 = arith.index_cast %add3A_616 : i32 to index
        %swap3A_681 = arith.constant 80 : index
        %swap3A_682 = tpu.vector_load %arg12[%swap3A_680, %swap3A_681] {strides = array<i32>} : memref<128x128xf32, #tpu.memory_space<vmem>>, vector<1x16xf32>,
        %swap3A_683 = vector.shape_cast %swap3A_682 : vector<1x16xf32> to vector<16xf32>
        %swap3A_684 = vector.shape_cast %mul3A_679 : vector<16xf32> to vector<1x16xf32>
        tpu.vector_store %arg12[%swap3A_680, %swap3A_681], %swap3A_684 {strides = array<i32>} : memref<128x128xf32, #tpu.memory_space<vmem>>, vector<1x16xf32>,
        %get3A_685 = arith.index_cast %add3A_616 : i32 to index
        %get3A_686 = arith.constant 96 : index
        %get3A_687 = tpu.vector_load %arg12[%get3A_685, %get3A_686] {strides = array<i32>} : memref<128x128xf32, #tpu.memory_space<vmem>>, vector<1x16xf32>,
        %get3A_688 = vector.shape_cast %get3A_687 : vector<1x16xf32> to vector<16xf32>
        %mul3A_689 = vector.broadcast %squeeze3A_618 : f32 to vector<16xf32>
        %mul3A_690 = arith.mulf %get3A_688, %mul3A_689 : vector<16xf32>
        %swap3A_691 = arith.index_cast %add3A_616 : i32 to index
        %swap3A_692 = arith.constant 96 : index
        %swap3A_693 = tpu.vector_load %arg12[%swap3A_691, %swap3A_692] {strides = array<i32>} : memref<128x128xf32, #tpu.memory_space<vmem>>, vector<1x16xf32>,
        %swap3A_694 = vector.shape_cast %swap3A_693 : vector<1x16xf32> to vector<16xf32>
        %swap3A_695 = vector.shape_cast %mul3A_690 : vector<16xf32> to vector<1x16xf32>
        tpu.vector_store %arg12[%swap3A_691, %swap3A_692], %swap3A_695 {strides = array<i32>} : memref<128x128xf32, #tpu.memory_space<vmem>>, vector<1x16xf32>,
        %get3A_696 = arith.index_cast %add3A_616 : i32 to index
        %get3A_697 = arith.constant 112 : index
        %get3A_698 = tpu.vector_load %arg12[%get3A_696, %get3A_697] {strides = array<i32>} : memref<128x128xf32, #tpu.memory_space<vmem>>, vector<1x16xf32>,
        %get3A_699 = vector.shape_cast %get3A_698 : vector<1x16xf32> to vector<16xf32>
        %mul3A_700 = vector.broadcast %squeeze3A_618 : f32 to vector<16xf32>
        %mul3A_701 = arith.mulf %get3A_699, %mul3A_700 : vector<16xf32>
        %swap3A_702 = arith.index_cast %add3A_616 : i32 to index
        %swap3A_703 = arith.constant 112 : index
        %swap3A_704 = tpu.vector_load %arg12[%swap3A_702, %swap3A_703] {strides = array<i32>} : memref<128x128xf32, #tpu.memory_space<vmem>>, vector<1x16xf32>,
        %swap3A_705 = vector.shape_cast %swap3A_704 : vector<1x16xf32> to vector<16xf32>
        %swap3A_706 = vector.shape_cast %mul3A_701 : vector<16xf32> to vector<1x16xf32>
        tpu.vector_store %arg12[%swap3A_702, %swap3A_703], %swap3A_706 {strides = array<i32>} : memref<128x128xf32, #tpu.memory_space<vmem>>, vector<1x16xf32>,
        %mul3A_707 = arith.constant 16 : i32
        %mul3A_708 = arith.muli %scan3A_47, %mul3A_707 : i32
        %add3A_709 = arith.constant 7 : i32
        %add3A_710 = arith.addi %mul3A_708, %add3A_709 : i32
        %slice3A_711 = vector.extract_strided_slice %get3A_51 {offsets = [7], sizes = [1], strides = [1]} : vector<16xf32> to vector<1xf32>
        %squeeze3A_712 = vector.extract %slice3A_711[0] : f32 from vector<1xf32>
        %get3A_713 = arith.index_cast %add3A_710 : i32 to index
        %get3A_714 = arith.constant 0 : index
        %get3A_715 = tpu.vector_load %arg12[%get3A_713, %get3A_714] {strides = array<i32>} : memref<128x128xf32, #tpu.memory_space<vmem>>, vector<1x16xf32>,
        %get3A_716 = vector.shape_cast %get3A_715 : vector<1x16xf32> to vector<16xf32>
        %mul3A_717 = vector.broadcast %squeeze3A_712 : f32 to vector<16xf32>
        %mul3A_718 = arith.mulf %get3A_716, %mul3A_717 : vector<16xf32>
        %swap3A_719 = arith.index_cast %add3A_710 : i32 to index
        %swap3A_720 = arith.constant 0 : index
        %swap3A_721 = tpu.vector_load %arg12[%swap3A_719, %swap3A_720] {strides = array<i32>} : memref<128x128xf32, #tpu.memory_space<vmem>>, vector<1x16xf32>,
        %swap3A_722 = vector.shape_cast %swap3A_721 : vector<1x16xf32> to vector<16xf32>
        %swap3A_723 = vector.shape_cast %mul3A_718 : vector<16xf32> to vector<1x16xf32>
        tpu.vector_store %arg12[%swap3A_719, %swap3A_720], %swap3A_723 {strides = array<i32>} : memref<128x128xf32, #tpu.memory_space<vmem>>, vector<1x16xf32>,
        %get3A_724 = arith.index_cast %add3A_710 : i32 to index
        %get3A_725 = arith.constant 16 : index
        %get3A_726 = tpu.vector_load %arg12[%get3A_724, %get3A_725] {strides = array<i32>} : memref<128x128xf32, #tpu.memory_space<vmem>>, vector<1x16xf32>,
        %get3A_727 = vector.shape_cast %get3A_726 : vector<1x16xf32> to vector<16xf32>
        %mul3A_728 = vector.broadcast %squeeze3A_712 : f32 to vector<16xf32>
        %mul3A_729 = arith.mulf %get3A_727, %mul3A_728 : vector<16xf32>
        %swap3A_730 = arith.index_cast %add3A_710 : i32 to index
        %swap3A_731 = arith.constant 16 : index
        %swap3A_732 = tpu.vector_load %arg12[%swap3A_730, %swap3A_731] {strides = array<i32>} : memref<128x128xf32, #tpu.memory_space<vmem>>, vector<1x16xf32>,
        %swap3A_733 = vector.shape_cast %swap3A_732 : vector<1x16xf32> to vector<16xf32>
        %swap3A_734 = vector.shape_cast %mul3A_729 : vector<16xf32> to vector<1x16xf32>
        tpu.vector_store %arg12[%swap3A_730, %swap3A_731], %swap3A_734 {strides = array<i32>} : memref<128x128xf32, #tpu.memory_space<vmem>>, vector<1x16xf32>,
        %get3A_735 = arith.index_cast %add3A_710 : i32 to index
        %get3A_736 = arith.constant 32 : index
        %get3A_737 = tpu.vector_load %arg12[%get3A_735, %get3A_736] {strides = array<i32>} : memref<128x128xf32, #tpu.memory_space<vmem>>, vector<1x16xf32>,
        %get3A_738 = vector.shape_cast %get3A_737 : vector<1x16xf32> to vector<16xf32>
        %mul3A_739 = vector.broadcast %squeeze3A_712 : f32 to vector<16xf32>
        %mul3A_740 = arith.mulf %get3A_738, %mul3A_739 : vector<16xf32>
        %swap3A_741 = arith.index_cast %add3A_710 : i32 to index
        %swap3A_742 = arith.constant 32 : index
        %swap3A_743 = tpu.vector_load %arg12[%swap3A_741, %swap3A_742] {strides = array<i32>} : memref<128x128xf32, #tpu.memory_space<vmem>>, vector<1x16xf32>,
        %swap3A_744 = vector.shape_cast %swap3A_743 : vector<1x16xf32> to vector<16xf32>
        %swap3A_745 = vector.shape_cast %mul3A_740 : vector<16xf32> to vector<1x16xf32>
        tpu.vector_store %arg12[%swap3A_741, %swap3A_742], %swap3A_745 {strides = array<i32>} : memref<128x128xf32, #tpu.memory_space<vmem>>, vector<1x16xf32>,
        %get3A_746 = arith.index_cast %add3A_710 : i32 to index
        %get3A_747 = arith.constant 48 : index
        %get3A_748 = tpu.vector_load %arg12[%get3A_746, %get3A_747] {strides = array<i32>} : memref<128x128xf32, #tpu.memory_space<vmem>>, vector<1x16xf32>,
        %get3A_749 = vector.shape_cast %get3A_748 : vector<1x16xf32> to vector<16xf32>
        %mul3A_750 = vector.broadcast %squeeze3A_712 : f32 to vector<16xf32>
        %mul3A_751 = arith.mulf %get3A_749, %mul3A_750 : vector<16xf32>
        %swap3A_752 = arith.index_cast %add3A_710 : i32 to index
        %swap3A_753 = arith.constant 48 : index
        %swap3A_754 = tpu.vector_load %arg12[%swap3A_752, %swap3A_753] {strides = array<i32>} : memref<128x128xf32, #tpu.memory_space<vmem>>, vector<1x16xf32>,
        %swap3A_755 = vector.shape_cast %swap3A_754 : vector<1x16xf32> to vector<16xf32>
        %swap3A_756 = vector.shape_cast %mul3A_751 : vector<16xf32> to vector<1x16xf32>
        tpu.vector_store %arg12[%swap3A_752, %swap3A_753], %swap3A_756 {strides = array<i32>} : memref<128x128xf32, #tpu.memory_space<vmem>>, vector<1x16xf32>,
        %get3A_757 = arith.index_cast %add3A_710 : i32 to index
        %get3A_758 = arith.constant 64 : index
        %get3A_759 = tpu.vector_load %arg12[%get3A_757, %get3A_758] {strides = array<i32>} : memref<128x128xf32, #tpu.memory_space<vmem>>, vector<1x16xf32>,
        %get3A_760 = vector.shape_cast %get3A_759 : vector<1x16xf32> to vector<16xf32>
        %mul3A_761 = vector.broadcast %squeeze3A_712 : f32 to vector<16xf32>
        %mul3A_762 = arith.mulf %get3A_760, %mul3A_761 : vector<16xf32>
        %swap3A_763 = arith.index_cast %add3A_710 : i32 to index
        %swap3A_764 = arith.constant 64 : index
        %swap3A_765 = tpu.vector_load %arg12[%swap3A_763, %swap3A_764] {strides = array<i32>} : memref<128x128xf32, #tpu.memory_space<vmem>>, vector<1x16xf32>,
        %swap3A_766 = vector.shape_cast %swap3A_765 : vector<1x16xf32> to vector<16xf32>
        %swap3A_767 = vector.shape_cast %mul3A_762 : vector<16xf32> to vector<1x16xf32>
        tpu.vector_store %arg12[%swap3A_763, %swap3A_764], %swap3A_767 {strides = array<i32>} : memref<128x128xf32, #tpu.memory_space<vmem>>, vector<1x16xf32>,
        %get3A_768 = arith.index_cast %add3A_710 : i32 to index
        %get3A_769 = arith.constant 80 : index
        %get3A_770 = tpu.vector_load %arg12[%get3A_768, %get3A_769] {strides = array<i32>} : memref<128x128xf32, #tpu.memory_space<vmem>>, vector<1x16xf32>,
        %get3A_771 = vector.shape_cast %get3A_770 : vector<1x16xf32> to vector<16xf32>
        %mul3A_772 = vector.broadcast %squeeze3A_712 : f32 to vector<16xf32>
        %mul3A_773 = arith.mulf %get3A_771, %mul3A_772 : vector<16xf32>
        %swap3A_774 = arith.index_cast %add3A_710 : i32 to index
        %swap3A_775 = arith.constant 80 : index
        %swap3A_776 = tpu.vector_load %arg12[%swap3A_774, %swap3A_775] {strides = array<i32>} : memref<128x128xf32, #tpu.memory_space<vmem>>, vector<1x16xf32>,
        %swap3A_777 = vector.shape_cast %swap3A_776 : vector<1x16xf32> to vector<16xf32>
        %swap3A_778 = vector.shape_cast %mul3A_773 : vector<16xf32> to vector<1x16xf32>
        tpu.vector_store %arg12[%swap3A_774, %swap3A_775], %swap3A_778 {strides = array<i32>} : memref<128x128xf32, #tpu.memory_space<vmem>>, vector<1x16xf32>,
        %get3A_779 = arith.index_cast %add3A_710 : i32 to index
        %get3A_780 = arith.constant 96 : index
        %get3A_781 = tpu.vector_load %arg12[%get3A_779, %get3A_780] {strides = array<i32>} : memref<128x128xf32, #tpu.memory_space<vmem>>, vector<1x16xf32>,
        %get3A_782 = vector.shape_cast %get3A_781 : vector<1x16xf32> to vector<16xf32>
        %mul3A_783 = vector.broadcast %squeeze3A_712 : f32 to vector<16xf32>
        %mul3A_784 = arith.mulf %get3A_782, %mul3A_783 : vector<16xf32>
        %swap3A_785 = arith.index_cast %add3A_710 : i32 to index
        %swap3A_786 = arith.constant 96 : index
        %swap3A_787 = tpu.vector_load %arg12[%swap3A_785, %swap3A_786] {strides = array<i32>} : memref<128x128xf32, #tpu.memory_space<vmem>>, vector<1x16xf32>,
        %swap3A_788 = vector.shape_cast %swap3A_787 : vector<1x16xf32> to vector<16xf32>
        %swap3A_789 = vector.shape_cast %mul3A_784 : vector<16xf32> to vector<1x16xf32>
        tpu.vector_store %arg12[%swap3A_785, %swap3A_786], %swap3A_789 {strides = array<i32>} : memref<128x128xf32, #tpu.memory_space<vmem>>, vector<1x16xf32>,
        %get3A_790 = arith.index_cast %add3A_710 : i32 to index
        %get3A_791 = arith.constant 112 : index
        %get3A_792 = tpu.vector_load %arg12[%get3A_790, %get3A_791] {strides = array<i32>} : memref<128x128xf32, #tpu.memory_space<vmem>>, vector<1x16xf32>,
        %get3A_793 = vector.shape_cast %get3A_792 : vector<1x16xf32> to vector<16xf32>
        %mul3A_794 = vector.broadcast %squeeze3A_712 : f32 to vector<16xf32>
        %mul3A_795 = arith.mulf %get3A_793, %mul3A_794 : vector<16xf32>
        %swap3A_796 = arith.index_cast %add3A_710 : i32 to index
        %swap3A_797 = arith.constant 112 : index
        %swap3A_798 = tpu.vector_load %arg12[%swap3A_796, %swap3A_797] {strides = array<i32>} : memref<128x128xf32, #tpu.memory_space<vmem>>, vector<1x16xf32>,
        %swap3A_799 = vector.shape_cast %swap3A_798 : vector<1x16xf32> to vector<16xf32>
        %swap3A_800 = vector.shape_cast %mul3A_795 : vector<16xf32> to vector<1x16xf32>
        tpu.vector_store %arg12[%swap3A_796, %swap3A_797], %swap3A_800 {strides = array<i32>} : memref<128x128xf32, #tpu.memory_space<vmem>>, vector<1x16xf32>,
        %mul3A_801 = arith.constant 16 : i32
        %mul3A_802 = arith.muli %scan3A_47, %mul3A_801 : i32
        %add3A_803 = arith.constant 8 : i32
        %add3A_804 = arith.addi %mul3A_802, %add3A_803 : i32
        %slice3A_805 = vector.extract_strided_slice %get3A_51 {offsets = [8], sizes = [1], strides = [1]} : vector<16xf32> to vector<1xf32>
        %squeeze3A_806 = vector.extract %slice3A_805[0] : f32 from vector<1xf32>
        %get3A_807 = arith.index_cast %add3A_804 : i32 to index
        %get3A_808 = arith.constant 0 : index
        %get3A_809 = tpu.vector_load %arg12[%get3A_807, %get3A_808] {strides = array<i32>} : memref<128x128xf32, #tpu.memory_space<vmem>>, vector<1x16xf32>,
        %get3A_810 = vector.shape_cast %get3A_809 : vector<1x16xf32> to vector<16xf32>
        %mul3A_811 = vector.broadcast %squeeze3A_806 : f32 to vector<16xf32>
        %mul3A_812 = arith.mulf %get3A_810, %mul3A_811 : vector<16xf32>
        %swap3A_813 = arith.index_cast %add3A_804 : i32 to index
        %swap3A_814 = arith.constant 0 : index
        %swap3A_815 = tpu.vector_load %arg12[%swap3A_813, %swap3A_814] {strides = array<i32>} : memref<128x128xf32, #tpu.memory_space<vmem>>, vector<1x16xf32>,
        %swap3A_816 = vector.shape_cast %swap3A_815 : vector<1x16xf32> to vector<16xf32>
        %swap3A_817 = vector.shape_cast %mul3A_812 : vector<16xf32> to vector<1x16xf32>
        tpu.vector_store %arg12[%swap3A_813, %swap3A_814], %swap3A_817 {strides = array<i32>} : memref<128x128xf32, #tpu.memory_space<vmem>>, vector<1x16xf32>,
        %get3A_818 = arith.index_cast %add3A_804 : i32 to index
        %get3A_819 = arith.constant 16 : index
        %get3A_820 = tpu.vector_load %arg12[%get3A_818, %get3A_819] {strides = array<i32>} : memref<128x128xf32, #tpu.memory_space<vmem>>, vector<1x16xf32>,
        %get3A_821 = vector.shape_cast %get3A_820 : vector<1x16xf32> to vector<16xf32>
        %mul3A_822 = vector.broadcast %squeeze3A_806 : f32 to vector<16xf32>
        %mul3A_823 = arith.mulf %get3A_821, %mul3A_822 : vector<16xf32>
        %swap3A_824 = arith.index_cast %add3A_804 : i32 to index
        %swap3A_825 = arith.constant 16 : index
        %swap3A_826 = tpu.vector_load %arg12[%swap3A_824, %swap3A_825] {strides = array<i32>} : memref<128x128xf32, #tpu.memory_space<vmem>>, vector<1x16xf32>,
        %swap3A_827 = vector.shape_cast %swap3A_826 : vector<1x16xf32> to vector<16xf32>
        %swap3A_828 = vector.shape_cast %mul3A_823 : vector<16xf32> to vector<1x16xf32>
        tpu.vector_store %arg12[%swap3A_824, %swap3A_825], %swap3A_828 {strides = array<i32>} : memref<128x128xf32, #tpu.memory_space<vmem>>, vector<1x16xf32>,
        %get3A_829 = arith.index_cast %add3A_804 : i32 to index
        %get3A_830 = arith.constant 32 : index
        %get3A_831 = tpu.vector_load %arg12[%get3A_829, %get3A_830] {strides = array<i32>} : memref<128x128xf32, #tpu.memory_space<vmem>>, vector<1x16xf32>,
        %get3A_832 = vector.shape_cast %get3A_831 : vector<1x16xf32> to vector<16xf32>
        %mul3A_833 = vector.broadcast %squeeze3A_806 : f32 to vector<16xf32>
        %mul3A_834 = arith.mulf %get3A_832, %mul3A_833 : vector<16xf32>
        %swap3A_835 = arith.index_cast %add3A_804 : i32 to index
        %swap3A_836 = arith.constant 32 : index
        %swap3A_837 = tpu.vector_load %arg12[%swap3A_835, %swap3A_836] {strides = array<i32>} : memref<128x128xf32, #tpu.memory_space<vmem>>, vector<1x16xf32>,
        %swap3A_838 = vector.shape_cast %swap3A_837 : vector<1x16xf32> to vector<16xf32>
        %swap3A_839 = vector.shape_cast %mul3A_834 : vector<16xf32> to vector<1x16xf32>
        tpu.vector_store %arg12[%swap3A_835, %swap3A_836], %swap3A_839 {strides = array<i32>} : memref<128x128xf32, #tpu.memory_space<vmem>>, vector<1x16xf32>,
        %get3A_840 = arith.index_cast %add3A_804 : i32 to index
        %get3A_841 = arith.constant 48 : index
        %get3A_842 = tpu.vector_load %arg12[%get3A_840, %get3A_841] {strides = array<i32>} : memref<128x128xf32, #tpu.memory_space<vmem>>, vector<1x16xf32>,
        %get3A_843 = vector.shape_cast %get3A_842 : vector<1x16xf32> to vector<16xf32>
        %mul3A_844 = vector.broadcast %squeeze3A_806 : f32 to vector<16xf32>
        %mul3A_845 = arith.mulf %get3A_843, %mul3A_844 : vector<16xf32>
        %swap3A_846 = arith.index_cast %add3A_804 : i32 to index
        %swap3A_847 = arith.constant 48 : index
        %swap3A_848 = tpu.vector_load %arg12[%swap3A_846, %swap3A_847] {strides = array<i32>} : memref<128x128xf32, #tpu.memory_space<vmem>>, vector<1x16xf32>,
        %swap3A_849 = vector.shape_cast %swap3A_848 : vector<1x16xf32> to vector<16xf32>
        %swap3A_850 = vector.shape_cast %mul3A_845 : vector<16xf32> to vector<1x16xf32>
        tpu.vector_store %arg12[%swap3A_846, %swap3A_847], %swap3A_850 {strides = array<i32>} : memref<128x128xf32, #tpu.memory_space<vmem>>, vector<1x16xf32>,
        %get3A_851 = arith.index_cast %add3A_804 : i32 to index
        %get3A_852 = arith.constant 64 : index
        %get3A_853 = tpu.vector_load %arg12[%get3A_851, %get3A_852] {strides = array<i32>} : memref<128x128xf32, #tpu.memory_space<vmem>>, vector<1x16xf32>,
        %get3A_854 = vector.shape_cast %get3A_853 : vector<1x16xf32> to vector<16xf32>
        %mul3A_855 = vector.broadcast %squeeze3A_806 : f32 to vector<16xf32>
        %mul3A_856 = arith.mulf %get3A_854, %mul3A_855 : vector<16xf32>
        %swap3A_857 = arith.index_cast %add3A_804 : i32 to index
        %swap3A_858 = arith.constant 64 : index
        %swap3A_859 = tpu.vector_load %arg12[%swap3A_857, %swap3A_858] {strides = array<i32>} : memref<128x128xf32, #tpu.memory_space<vmem>>, vector<1x16xf32>,
        %swap3A_860 = vector.shape_cast %swap3A_859 : vector<1x16xf32> to vector<16xf32>
        %swap3A_861 = vector.shape_cast %mul3A_856 : vector<16xf32> to vector<1x16xf32>
        tpu.vector_store %arg12[%swap3A_857, %swap3A_858], %swap3A_861 {strides = array<i32>} : memref<128x128xf32, #tpu.memory_space<vmem>>, vector<1x16xf32>,
        %get3A_862 = arith.index_cast %add3A_804 : i32 to index
        %get3A_863 = arith.constant 80 : index
        %get3A_864 = tpu.vector_load %arg12[%get3A_862, %get3A_863] {strides = array<i32>} : memref<128x128xf32, #tpu.memory_space<vmem>>, vector<1x16xf32>,
        %get3A_865 = vector.shape_cast %get3A_864 : vector<1x16xf32> to vector<16xf32>
        %mul3A_866 = vector.broadcast %squeeze3A_806 : f32 to vector<16xf32>
        %mul3A_867 = arith.mulf %get3A_865, %mul3A_866 : vector<16xf32>
        %swap3A_868 = arith.index_cast %add3A_804 : i32 to index
        %swap3A_869 = arith.constant 80 : index
        %swap3A_870 = tpu.vector_load %arg12[%swap3A_868, %swap3A_869] {strides = array<i32>} : memref<128x128xf32, #tpu.memory_space<vmem>>, vector<1x16xf32>,
        %swap3A_871 = vector.shape_cast %swap3A_870 : vector<1x16xf32> to vector<16xf32>
        %swap3A_872 = vector.shape_cast %mul3A_867 : vector<16xf32> to vector<1x16xf32>
        tpu.vector_store %arg12[%swap3A_868, %swap3A_869], %swap3A_872 {strides = array<i32>} : memref<128x128xf32, #tpu.memory_space<vmem>>, vector<1x16xf32>,
        %get3A_873 = arith.index_cast %add3A_804 : i32 to index
        %get3A_874 = arith.constant 96 : index
        %get3A_875 = tpu.vector_load %arg12[%get3A_873, %get3A_874] {strides = array<i32>} : memref<128x128xf32, #tpu.memory_space<vmem>>, vector<1x16xf32>,
        %get3A_876 = vector.shape_cast %get3A_875 : vector<1x16xf32> to vector<16xf32>
        %mul3A_877 = vector.broadcast %squeeze3A_806 : f32 to vector<16xf32>
        %mul3A_878 = arith.mulf %get3A_876, %mul3A_877 : vector<16xf32>
        %swap3A_879 = arith.index_cast %add3A_804 : i32 to index
        %swap3A_880 = arith.constant 96 : index
        %swap3A_881 = tpu.vector_load %arg12[%swap3A_879, %swap3A_880] {strides = array<i32>} : memref<128x128xf32, #tpu.memory_space<vmem>>, vector<1x16xf32>,
        %swap3A_882 = vector.shape_cast %swap3A_881 : vector<1x16xf32> to vector<16xf32>
        %swap3A_883 = vector.shape_cast %mul3A_878 : vector<16xf32> to vector<1x16xf32>
        tpu.vector_store %arg12[%swap3A_879, %swap3A_880], %swap3A_883 {strides = array<i32>} : memref<128x128xf32, #tpu.memory_space<vmem>>, vector<1x16xf32>,
        %get3A_884 = arith.index_cast %add3A_804 : i32 to index
        %get3A_885 = arith.constant 112 : index
        %get3A_886 = tpu.vector_load %arg12[%get3A_884, %get3A_885] {strides = array<i32>} : memref<128x128xf32, #tpu.memory_space<vmem>>, vector<1x16xf32>,
        %get3A_887 = vector.shape_cast %get3A_886 : vector<1x16xf32> to vector<16xf32>
        %mul3A_888 = vector.broadcast %squeeze3A_806 : f32 to vector<16xf32>
        %mul3A_889 = arith.mulf %get3A_887, %mul3A_888 : vector<16xf32>
        %swap3A_890 = arith.index_cast %add3A_804 : i32 to index
        %swap3A_891 = arith.constant 112 : index
        %swap3A_892 = tpu.vector_load %arg12[%swap3A_890, %swap3A_891] {strides = array<i32>} : memref<128x128xf32, #tpu.memory_space<vmem>>, vector<1x16xf32>,
        %swap3A_893 = vector.shape_cast %swap3A_892 : vector<1x16xf32> to vector<16xf32>
        %swap3A_894 = vector.shape_cast %mul3A_889 : vector<16xf32> to vector<1x16xf32>
        tpu.vector_store %arg12[%swap3A_890, %swap3A_891], %swap3A_894 {strides = array<i32>} : memref<128x128xf32, #tpu.memory_space<vmem>>, vector<1x16xf32>,
        %mul3A_895 = arith.constant 16 : i32
        %mul3A_896 = arith.muli %scan3A_47, %mul3A_895 : i32
        %add3A_897 = arith.constant 9 : i32
        %add3A_898 = arith.addi %mul3A_896, %add3A_897 : i32
        %slice3A_899 = vector.extract_strided_slice %get3A_51 {offsets = [9], sizes = [1], strides = [1]} : vector<16xf32> to vector<1xf32>
        %squeeze3A_900 = vector.extract %slice3A_899[0] : f32 from vector<1xf32>
        %get3A_901 = arith.index_cast %add3A_898 : i32 to index
        %get3A_902 = arith.constant 0 : index
        %get3A_903 = tpu.vector_load %arg12[%get3A_901, %get3A_902] {strides = array<i32>} : memref<128x128xf32, #tpu.memory_space<vmem>>, vector<1x16xf32>,
        %get3A_904 = vector.shape_cast %get3A_903 : vector<1x16xf32> to vector<16xf32>
        %mul3A_905 = vector.broadcast %squeeze3A_900 : f32 to vector<16xf32>
        %mul3A_906 = arith.mulf %get3A_904, %mul3A_905 : vector<16xf32>
        %swap3A_907 = arith.index_cast %add3A_898 : i32 to index
        %swap3A_908 = arith.constant 0 : index
        %swap3A_909 = tpu.vector_load %arg12[%swap3A_907, %swap3A_908] {strides = array<i32>} : memref<128x128xf32, #tpu.memory_space<vmem>>, vector<1x16xf32>,
        %swap3A_910 = vector.shape_cast %swap3A_909 : vector<1x16xf32> to vector<16xf32>
        %swap3A_911 = vector.shape_cast %mul3A_906 : vector<16xf32> to vector<1x16xf32>
        tpu.vector_store %arg12[%swap3A_907, %swap3A_908], %swap3A_911 {strides = array<i32>} : memref<128x128xf32, #tpu.memory_space<vmem>>, vector<1x16xf32>,
        %get3A_912 = arith.index_cast %add3A_898 : i32 to index
        %get3A_913 = arith.constant 16 : index
        %get3A_914 = tpu.vector_load %arg12[%get3A_912, %get3A_913] {strides = array<i32>} : memref<128x128xf32, #tpu.memory_space<vmem>>, vector<1x16xf32>,
        %get3A_915 = vector.shape_cast %get3A_914 : vector<1x16xf32> to vector<16xf32>
        %mul3A_916 = vector.broadcast %squeeze3A_900 : f32 to vector<16xf32>
        %mul3A_917 = arith.mulf %get3A_915, %mul3A_916 : vector<16xf32>
        %swap3A_918 = arith.index_cast %add3A_898 : i32 to index
        %swap3A_919 = arith.constant 16 : index
        %swap3A_920 = tpu.vector_load %arg12[%swap3A_918, %swap3A_919] {strides = array<i32>} : memref<128x128xf32, #tpu.memory_space<vmem>>, vector<1x16xf32>,
        %swap3A_921 = vector.shape_cast %swap3A_920 : vector<1x16xf32> to vector<16xf32>
        %swap3A_922 = vector.shape_cast %mul3A_917 : vector<16xf32> to vector<1x16xf32>
        tpu.vector_store %arg12[%swap3A_918, %swap3A_919], %swap3A_922 {strides = array<i32>} : memref<128x128xf32, #tpu.memory_space<vmem>>, vector<1x16xf32>,
        %get3A_923 = arith.index_cast %add3A_898 : i32 to index
        %get3A_924 = arith.constant 32 : index
        %get3A_925 = tpu.vector_load %arg12[%get3A_923, %get3A_924] {strides = array<i32>} : memref<128x128xf32, #tpu.memory_space<vmem>>, vector<1x16xf32>,
        %get3A_926 = vector.shape_cast %get3A_925 : vector<1x16xf32> to vector<16xf32>
        %mul3A_927 = vector.broadcast %squeeze3A_900 : f32 to vector<16xf32>
        %mul3A_928 = arith.mulf %get3A_926, %mul3A_927 : vector<16xf32>
        %swap3A_929 = arith.index_cast %add3A_898 : i32 to index
        %swap3A_930 = arith.constant 32 : index
        %swap3A_931 = tpu.vector_load %arg12[%swap3A_929, %swap3A_930] {strides = array<i32>} : memref<128x128xf32, #tpu.memory_space<vmem>>, vector<1x16xf32>,
        %swap3A_932 = vector.shape_cast %swap3A_931 : vector<1x16xf32> to vector<16xf32>
        %swap3A_933 = vector.shape_cast %mul3A_928 : vector<16xf32> to vector<1x16xf32>
        tpu.vector_store %arg12[%swap3A_929, %swap3A_930], %swap3A_933 {strides = array<i32>} : memref<128x128xf32, #tpu.memory_space<vmem>>, vector<1x16xf32>,
        %get3A_934 = arith.index_cast %add3A_898 : i32 to index
        %get3A_935 = arith.constant 48 : index
        %get3A_936 = tpu.vector_load %arg12[%get3A_934, %get3A_935] {strides = array<i32>} : memref<128x128xf32, #tpu.memory_space<vmem>>, vector<1x16xf32>,
        %get3A_937 = vector.shape_cast %get3A_936 : vector<1x16xf32> to vector<16xf32>
        %mul3A_938 = vector.broadcast %squeeze3A_900 : f32 to vector<16xf32>
        %mul3A_939 = arith.mulf %get3A_937, %mul3A_938 : vector<16xf32>
        %swap3A_940 = arith.index_cast %add3A_898 : i32 to index
        %swap3A_941 = arith.constant 48 : index
        %swap3A_942 = tpu.vector_load %arg12[%swap3A_940, %swap3A_941] {strides = array<i32>} : memref<128x128xf32, #tpu.memory_space<vmem>>, vector<1x16xf32>,
        %swap3A_943 = vector.shape_cast %swap3A_942 : vector<1x16xf32> to vector<16xf32>
        %swap3A_944 = vector.shape_cast %mul3A_939 : vector<16xf32> to vector<1x16xf32>
        tpu.vector_store %arg12[%swap3A_940, %swap3A_941], %swap3A_944 {strides = array<i32>} : memref<128x128xf32, #tpu.memory_space<vmem>>, vector<1x16xf32>,
        %get3A_945 = arith.index_cast %add3A_898 : i32 to index
        %get3A_946 = arith.constant 64 : index
        %get3A_947 = tpu.vector_load %arg12[%get3A_945, %get3A_946] {strides = array<i32>} : memref<128x128xf32, #tpu.memory_space<vmem>>, vector<1x16xf32>,
        %get3A_948 = vector.shape_cast %get3A_947 : vector<1x16xf32> to vector<16xf32>
        %mul3A_949 = vector.broadcast %squeeze3A_900 : f32 to vector<16xf32>
        %mul3A_950 = arith.mulf %get3A_948, %mul3A_949 : vector<16xf32>
        %swap3A_951 = arith.index_cast %add3A_898 : i32 to index
        %swap3A_952 = arith.constant 64 : index
        %swap3A_953 = tpu.vector_load %arg12[%swap3A_951, %swap3A_952] {strides = array<i32>} : memref<128x128xf32, #tpu.memory_space<vmem>>, vector<1x16xf32>,
        %swap3A_954 = vector.shape_cast %swap3A_953 : vector<1x16xf32> to vector<16xf32>
        %swap3A_955 = vector.shape_cast %mul3A_950 : vector<16xf32> to vector<1x16xf32>
        tpu.vector_store %arg12[%swap3A_951, %swap3A_952], %swap3A_955 {strides = array<i32>} : memref<128x128xf32, #tpu.memory_space<vmem>>, vector<1x16xf32>,
        %get3A_956 = arith.index_cast %add3A_898 : i32 to index
        %get3A_957 = arith.constant 80 : index
        %get3A_958 = tpu.vector_load %arg12[%get3A_956, %get3A_957] {strides = array<i32>} : memref<128x128xf32, #tpu.memory_space<vmem>>, vector<1x16xf32>,
        %get3A_959 = vector.shape_cast %get3A_958 : vector<1x16xf32> to vector<16xf32>
        %mul3A_960 = vector.broadcast %squeeze3A_900 : f32 to vector<16xf32>
        %mul3A_961 = arith.mulf %get3A_959, %mul3A_960 : vector<16xf32>
        %swap3A_962 = arith.index_cast %add3A_898 : i32 to index
        %swap3A_963 = arith.constant 80 : index
        %swap3A_964 = tpu.vector_load %arg12[%swap3A_962, %swap3A_963] {strides = array<i32>} : memref<128x128xf32, #tpu.memory_space<vmem>>, vector<1x16xf32>,
        %swap3A_965 = vector.shape_cast %swap3A_964 : vector<1x16xf32> to vector<16xf32>
        %swap3A_966 = vector.shape_cast %mul3A_961 : vector<16xf32> to vector<1x16xf32>
        tpu.vector_store %arg12[%swap3A_962, %swap3A_963], %swap3A_966 {strides = array<i32>} : memref<128x128xf32, #tpu.memory_space<vmem>>, vector<1x16xf32>,
        %get3A_967 = arith.index_cast %add3A_898 : i32 to index
        %get3A_968 = arith.constant 96 : index
        %get3A_969 = tpu.vector_load %arg12[%get3A_967, %get3A_968] {strides = array<i32>} : memref<128x128xf32, #tpu.memory_space<vmem>>, vector<1x16xf32>,
        %get3A_970 = vector.shape_cast %get3A_969 : vector<1x16xf32> to vector<16xf32>
        %mul3A_971 = vector.broadcast %squeeze3A_900 : f32 to vector<16xf32>
        %mul3A_972 = arith.mulf %get3A_970, %mul3A_971 : vector<16xf32>
        %swap3A_973 = arith.index_cast %add3A_898 : i32 to index
        %swap3A_974 = arith.constant 96 : index
        %swap3A_975 = tpu.vector_load %arg12[%swap3A_973, %swap3A_974] {strides = array<i32>} : memref<128x128xf32, #tpu.memory_space<vmem>>, vector<1x16xf32>,
        %swap3A_976 = vector.shape_cast %swap3A_975 : vector<1x16xf32> to vector<16xf32>
        %swap3A_977 = vector.shape_cast %mul3A_972 : vector<16xf32> to vector<1x16xf32>
        tpu.vector_store %arg12[%swap3A_973, %swap3A_974], %swap3A_977 {strides = array<i32>} : memref<128x128xf32, #tpu.memory_space<vmem>>, vector<1x16xf32>,
        %get3A_978 = arith.index_cast %add3A_898 : i32 to index
        %get3A_979 = arith.constant 112 : index
        %get3A_980 = tpu.vector_load %arg12[%get3A_978, %get3A_979] {strides = array<i32>} : memref<128x128xf32, #tpu.memory_space<vmem>>, vector<1x16xf32>,
        %get3A_981 = vector.shape_cast %get3A_980 : vector<1x16xf32> to vector<16xf32>
        %mul3A_982 = vector.broadcast %squeeze3A_900 : f32 to vector<16xf32>
        %mul3A_983 = arith.mulf %get3A_981, %mul3A_982 : vector<16xf32>
        %swap3A_984 = arith.index_cast %add3A_898 : i32 to index
        %swap3A_985 = arith.constant 112 : index
        %swap3A_986 = tpu.vector_load %arg12[%swap3A_984, %swap3A_985] {strides = array<i32>} : memref<128x128xf32, #tpu.memory_space<vmem>>, vector<1x16xf32>,
        %swap3A_987 = vector.shape_cast %swap3A_986 : vector<1x16xf32> to vector<16xf32>
        %swap3A_988 = vector.shape_cast %mul3A_983 : vector<16xf32> to vector<1x16xf32>
        tpu.vector_store %arg12[%swap3A_984, %swap3A_985], %swap3A_988 {strides = array<i32>} : memref<128x128xf32, #tpu.memory_space<vmem>>, vector<1x16xf32>,
        %mul3A_989 = arith.constant 16 : i32
        %mul3A_990 = arith.muli %scan3A_47, %mul3A_989 : i32
        %add3A_991 = arith.constant 10 : i32
        %add3A_992 = arith.addi %mul3A_990, %add3A_991 : i32
        %slice3A_993 = vector.extract_strided_slice %get3A_51 {offsets = [10], sizes = [1], strides = [1]} : vector<16xf32> to vector<1xf32>
        %squeeze3A_994 = vector.extract %slice3A_993[0] : f32 from vector<1xf32>
        %get3A_995 = arith.index_cast %add3A_992 : i32 to index
        %get3A_996 = arith.constant 0 : index
        %get3A_997 = tpu.vector_load %arg12[%get3A_995, %get3A_996] {strides = array<i32>} : memref<128x128xf32, #tpu.memory_space<vmem>>, vector<1x16xf32>,
        %get3A_998 = vector.shape_cast %get3A_997 : vector<1x16xf32> to vector<16xf32>
        %mul3A_999 = vector.broadcast %squeeze3A_994 : f32 to vector<16xf32>
        %mul3A_1000 = arith.mulf %get3A_998, %mul3A_999 : vector<16xf32>
        %swap3A_1001 = arith.index_cast %add3A_992 : i32 to index
        %swap3A_1002 = arith.constant 0 : index
        %swap3A_1003 = tpu.vector_load %arg12[%swap3A_1001, %swap3A_1002] {strides = array<i32>} : memref<128x128xf32, #tpu.memory_space<vmem>>, vector<1x16xf32>,
        %swap3A_1004 = vector.shape_cast %swap3A_1003 : vector<1x16xf32> to vector<16xf32>
        %swap3A_1005 = vector.shape_cast %mul3A_1000 : vector<16xf32> to vector<1x16xf32>
        tpu.vector_store %arg12[%swap3A_1001, %swap3A_1002], %swap3A_1005 {strides = array<i32>} : memref<128x128xf32, #tpu.memory_space<vmem>>, vector<1x16xf32>,
        %get3A_1006 = arith.index_cast %add3A_992 : i32 to index
        %get3A_1007 = arith.constant 16 : index
        %get3A_1008 = tpu.vector_load %arg12[%get3A_1006, %get3A_1007] {strides = array<i32>} : memref<128x128xf32, #tpu.memory_space<vmem>>, vector<1x16xf32>,
        %get3A_1009 = vector.shape_cast %get3A_1008 : vector<1x16xf32> to vector<16xf32>
        %mul3A_1010 = vector.broadcast %squeeze3A_994 : f32 to vector<16xf32>
        %mul3A_1011 = arith.mulf %get3A_1009, %mul3A_1010 : vector<16xf32>
        %swap3A_1012 = arith.index_cast %add3A_992 : i32 to index
        %swap3A_1013 = arith.constant 16 : index
        %swap3A_1014 = tpu.vector_load %arg12[%swap3A_1012, %swap3A_1013] {strides = array<i32>} : memref<128x128xf32, #tpu.memory_space<vmem>>, vector<1x16xf32>,
        %swap3A_1015 = vector.shape_cast %swap3A_1014 : vector<1x16xf32> to vector<16xf32>
        %swap3A_1016 = vector.shape_cast %mul3A_1011 : vector<16xf32> to vector<1x16xf32>
        tpu.vector_store %arg12[%swap3A_1012, %swap3A_1013], %swap3A_1016 {strides = array<i32>} : memref<128x128xf32, #tpu.memory_space<vmem>>, vector<1x16xf32>,
        %get3A_1017 = arith.index_cast %add3A_992 : i32 to index
        %get3A_1018 = arith.constant 32 : index
        %get3A_1019 = tpu.vector_load %arg12[%get3A_1017, %get3A_1018] {strides = array<i32>} : memref<128x128xf32, #tpu.memory_space<vmem>>, vector<1x16xf32>,
        %get3A_1020 = vector.shape_cast %get3A_1019 : vector<1x16xf32> to vector<16xf32>
        %mul3A_1021 = vector.broadcast %squeeze3A_994 : f32 to vector<16xf32>
        %mul3A_1022 = arith.mulf %get3A_1020, %mul3A_1021 : vector<16xf32>
        %swap3A_1023 = arith.index_cast %add3A_992 : i32 to index
        %swap3A_1024 = arith.constant 32 : index
        %swap3A_1025 = tpu.vector_load %arg12[%swap3A_1023, %swap3A_1024] {strides = array<i32>} : memref<128x128xf32, #tpu.memory_space<vmem>>, vector<1x16xf32>,
        %swap3A_1026 = vector.shape_cast %swap3A_1025 : vector<1x16xf32> to vector<16xf32>
        %swap3A_1027 = vector.shape_cast %mul3A_1022 : vector<16xf32> to vector<1x16xf32>
        tpu.vector_store %arg12[%swap3A_1023, %swap3A_1024], %swap3A_1027 {strides = array<i32>} : memref<128x128xf32, #tpu.memory_space<vmem>>, vector<1x16xf32>,
        %get3A_1028 = arith.index_cast %add3A_992 : i32 to index
        %get3A_1029 = arith.constant 48 : index
        %get3A_1030 = tpu.vector_load %arg12[%get3A_1028, %get3A_1029] {strides = array<i32>} : memref<128x128xf32, #tpu.memory_space<vmem>>, vector<1x16xf32>,
        %get3A_1031 = vector.shape_cast %get3A_1030 : vector<1x16xf32> to vector<16xf32>
        %mul3A_1032 = vector.broadcast %squeeze3A_994 : f32 to vector<16xf32>
        %mul3A_1033 = arith.mulf %get3A_1031, %mul3A_1032 : vector<16xf32>
        %swap3A_1034 = arith.index_cast %add3A_992 : i32 to index
        %swap3A_1035 = arith.constant 48 : index
        %swap3A_1036 = tpu.vector_load %arg12[%swap3A_1034, %swap3A_1035] {strides = array<i32>} : memref<128x128xf32, #tpu.memory_space<vmem>>, vector<1x16xf32>,
        %swap3A_1037 = vector.shape_cast %swap3A_1036 : vector<1x16xf32> to vector<16xf32>
        %swap3A_1038 = vector.shape_cast %mul3A_1033 : vector<16xf32> to vector<1x16xf32>
        tpu.vector_store %arg12[%swap3A_1034, %swap3A_1035], %swap3A_1038 {strides = array<i32>} : memref<128x128xf32, #tpu.memory_space<vmem>>, vector<1x16xf32>,
        %get3A_1039 = arith.index_cast %add3A_992 : i32 to index
        %get3A_1040 = arith.constant 64 : index
        %get3A_1041 = tpu.vector_load %arg12[%get3A_1039, %get3A_1040] {strides = array<i32>} : memref<128x128xf32, #tpu.memory_space<vmem>>, vector<1x16xf32>,
        %get3A_1042 = vector.shape_cast %get3A_1041 : vector<1x16xf32> to vector<16xf32>
        %mul3A_1043 = vector.broadcast %squeeze3A_994 : f32 to vector<16xf32>
        %mul3A_1044 = arith.mulf %get3A_1042, %mul3A_1043 : vector<16xf32>
        %swap3A_1045 = arith.index_cast %add3A_992 : i32 to index
        %swap3A_1046 = arith.constant 64 : index
        %swap3A_1047 = tpu.vector_load %arg12[%swap3A_1045, %swap3A_1046] {strides = array<i32>} : memref<128x128xf32, #tpu.memory_space<vmem>>, vector<1x16xf32>,
        %swap3A_1048 = vector.shape_cast %swap3A_1047 : vector<1x16xf32> to vector<16xf32>
        %swap3A_1049 = vector.shape_cast %mul3A_1044 : vector<16xf32> to vector<1x16xf32>
        tpu.vector_store %arg12[%swap3A_1045, %swap3A_1046], %swap3A_1049 {strides = array<i32>} : memref<128x128xf32, #tpu.memory_space<vmem>>, vector<1x16xf32>,
        %get3A_1050 = arith.index_cast %add3A_992 : i32 to index
        %get3A_1051 = arith.constant 80 : index
        %get3A_1052 = tpu.vector_load %arg12[%get3A_1050, %get3A_1051] {strides = array<i32>} : memref<128x128xf32, #tpu.memory_space<vmem>>, vector<1x16xf32>,
        %get3A_1053 = vector.shape_cast %get3A_1052 : vector<1x16xf32> to vector<16xf32>
        %mul3A_1054 = vector.broadcast %squeeze3A_994 : f32 to vector<16xf32>
        %mul3A_1055 = arith.mulf %get3A_1053, %mul3A_1054 : vector<16xf32>
        %swap3A_1056 = arith.index_cast %add3A_992 : i32 to index
        %swap3A_1057 = arith.constant 80 : index
        %swap3A_1058 = tpu.vector_load %arg12[%swap3A_1056, %swap3A_1057] {strides = array<i32>} : memref<128x128xf32, #tpu.memory_space<vmem>>, vector<1x16xf32>,
        %swap3A_1059 = vector.shape_cast %swap3A_1058 : vector<1x16xf32> to vector<16xf32>
        %swap3A_1060 = vector.shape_cast %mul3A_1055 : vector<16xf32> to vector<1x16xf32>
        tpu.vector_store %arg12[%swap3A_1056, %swap3A_1057], %swap3A_1060 {strides = array<i32>} : memref<128x128xf32, #tpu.memory_space<vmem>>, vector<1x16xf32>,
        %get3A_1061 = arith.index_cast %add3A_992 : i32 to index
        %get3A_1062 = arith.constant 96 : index
        %get3A_1063 = tpu.vector_load %arg12[%get3A_1061, %get3A_1062] {strides = array<i32>} : memref<128x128xf32, #tpu.memory_space<vmem>>, vector<1x16xf32>,
        %get3A_1064 = vector.shape_cast %get3A_1063 : vector<1x16xf32> to vector<16xf32>
        %mul3A_1065 = vector.broadcast %squeeze3A_994 : f32 to vector<16xf32>
        %mul3A_1066 = arith.mulf %get3A_1064, %mul3A_1065 : vector<16xf32>
        %swap3A_1067 = arith.index_cast %add3A_992 : i32 to index
        %swap3A_1068 = arith.constant 96 : index
        %swap3A_1069 = tpu.vector_load %arg12[%swap3A_1067, %swap3A_1068] {strides = array<i32>} : memref<128x128xf32, #tpu.memory_space<vmem>>, vector<1x16xf32>,
        %swap3A_1070 = vector.shape_cast %swap3A_1069 : vector<1x16xf32> to vector<16xf32>
        %swap3A_1071 = vector.shape_cast %mul3A_1066 : vector<16xf32> to vector<1x16xf32>
        tpu.vector_store %arg12[%swap3A_1067, %swap3A_1068], %swap3A_1071 {strides = array<i32>} : memref<128x128xf32, #tpu.memory_space<vmem>>, vector<1x16xf32>,
        %get3A_1072 = arith.index_cast %add3A_992 : i32 to index
        %get3A_1073 = arith.constant 112 : index
        %get3A_1074 = tpu.vector_load %arg12[%get3A_1072, %get3A_1073] {strides = array<i32>} : memref<128x128xf32, #tpu.memory_space<vmem>>, vector<1x16xf32>,
        %get3A_1075 = vector.shape_cast %get3A_1074 : vector<1x16xf32> to vector<16xf32>
        %mul3A_1076 = vector.broadcast %squeeze3A_994 : f32 to vector<16xf32>
        %mul3A_1077 = arith.mulf %get3A_1075, %mul3A_1076 : vector<16xf32>
        %swap3A_1078 = arith.index_cast %add3A_992 : i32 to index
        %swap3A_1079 = arith.constant 112 : index
        %swap3A_1080 = tpu.vector_load %arg12[%swap3A_1078, %swap3A_1079] {strides = array<i32>} : memref<128x128xf32, #tpu.memory_space<vmem>>, vector<1x16xf32>,
        %swap3A_1081 = vector.shape_cast %swap3A_1080 : vector<1x16xf32> to vector<16xf32>
        %swap3A_1082 = vector.shape_cast %mul3A_1077 : vector<16xf32> to vector<1x16xf32>
        tpu.vector_store %arg12[%swap3A_1078, %swap3A_1079], %swap3A_1082 {strides = array<i32>} : memref<128x128xf32, #tpu.memory_space<vmem>>, vector<1x16xf32>,
        %mul3A_1083 = arith.constant 16 : i32
        %mul3A_1084 = arith.muli %scan3A_47, %mul3A_1083 : i32
        %add3A_1085 = arith.constant 11 : i32
        %add3A_1086 = arith.addi %mul3A_1084, %add3A_1085 : i32
        %slice3A_1087 = vector.extract_strided_slice %get3A_51 {offsets = [11], sizes = [1], strides = [1]} : vector<16xf32> to vector<1xf32>
        %squeeze3A_1088 = vector.extract %slice3A_1087[0] : f32 from vector<1xf32>
        %get3A_1089 = arith.index_cast %add3A_1086 : i32 to index
        %get3A_1090 = arith.constant 0 : index
        %get3A_1091 = tpu.vector_load %arg12[%get3A_1089, %get3A_1090] {strides = array<i32>} : memref<128x128xf32, #tpu.memory_space<vmem>>, vector<1x16xf32>,
        %get3A_1092 = vector.shape_cast %get3A_1091 : vector<1x16xf32> to vector<16xf32>
        %mul3A_1093 = vector.broadcast %squeeze3A_1088 : f32 to vector<16xf32>
        %mul3A_1094 = arith.mulf %get3A_1092, %mul3A_1093 : vector<16xf32>
        %swap3A_1095 = arith.index_cast %add3A_1086 : i32 to index
        %swap3A_1096 = arith.constant 0 : index
        %swap3A_1097 = tpu.vector_load %arg12[%swap3A_1095, %swap3A_1096] {strides = array<i32>} : memref<128x128xf32, #tpu.memory_space<vmem>>, vector<1x16xf32>,
        %swap3A_1098 = vector.shape_cast %swap3A_1097 : vector<1x16xf32> to vector<16xf32>
        %swap3A_1099 = vector.shape_cast %mul3A_1094 : vector<16xf32> to vector<1x16xf32>
        tpu.vector_store %arg12[%swap3A_1095, %swap3A_1096], %swap3A_1099 {strides = array<i32>} : memref<128x128xf32, #tpu.memory_space<vmem>>, vector<1x16xf32>,
        %get3A_1100 = arith.index_cast %add3A_1086 : i32 to index
        %get3A_1101 = arith.constant 16 : index
        %get3A_1102 = tpu.vector_load %arg12[%get3A_1100, %get3A_1101] {strides = array<i32>} : memref<128x128xf32, #tpu.memory_space<vmem>>, vector<1x16xf32>,
        %get3A_1103 = vector.shape_cast %get3A_1102 : vector<1x16xf32> to vector<16xf32>
        %mul3A_1104 = vector.broadcast %squeeze3A_1088 : f32 to vector<16xf32>
        %mul3A_1105 = arith.mulf %get3A_1103, %mul3A_1104 : vector<16xf32>
        %swap3A_1106 = arith.index_cast %add3A_1086 : i32 to index
        %swap3A_1107 = arith.constant 16 : index
        %swap3A_1108 = tpu.vector_load %arg12[%swap3A_1106, %swap3A_1107] {strides = array<i32>} : memref<128x128xf32, #tpu.memory_space<vmem>>, vector<1x16xf32>,
        %swap3A_1109 = vector.shape_cast %swap3A_1108 : vector<1x16xf32> to vector<16xf32>
        %swap3A_1110 = vector.shape_cast %mul3A_1105 : vector<16xf32> to vector<1x16xf32>
        tpu.vector_store %arg12[%swap3A_1106, %swap3A_1107], %swap3A_1110 {strides = array<i32>} : memref<128x128xf32, #tpu.memory_space<vmem>>, vector<1x16xf32>,
        %get3A_1111 = arith.index_cast %add3A_1086 : i32 to index
        %get3A_1112 = arith.constant 32 : index
        %get3A_1113 = tpu.vector_load %arg12[%get3A_1111, %get3A_1112] {strides = array<i32>} : memref<128x128xf32, #tpu.memory_space<vmem>>, vector<1x16xf32>,
        %get3A_1114 = vector.shape_cast %get3A_1113 : vector<1x16xf32> to vector<16xf32>
        %mul3A_1115 = vector.broadcast %squeeze3A_1088 : f32 to vector<16xf32>
        %mul3A_1116 = arith.mulf %get3A_1114, %mul3A_1115 : vector<16xf32>
        %swap3A_1117 = arith.index_cast %add3A_1086 : i32 to index
        %swap3A_1118 = arith.constant 32 : index
        %swap3A_1119 = tpu.vector_load %arg12[%swap3A_1117, %swap3A_1118] {strides = array<i32>} : memref<128x128xf32, #tpu.memory_space<vmem>>, vector<1x16xf32>,
        %swap3A_1120 = vector.shape_cast %swap3A_1119 : vector<1x16xf32> to vector<16xf32>
        %swap3A_1121 = vector.shape_cast %mul3A_1116 : vector<16xf32> to vector<1x16xf32>
        tpu.vector_store %arg12[%swap3A_1117, %swap3A_1118], %swap3A_1121 {strides = array<i32>} : memref<128x128xf32, #tpu.memory_space<vmem>>, vector<1x16xf32>,
        %get3A_1122 = arith.index_cast %add3A_1086 : i32 to index
        %get3A_1123 = arith.constant 48 : index
        %get3A_1124 = tpu.vector_load %arg12[%get3A_1122, %get3A_1123] {strides = array<i32>} : memref<128x128xf32, #tpu.memory_space<vmem>>, vector<1x16xf32>,
        %get3A_1125 = vector.shape_cast %get3A_1124 : vector<1x16xf32> to vector<16xf32>
        %mul3A_1126 = vector.broadcast %squeeze3A_1088 : f32 to vector<16xf32>
        %mul3A_1127 = arith.mulf %get3A_1125, %mul3A_1126 : vector<16xf32>
        %swap3A_1128 = arith.index_cast %add3A_1086 : i32 to index
        %swap3A_1129 = arith.constant 48 : index
        %swap3A_1130 = tpu.vector_load %arg12[%swap3A_1128, %swap3A_1129] {strides = array<i32>} : memref<128x128xf32, #tpu.memory_space<vmem>>, vector<1x16xf32>,
        %swap3A_1131 = vector.shape_cast %swap3A_1130 : vector<1x16xf32> to vector<16xf32>
        %swap3A_1132 = vector.shape_cast %mul3A_1127 : vector<16xf32> to vector<1x16xf32>
        tpu.vector_store %arg12[%swap3A_1128, %swap3A_1129], %swap3A_1132 {strides = array<i32>} : memref<128x128xf32, #tpu.memory_space<vmem>>, vector<1x16xf32>,
        %get3A_1133 = arith.index_cast %add3A_1086 : i32 to index
        %get3A_1134 = arith.constant 64 : index
        %get3A_1135 = tpu.vector_load %arg12[%get3A_1133, %get3A_1134] {strides = array<i32>} : memref<128x128xf32, #tpu.memory_space<vmem>>, vector<1x16xf32>,
        %get3A_1136 = vector.shape_cast %get3A_1135 : vector<1x16xf32> to vector<16xf32>
        %mul3A_1137 = vector.broadcast %squeeze3A_1088 : f32 to vector<16xf32>
        %mul3A_1138 = arith.mulf %get3A_1136, %mul3A_1137 : vector<16xf32>
        %swap3A_1139 = arith.index_cast %add3A_1086 : i32 to index
        %swap3A_1140 = arith.constant 64 : index
        %swap3A_1141 = tpu.vector_load %arg12[%swap3A_1139, %swap3A_1140] {strides = array<i32>} : memref<128x128xf32, #tpu.memory_space<vmem>>, vector<1x16xf32>,
        %swap3A_1142 = vector.shape_cast %swap3A_1141 : vector<1x16xf32> to vector<16xf32>
        %swap3A_1143 = vector.shape_cast %mul3A_1138 : vector<16xf32> to vector<1x16xf32>
        tpu.vector_store %arg12[%swap3A_1139, %swap3A_1140], %swap3A_1143 {strides = array<i32>} : memref<128x128xf32, #tpu.memory_space<vmem>>, vector<1x16xf32>,
        %get3A_1144 = arith.index_cast %add3A_1086 : i32 to index
        %get3A_1145 = arith.constant 80 : index
        %get3A_1146 = tpu.vector_load %arg12[%get3A_1144, %get3A_1145] {strides = array<i32>} : memref<128x128xf32, #tpu.memory_space<vmem>>, vector<1x16xf32>,
        %get3A_1147 = vector.shape_cast %get3A_1146 : vector<1x16xf32> to vector<16xf32>
        %mul3A_1148 = vector.broadcast %squeeze3A_1088 : f32 to vector<16xf32>
        %mul3A_1149 = arith.mulf %get3A_1147, %mul3A_1148 : vector<16xf32>
        %swap3A_1150 = arith.index_cast %add3A_1086 : i32 to index
        %swap3A_1151 = arith.constant 80 : index
        %swap3A_1152 = tpu.vector_load %arg12[%swap3A_1150, %swap3A_1151] {strides = array<i32>} : memref<128x128xf32, #tpu.memory_space<vmem>>, vector<1x16xf32>,
        %swap3A_1153 = vector.shape_cast %swap3A_1152 : vector<1x16xf32> to vector<16xf32>
        %swap3A_1154 = vector.shape_cast %mul3A_1149 : vector<16xf32> to vector<1x16xf32>
        tpu.vector_store %arg12[%swap3A_1150, %swap3A_1151], %swap3A_1154 {strides = array<i32>} : memref<128x128xf32, #tpu.memory_space<vmem>>, vector<1x16xf32>,
        %get3A_1155 = arith.index_cast %add3A_1086 : i32 to index
        %get3A_1156 = arith.constant 96 : index
        %get3A_1157 = tpu.vector_load %arg12[%get3A_1155, %get3A_1156] {strides = array<i32>} : memref<128x128xf32, #tpu.memory_space<vmem>>, vector<1x16xf32>,
        %get3A_1158 = vector.shape_cast %get3A_1157 : vector<1x16xf32> to vector<16xf32>
        %mul3A_1159 = vector.broadcast %squeeze3A_1088 : f32 to vector<16xf32>
        %mul3A_1160 = arith.mulf %get3A_1158, %mul3A_1159 : vector<16xf32>
        %swap3A_1161 = arith.index_cast %add3A_1086 : i32 to index
        %swap3A_1162 = arith.constant 96 : index
        %swap3A_1163 = tpu.vector_load %arg12[%swap3A_1161, %swap3A_1162] {strides = array<i32>} : memref<128x128xf32, #tpu.memory_space<vmem>>, vector<1x16xf32>,
        %swap3A_1164 = vector.shape_cast %swap3A_1163 : vector<1x16xf32> to vector<16xf32>
        %swap3A_1165 = vector.shape_cast %mul3A_1160 : vector<16xf32> to vector<1x16xf32>
        tpu.vector_store %arg12[%swap3A_1161, %swap3A_1162], %swap3A_1165 {strides = array<i32>} : memref<128x128xf32, #tpu.memory_space<vmem>>, vector<1x16xf32>,
        %get3A_1166 = arith.index_cast %add3A_1086 : i32 to index
        %get3A_1167 = arith.constant 112 : index
        %get3A_1168 = tpu.vector_load %arg12[%get3A_1166, %get3A_1167] {strides = array<i32>} : memref<128x128xf32, #tpu.memory_space<vmem>>, vector<1x16xf32>,
        %get3A_1169 = vector.shape_cast %get3A_1168 : vector<1x16xf32> to vector<16xf32>
        %mul3A_1170 = vector.broadcast %squeeze3A_1088 : f32 to vector<16xf32>
        %mul3A_1171 = arith.mulf %get3A_1169, %mul3A_1170 : vector<16xf32>
        %swap3A_1172 = arith.index_cast %add3A_1086 : i32 to index
        %swap3A_1173 = arith.constant 112 : index
        %swap3A_1174 = tpu.vector_load %arg12[%swap3A_1172, %swap3A_1173] {strides = array<i32>} : memref<128x128xf32, #tpu.memory_space<vmem>>, vector<1x16xf32>,
        %swap3A_1175 = vector.shape_cast %swap3A_1174 : vector<1x16xf32> to vector<16xf32>
        %swap3A_1176 = vector.shape_cast %mul3A_1171 : vector<16xf32> to vector<1x16xf32>
        tpu.vector_store %arg12[%swap3A_1172, %swap3A_1173], %swap3A_1176 {strides = array<i32>} : memref<128x128xf32, #tpu.memory_space<vmem>>, vector<1x16xf32>,
        %mul3A_1177 = arith.constant 16 : i32
        %mul3A_1178 = arith.muli %scan3A_47, %mul3A_1177 : i32
        %add3A_1179 = arith.constant 12 : i32
        %add3A_1180 = arith.addi %mul3A_1178, %add3A_1179 : i32
        %slice3A_1181 = vector.extract_strided_slice %get3A_51 {offsets = [12], sizes = [1], strides = [1]} : vector<16xf32> to vector<1xf32>
        %squeeze3A_1182 = vector.extract %slice3A_1181[0] : f32 from vector<1xf32>
        %get3A_1183 = arith.index_cast %add3A_1180 : i32 to index
        %get3A_1184 = arith.constant 0 : index
        %get3A_1185 = tpu.vector_load %arg12[%get3A_1183, %get3A_1184] {strides = array<i32>} : memref<128x128xf32, #tpu.memory_space<vmem>>, vector<1x16xf32>,
        %get3A_1186 = vector.shape_cast %get3A_1185 : vector<1x16xf32> to vector<16xf32>
        %mul3A_1187 = vector.broadcast %squeeze3A_1182 : f32 to vector<16xf32>
        %mul3A_1188 = arith.mulf %get3A_1186, %mul3A_1187 : vector<16xf32>
        %swap3A_1189 = arith.index_cast %add3A_1180 : i32 to index
        %swap3A_1190 = arith.constant 0 : index
        %swap3A_1191 = tpu.vector_load %arg12[%swap3A_1189, %swap3A_1190] {strides = array<i32>} : memref<128x128xf32, #tpu.memory_space<vmem>>, vector<1x16xf32>,
        %swap3A_1192 = vector.shape_cast %swap3A_1191 : vector<1x16xf32> to vector<16xf32>
        %swap3A_1193 = vector.shape_cast %mul3A_1188 : vector<16xf32> to vector<1x16xf32>
        tpu.vector_store %arg12[%swap3A_1189, %swap3A_1190], %swap3A_1193 {strides = array<i32>} : memref<128x128xf32, #tpu.memory_space<vmem>>, vector<1x16xf32>,
        %get3A_1194 = arith.index_cast %add3A_1180 : i32 to index
        %get3A_1195 = arith.constant 16 : index
        %get3A_1196 = tpu.vector_load %arg12[%get3A_1194, %get3A_1195] {strides = array<i32>} : memref<128x128xf32, #tpu.memory_space<vmem>>, vector<1x16xf32>,
        %get3A_1197 = vector.shape_cast %get3A_1196 : vector<1x16xf32> to vector<16xf32>
        %mul3A_1198 = vector.broadcast %squeeze3A_1182 : f32 to vector<16xf32>
        %mul3A_1199 = arith.mulf %get3A_1197, %mul3A_1198 : vector<16xf32>
        %swap3A_1200 = arith.index_cast %add3A_1180 : i32 to index
        %swap3A_1201 = arith.constant 16 : index
        %swap3A_1202 = tpu.vector_load %arg12[%swap3A_1200, %swap3A_1201] {strides = array<i32>} : memref<128x128xf32, #tpu.memory_space<vmem>>, vector<1x16xf32>,
        %swap3A_1203 = vector.shape_cast %swap3A_1202 : vector<1x16xf32> to vector<16xf32>
        %swap3A_1204 = vector.shape_cast %mul3A_1199 : vector<16xf32> to vector<1x16xf32>
        tpu.vector_store %arg12[%swap3A_1200, %swap3A_1201], %swap3A_1204 {strides = array<i32>} : memref<128x128xf32, #tpu.memory_space<vmem>>, vector<1x16xf32>,
        %get3A_1205 = arith.index_cast %add3A_1180 : i32 to index
        %get3A_1206 = arith.constant 32 : index
        %get3A_1207 = tpu.vector_load %arg12[%get3A_1205, %get3A_1206] {strides = array<i32>} : memref<128x128xf32, #tpu.memory_space<vmem>>, vector<1x16xf32>,
        %get3A_1208 = vector.shape_cast %get3A_1207 : vector<1x16xf32> to vector<16xf32>
        %mul3A_1209 = vector.broadcast %squeeze3A_1182 : f32 to vector<16xf32>
        %mul3A_1210 = arith.mulf %get3A_1208, %mul3A_1209 : vector<16xf32>
        %swap3A_1211 = arith.index_cast %add3A_1180 : i32 to index
        %swap3A_1212 = arith.constant 32 : index
        %swap3A_1213 = tpu.vector_load %arg12[%swap3A_1211, %swap3A_1212] {strides = array<i32>} : memref<128x128xf32, #tpu.memory_space<vmem>>, vector<1x16xf32>,
        %swap3A_1214 = vector.shape_cast %swap3A_1213 : vector<1x16xf32> to vector<16xf32>
        %swap3A_1215 = vector.shape_cast %mul3A_1210 : vector<16xf32> to vector<1x16xf32>
        tpu.vector_store %arg12[%swap3A_1211, %swap3A_1212], %swap3A_1215 {strides = array<i32>} : memref<128x128xf32, #tpu.memory_space<vmem>>, vector<1x16xf32>,
        %get3A_1216 = arith.index_cast %add3A_1180 : i32 to index
        %get3A_1217 = arith.constant 48 : index
        %get3A_1218 = tpu.vector_load %arg12[%get3A_1216, %get3A_1217] {strides = array<i32>} : memref<128x128xf32, #tpu.memory_space<vmem>>, vector<1x16xf32>,
        %get3A_1219 = vector.shape_cast %get3A_1218 : vector<1x16xf32> to vector<16xf32>
        %mul3A_1220 = vector.broadcast %squeeze3A_1182 : f32 to vector<16xf32>
        %mul3A_1221 = arith.mulf %get3A_1219, %mul3A_1220 : vector<16xf32>
        %swap3A_1222 = arith.index_cast %add3A_1180 : i32 to index
        %swap3A_1223 = arith.constant 48 : index
        %swap3A_1224 = tpu.vector_load %arg12[%swap3A_1222, %swap3A_1223] {strides = array<i32>} : memref<128x128xf32, #tpu.memory_space<vmem>>, vector<1x16xf32>,
        %swap3A_1225 = vector.shape_cast %swap3A_1224 : vector<1x16xf32> to vector<16xf32>
        %swap3A_1226 = vector.shape_cast %mul3A_1221 : vector<16xf32> to vector<1x16xf32>
        tpu.vector_store %arg12[%swap3A_1222, %swap3A_1223], %swap3A_1226 {strides = array<i32>} : memref<128x128xf32, #tpu.memory_space<vmem>>, vector<1x16xf32>,
        %get3A_1227 = arith.index_cast %add3A_1180 : i32 to index
        %get3A_1228 = arith.constant 64 : index
        %get3A_1229 = tpu.vector_load %arg12[%get3A_1227, %get3A_1228] {strides = array<i32>} : memref<128x128xf32, #tpu.memory_space<vmem>>, vector<1x16xf32>,
        %get3A_1230 = vector.shape_cast %get3A_1229 : vector<1x16xf32> to vector<16xf32>
        %mul3A_1231 = vector.broadcast %squeeze3A_1182 : f32 to vector<16xf32>
        %mul3A_1232 = arith.mulf %get3A_1230, %mul3A_1231 : vector<16xf32>
        %swap3A_1233 = arith.index_cast %add3A_1180 : i32 to index
        %swap3A_1234 = arith.constant 64 : index
        %swap3A_1235 = tpu.vector_load %arg12[%swap3A_1233, %swap3A_1234] {strides = array<i32>} : memref<128x128xf32, #tpu.memory_space<vmem>>, vector<1x16xf32>,
        %swap3A_1236 = vector.shape_cast %swap3A_1235 : vector<1x16xf32> to vector<16xf32>
        %swap3A_1237 = vector.shape_cast %mul3A_1232 : vector<16xf32> to vector<1x16xf32>
        tpu.vector_store %arg12[%swap3A_1233, %swap3A_1234], %swap3A_1237 {strides = array<i32>} : memref<128x128xf32, #tpu.memory_space<vmem>>, vector<1x16xf32>,
        %get3A_1238 = arith.index_cast %add3A_1180 : i32 to index
        %get3A_1239 = arith.constant 80 : index
        %get3A_1240 = tpu.vector_load %arg12[%get3A_1238, %get3A_1239] {strides = array<i32>} : memref<128x128xf32, #tpu.memory_space<vmem>>, vector<1x16xf32>,
        %get3A_1241 = vector.shape_cast %get3A_1240 : vector<1x16xf32> to vector<16xf32>
        %mul3A_1242 = vector.broadcast %squeeze3A_1182 : f32 to vector<16xf32>
        %mul3A_1243 = arith.mulf %get3A_1241, %mul3A_1242 : vector<16xf32>
        %swap3A_1244 = arith.index_cast %add3A_1180 : i32 to index
        %swap3A_1245 = arith.constant 80 : index
        %swap3A_1246 = tpu.vector_load %arg12[%swap3A_1244, %swap3A_1245] {strides = array<i32>} : memref<128x128xf32, #tpu.memory_space<vmem>>, vector<1x16xf32>,
        %swap3A_1247 = vector.shape_cast %swap3A_1246 : vector<1x16xf32> to vector<16xf32>
        %swap3A_1248 = vector.shape_cast %mul3A_1243 : vector<16xf32> to vector<1x16xf32>
        tpu.vector_store %arg12[%swap3A_1244, %swap3A_1245], %swap3A_1248 {strides = array<i32>} : memref<128x128xf32, #tpu.memory_space<vmem>>, vector<1x16xf32>,
        %get3A_1249 = arith.index_cast %add3A_1180 : i32 to index
        %get3A_1250 = arith.constant 96 : index
        %get3A_1251 = tpu.vector_load %arg12[%get3A_1249, %get3A_1250] {strides = array<i32>} : memref<128x128xf32, #tpu.memory_space<vmem>>, vector<1x16xf32>,
        %get3A_1252 = vector.shape_cast %get3A_1251 : vector<1x16xf32> to vector<16xf32>
        %mul3A_1253 = vector.broadcast %squeeze3A_1182 : f32 to vector<16xf32>
        %mul3A_1254 = arith.mulf %get3A_1252, %mul3A_1253 : vector<16xf32>
        %swap3A_1255 = arith.index_cast %add3A_1180 : i32 to index
        %swap3A_1256 = arith.constant 96 : index
        %swap3A_1257 = tpu.vector_load %arg12[%swap3A_1255, %swap3A_1256] {strides = array<i32>} : memref<128x128xf32, #tpu.memory_space<vmem>>, vector<1x16xf32>,
        %swap3A_1258 = vector.shape_cast %swap3A_1257 : vector<1x16xf32> to vector<16xf32>
        %swap3A_1259 = vector.shape_cast %mul3A_1254 : vector<16xf32> to vector<1x16xf32>
        tpu.vector_store %arg12[%swap3A_1255, %swap3A_1256], %swap3A_1259 {strides = array<i32>} : memref<128x128xf32, #tpu.memory_space<vmem>>, vector<1x16xf32>,
        %get3A_1260 = arith.index_cast %add3A_1180 : i32 to index
        %get3A_1261 = arith.constant 112 : index
        %get3A_1262 = tpu.vector_load %arg12[%get3A_1260, %get3A_1261] {strides = array<i32>} : memref<128x128xf32, #tpu.memory_space<vmem>>, vector<1x16xf32>,
        %get3A_1263 = vector.shape_cast %get3A_1262 : vector<1x16xf32> to vector<16xf32>
        %mul3A_1264 = vector.broadcast %squeeze3A_1182 : f32 to vector<16xf32>
        %mul3A_1265 = arith.mulf %get3A_1263, %mul3A_1264 : vector<16xf32>
        %swap3A_1266 = arith.index_cast %add3A_1180 : i32 to index
        %swap3A_1267 = arith.constant 112 : index
        %swap3A_1268 = tpu.vector_load %arg12[%swap3A_1266, %swap3A_1267] {strides = array<i32>} : memref<128x128xf32, #tpu.memory_space<vmem>>, vector<1x16xf32>,
        %swap3A_1269 = vector.shape_cast %swap3A_1268 : vector<1x16xf32> to vector<16xf32>
        %swap3A_1270 = vector.shape_cast %mul3A_1265 : vector<16xf32> to vector<1x16xf32>
        tpu.vector_store %arg12[%swap3A_1266, %swap3A_1267], %swap3A_1270 {strides = array<i32>} : memref<128x128xf32, #tpu.memory_space<vmem>>, vector<1x16xf32>,
        %mul3A_1271 = arith.constant 16 : i32
        %mul3A_1272 = arith.muli %scan3A_47, %mul3A_1271 : i32
        %add3A_1273 = arith.constant 13 : i32
        %add3A_1274 = arith.addi %mul3A_1272, %add3A_1273 : i32
        %slice3A_1275 = vector.extract_strided_slice %get3A_51 {offsets = [13], sizes = [1], strides = [1]} : vector<16xf32> to vector<1xf32>
        %squeeze3A_1276 = vector.extract %slice3A_1275[0] : f32 from vector<1xf32>
        %get3A_1277 = arith.index_cast %add3A_1274 : i32 to index
        %get3A_1278 = arith.constant 0 : index
        %get3A_1279 = tpu.vector_load %arg12[%get3A_1277, %get3A_1278] {strides = array<i32>} : memref<128x128xf32, #tpu.memory_space<vmem>>, vector<1x16xf32>,
        %get3A_1280 = vector.shape_cast %get3A_1279 : vector<1x16xf32> to vector<16xf32>
        %mul3A_1281 = vector.broadcast %squeeze3A_1276 : f32 to vector<16xf32>
        %mul3A_1282 = arith.mulf %get3A_1280, %mul3A_1281 : vector<16xf32>
        %swap3A_1283 = arith.index_cast %add3A_1274 : i32 to index
        %swap3A_1284 = arith.constant 0 : index
        %swap3A_1285 = tpu.vector_load %arg12[%swap3A_1283, %swap3A_1284] {strides = array<i32>} : memref<128x128xf32, #tpu.memory_space<vmem>>, vector<1x16xf32>,
        %swap3A_1286 = vector.shape_cast %swap3A_1285 : vector<1x16xf32> to vector<16xf32>
        %swap3A_1287 = vector.shape_cast %mul3A_1282 : vector<16xf32> to vector<1x16xf32>
        tpu.vector_store %arg12[%swap3A_1283, %swap3A_1284], %swap3A_1287 {strides = array<i32>} : memref<128x128xf32, #tpu.memory_space<vmem>>, vector<1x16xf32>,
        %get3A_1288 = arith.index_cast %add3A_1274 : i32 to index
        %get3A_1289 = arith.constant 16 : index
        %get3A_1290 = tpu.vector_load %arg12[%get3A_1288, %get3A_1289] {strides = array<i32>} : memref<128x128xf32, #tpu.memory_space<vmem>>, vector<1x16xf32>,
        %get3A_1291 = vector.shape_cast %get3A_1290 : vector<1x16xf32> to vector<16xf32>
        %mul3A_1292 = vector.broadcast %squeeze3A_1276 : f32 to vector<16xf32>
        %mul3A_1293 = arith.mulf %get3A_1291, %mul3A_1292 : vector<16xf32>
        %swap3A_1294 = arith.index_cast %add3A_1274 : i32 to index
        %swap3A_1295 = arith.constant 16 : index
        %swap3A_1296 = tpu.vector_load %arg12[%swap3A_1294, %swap3A_1295] {strides = array<i32>} : memref<128x128xf32, #tpu.memory_space<vmem>>, vector<1x16xf32>,
        %swap3A_1297 = vector.shape_cast %swap3A_1296 : vector<1x16xf32> to vector<16xf32>
        %swap3A_1298 = vector.shape_cast %mul3A_1293 : vector<16xf32> to vector<1x16xf32>
        tpu.vector_store %arg12[%swap3A_1294, %swap3A_1295], %swap3A_1298 {strides = array<i32>} : memref<128x128xf32, #tpu.memory_space<vmem>>, vector<1x16xf32>,
        %get3A_1299 = arith.index_cast %add3A_1274 : i32 to index
        %get3A_1300 = arith.constant 32 : index
        %get3A_1301 = tpu.vector_load %arg12[%get3A_1299, %get3A_1300] {strides = array<i32>} : memref<128x128xf32, #tpu.memory_space<vmem>>, vector<1x16xf32>,
        %get3A_1302 = vector.shape_cast %get3A_1301 : vector<1x16xf32> to vector<16xf32>
        %mul3A_1303 = vector.broadcast %squeeze3A_1276 : f32 to vector<16xf32>
        %mul3A_1304 = arith.mulf %get3A_1302, %mul3A_1303 : vector<16xf32>
        %swap3A_1305 = arith.index_cast %add3A_1274 : i32 to index
        %swap3A_1306 = arith.constant 32 : index
        %swap3A_1307 = tpu.vector_load %arg12[%swap3A_1305, %swap3A_1306] {strides = array<i32>} : memref<128x128xf32, #tpu.memory_space<vmem>>, vector<1x16xf32>,
        %swap3A_1308 = vector.shape_cast %swap3A_1307 : vector<1x16xf32> to vector<16xf32>
        %swap3A_1309 = vector.shape_cast %mul3A_1304 : vector<16xf32> to vector<1x16xf32>
        tpu.vector_store %arg12[%swap3A_1305, %swap3A_1306], %swap3A_1309 {strides = array<i32>} : memref<128x128xf32, #tpu.memory_space<vmem>>, vector<1x16xf32>,
        %get3A_1310 = arith.index_cast %add3A_1274 : i32 to index
        %get3A_1311 = arith.constant 48 : index
        %get3A_1312 = tpu.vector_load %arg12[%get3A_1310, %get3A_1311] {strides = array<i32>} : memref<128x128xf32, #tpu.memory_space<vmem>>, vector<1x16xf32>,
        %get3A_1313 = vector.shape_cast %get3A_1312 : vector<1x16xf32> to vector<16xf32>
        %mul3A_1314 = vector.broadcast %squeeze3A_1276 : f32 to vector<16xf32>
        %mul3A_1315 = arith.mulf %get3A_1313, %mul3A_1314 : vector<16xf32>
        %swap3A_1316 = arith.index_cast %add3A_1274 : i32 to index
        %swap3A_1317 = arith.constant 48 : index
        %swap3A_1318 = tpu.vector_load %arg12[%swap3A_1316, %swap3A_1317] {strides = array<i32>} : memref<128x128xf32, #tpu.memory_space<vmem>>, vector<1x16xf32>,
        %swap3A_1319 = vector.shape_cast %swap3A_1318 : vector<1x16xf32> to vector<16xf32>
        %swap3A_1320 = vector.shape_cast %mul3A_1315 : vector<16xf32> to vector<1x16xf32>
        tpu.vector_store %arg12[%swap3A_1316, %swap3A_1317], %swap3A_1320 {strides = array<i32>} : memref<128x128xf32, #tpu.memory_space<vmem>>, vector<1x16xf32>,
        %get3A_1321 = arith.index_cast %add3A_1274 : i32 to index
        %get3A_1322 = arith.constant 64 : index
        %get3A_1323 = tpu.vector_load %arg12[%get3A_1321, %get3A_1322] {strides = array<i32>} : memref<128x128xf32, #tpu.memory_space<vmem>>, vector<1x16xf32>,
        %get3A_1324 = vector.shape_cast %get3A_1323 : vector<1x16xf32> to vector<16xf32>
        %mul3A_1325 = vector.broadcast %squeeze3A_1276 : f32 to vector<16xf32>
        %mul3A_1326 = arith.mulf %get3A_1324, %mul3A_1325 : vector<16xf32>
        %swap3A_1327 = arith.index_cast %add3A_1274 : i32 to index
        %swap3A_1328 = arith.constant 64 : index
        %swap3A_1329 = tpu.vector_load %arg12[%swap3A_1327, %swap3A_1328] {strides = array<i32>} : memref<128x128xf32, #tpu.memory_space<vmem>>, vector<1x16xf32>,
        %swap3A_1330 = vector.shape_cast %swap3A_1329 : vector<1x16xf32> to vector<16xf32>
        %swap3A_1331 = vector.shape_cast %mul3A_1326 : vector<16xf32> to vector<1x16xf32>
        tpu.vector_store %arg12[%swap3A_1327, %swap3A_1328], %swap3A_1331 {strides = array<i32>} : memref<128x128xf32, #tpu.memory_space<vmem>>, vector<1x16xf32>,
        %get3A_1332 = arith.index_cast %add3A_1274 : i32 to index
        %get3A_1333 = arith.constant 80 : index
        %get3A_1334 = tpu.vector_load %arg12[%get3A_1332, %get3A_1333] {strides = array<i32>} : memref<128x128xf32, #tpu.memory_space<vmem>>, vector<1x16xf32>,
        %get3A_1335 = vector.shape_cast %get3A_1334 : vector<1x16xf32> to vector<16xf32>
        %mul3A_1336 = vector.broadcast %squeeze3A_1276 : f32 to vector<16xf32>
        %mul3A_1337 = arith.mulf %get3A_1335, %mul3A_1336 : vector<16xf32>
        %swap3A_1338 = arith.index_cast %add3A_1274 : i32 to index
        %swap3A_1339 = arith.constant 80 : index
        %swap3A_1340 = tpu.vector_load %arg12[%swap3A_1338, %swap3A_1339] {strides = array<i32>} : memref<128x128xf32, #tpu.memory_space<vmem>>, vector<1x16xf32>,
        %swap3A_1341 = vector.shape_cast %swap3A_1340 : vector<1x16xf32> to vector<16xf32>
        %swap3A_1342 = vector.shape_cast %mul3A_1337 : vector<16xf32> to vector<1x16xf32>
        tpu.vector_store %arg12[%swap3A_1338, %swap3A_1339], %swap3A_1342 {strides = array<i32>} : memref<128x128xf32, #tpu.memory_space<vmem>>, vector<1x16xf32>,
        %get3A_1343 = arith.index_cast %add3A_1274 : i32 to index
        %get3A_1344 = arith.constant 96 : index
        %get3A_1345 = tpu.vector_load %arg12[%get3A_1343, %get3A_1344] {strides = array<i32>} : memref<128x128xf32, #tpu.memory_space<vmem>>, vector<1x16xf32>,
        %get3A_1346 = vector.shape_cast %get3A_1345 : vector<1x16xf32> to vector<16xf32>
        %mul3A_1347 = vector.broadcast %squeeze3A_1276 : f32 to vector<16xf32>
        %mul3A_1348 = arith.mulf %get3A_1346, %mul3A_1347 : vector<16xf32>
        %swap3A_1349 = arith.index_cast %add3A_1274 : i32 to index
        %swap3A_1350 = arith.constant 96 : index
        %swap3A_1351 = tpu.vector_load %arg12[%swap3A_1349, %swap3A_1350] {strides = array<i32>} : memref<128x128xf32, #tpu.memory_space<vmem>>, vector<1x16xf32>,
        %swap3A_1352 = vector.shape_cast %swap3A_1351 : vector<1x16xf32> to vector<16xf32>
        %swap3A_1353 = vector.shape_cast %mul3A_1348 : vector<16xf32> to vector<1x16xf32>
        tpu.vector_store %arg12[%swap3A_1349, %swap3A_1350], %swap3A_1353 {strides = array<i32>} : memref<128x128xf32, #tpu.memory_space<vmem>>, vector<1x16xf32>,
        %get3A_1354 = arith.index_cast %add3A_1274 : i32 to index
        %get3A_1355 = arith.constant 112 : index
        %get3A_1356 = tpu.vector_load %arg12[%get3A_1354, %get3A_1355] {strides = array<i32>} : memref<128x128xf32, #tpu.memory_space<vmem>>, vector<1x16xf32>,
        %get3A_1357 = vector.shape_cast %get3A_1356 : vector<1x16xf32> to vector<16xf32>
        %mul3A_1358 = vector.broadcast %squeeze3A_1276 : f32 to vector<16xf32>
        %mul3A_1359 = arith.mulf %get3A_1357, %mul3A_1358 : vector<16xf32>
        %swap3A_1360 = arith.index_cast %add3A_1274 : i32 to index
        %swap3A_1361 = arith.constant 112 : index
        %swap3A_1362 = tpu.vector_load %arg12[%swap3A_1360, %swap3A_1361] {strides = array<i32>} : memref<128x128xf32, #tpu.memory_space<vmem>>, vector<1x16xf32>,
        %swap3A_1363 = vector.shape_cast %swap3A_1362 : vector<1x16xf32> to vector<16xf32>
        %swap3A_1364 = vector.shape_cast %mul3A_1359 : vector<16xf32> to vector<1x16xf32>
        tpu.vector_store %arg12[%swap3A_1360, %swap3A_1361], %swap3A_1364 {strides = array<i32>} : memref<128x128xf32, #tpu.memory_space<vmem>>, vector<1x16xf32>,
        %mul3A_1365 = arith.constant 16 : i32
        %mul3A_1366 = arith.muli %scan3A_47, %mul3A_1365 : i32
        %add3A_1367 = arith.constant 14 : i32
        %add3A_1368 = arith.addi %mul3A_1366, %add3A_1367 : i32
        %slice3A_1369 = vector.extract_strided_slice %get3A_51 {offsets = [14], sizes = [1], strides = [1]} : vector<16xf32> to vector<1xf32>
        %squeeze3A_1370 = vector.extract %slice3A_1369[0] : f32 from vector<1xf32>
        %get3A_1371 = arith.index_cast %add3A_1368 : i32 to index
        %get3A_1372 = arith.constant 0 : index
        %get3A_1373 = tpu.vector_load %arg12[%get3A_1371, %get3A_1372] {strides = array<i32>} : memref<128x128xf32, #tpu.memory_space<vmem>>, vector<1x16xf32>,
        %get3A_1374 = vector.shape_cast %get3A_1373 : vector<1x16xf32> to vector<16xf32>
        %mul3A_1375 = vector.broadcast %squeeze3A_1370 : f32 to vector<16xf32>
        %mul3A_1376 = arith.mulf %get3A_1374, %mul3A_1375 : vector<16xf32>
        %swap3A_1377 = arith.index_cast %add3A_1368 : i32 to index
        %swap3A_1378 = arith.constant 0 : index
        %swap3A_1379 = tpu.vector_load %arg12[%swap3A_1377, %swap3A_1378] {strides = array<i32>} : memref<128x128xf32, #tpu.memory_space<vmem>>, vector<1x16xf32>,
        %swap3A_1380 = vector.shape_cast %swap3A_1379 : vector<1x16xf32> to vector<16xf32>
        %swap3A_1381 = vector.shape_cast %mul3A_1376 : vector<16xf32> to vector<1x16xf32>
        tpu.vector_store %arg12[%swap3A_1377, %swap3A_1378], %swap3A_1381 {strides = array<i32>} : memref<128x128xf32, #tpu.memory_space<vmem>>, vector<1x16xf32>,
        %get3A_1382 = arith.index_cast %add3A_1368 : i32 to index
        %get3A_1383 = arith.constant 16 : index
        %get3A_1384 = tpu.vector_load %arg12[%get3A_1382, %get3A_1383] {strides = array<i32>} : memref<128x128xf32, #tpu.memory_space<vmem>>, vector<1x16xf32>,
        %get3A_1385 = vector.shape_cast %get3A_1384 : vector<1x16xf32> to vector<16xf32>
        %mul3A_1386 = vector.broadcast %squeeze3A_1370 : f32 to vector<16xf32>
        %mul3A_1387 = arith.mulf %get3A_1385, %mul3A_1386 : vector<16xf32>
        %swap3A_1388 = arith.index_cast %add3A_1368 : i32 to index
        %swap3A_1389 = arith.constant 16 : index
        %swap3A_1390 = tpu.vector_load %arg12[%swap3A_1388, %swap3A_1389] {strides = array<i32>} : memref<128x128xf32, #tpu.memory_space<vmem>>, vector<1x16xf32>,
        %swap3A_1391 = vector.shape_cast %swap3A_1390 : vector<1x16xf32> to vector<16xf32>
        %swap3A_1392 = vector.shape_cast %mul3A_1387 : vector<16xf32> to vector<1x16xf32>
        tpu.vector_store %arg12[%swap3A_1388, %swap3A_1389], %swap3A_1392 {strides = array<i32>} : memref<128x128xf32, #tpu.memory_space<vmem>>, vector<1x16xf32>,
        %get3A_1393 = arith.index_cast %add3A_1368 : i32 to index
        %get3A_1394 = arith.constant 32 : index
        %get3A_1395 = tpu.vector_load %arg12[%get3A_1393, %get3A_1394] {strides = array<i32>} : memref<128x128xf32, #tpu.memory_space<vmem>>, vector<1x16xf32>,
        %get3A_1396 = vector.shape_cast %get3A_1395 : vector<1x16xf32> to vector<16xf32>
        %mul3A_1397 = vector.broadcast %squeeze3A_1370 : f32 to vector<16xf32>
        %mul3A_1398 = arith.mulf %get3A_1396, %mul3A_1397 : vector<16xf32>
        %swap3A_1399 = arith.index_cast %add3A_1368 : i32 to index
        %swap3A_1400 = arith.constant 32 : index
        %swap3A_1401 = tpu.vector_load %arg12[%swap3A_1399, %swap3A_1400] {strides = array<i32>} : memref<128x128xf32, #tpu.memory_space<vmem>>, vector<1x16xf32>,
        %swap3A_1402 = vector.shape_cast %swap3A_1401 : vector<1x16xf32> to vector<16xf32>
        %swap3A_1403 = vector.shape_cast %mul3A_1398 : vector<16xf32> to vector<1x16xf32>
        tpu.vector_store %arg12[%swap3A_1399, %swap3A_1400], %swap3A_1403 {strides = array<i32>} : memref<128x128xf32, #tpu.memory_space<vmem>>, vector<1x16xf32>,
        %get3A_1404 = arith.index_cast %add3A_1368 : i32 to index
        %get3A_1405 = arith.constant 48 : index
        %get3A_1406 = tpu.vector_load %arg12[%get3A_1404, %get3A_1405] {strides = array<i32>} : memref<128x128xf32, #tpu.memory_space<vmem>>, vector<1x16xf32>,
        %get3A_1407 = vector.shape_cast %get3A_1406 : vector<1x16xf32> to vector<16xf32>
        %mul3A_1408 = vector.broadcast %squeeze3A_1370 : f32 to vector<16xf32>
        %mul3A_1409 = arith.mulf %get3A_1407, %mul3A_1408 : vector<16xf32>
        %swap3A_1410 = arith.index_cast %add3A_1368 : i32 to index
        %swap3A_1411 = arith.constant 48 : index
        %swap3A_1412 = tpu.vector_load %arg12[%swap3A_1410, %swap3A_1411] {strides = array<i32>} : memref<128x128xf32, #tpu.memory_space<vmem>>, vector<1x16xf32>,
        %swap3A_1413 = vector.shape_cast %swap3A_1412 : vector<1x16xf32> to vector<16xf32>
        %swap3A_1414 = vector.shape_cast %mul3A_1409 : vector<16xf32> to vector<1x16xf32>
        tpu.vector_store %arg12[%swap3A_1410, %swap3A_1411], %swap3A_1414 {strides = array<i32>} : memref<128x128xf32, #tpu.memory_space<vmem>>, vector<1x16xf32>,
        %get3A_1415 = arith.index_cast %add3A_1368 : i32 to index
        %get3A_1416 = arith.constant 64 : index
        %get3A_1417 = tpu.vector_load %arg12[%get3A_1415, %get3A_1416] {strides = array<i32>} : memref<128x128xf32, #tpu.memory_space<vmem>>, vector<1x16xf32>,
        %get3A_1418 = vector.shape_cast %get3A_1417 : vector<1x16xf32> to vector<16xf32>
        %mul3A_1419 = vector.broadcast %squeeze3A_1370 : f32 to vector<16xf32>
        %mul3A_1420 = arith.mulf %get3A_1418, %mul3A_1419 : vector<16xf32>
        %swap3A_1421 = arith.index_cast %add3A_1368 : i32 to index
        %swap3A_1422 = arith.constant 64 : index
        %swap3A_1423 = tpu.vector_load %arg12[%swap3A_1421, %swap3A_1422] {strides = array<i32>} : memref<128x128xf32, #tpu.memory_space<vmem>>, vector<1x16xf32>,
        %swap3A_1424 = vector.shape_cast %swap3A_1423 : vector<1x16xf32> to vector<16xf32>
        %swap3A_1425 = vector.shape_cast %mul3A_1420 : vector<16xf32> to vector<1x16xf32>
        tpu.vector_store %arg12[%swap3A_1421, %swap3A_1422], %swap3A_1425 {strides = array<i32>} : memref<128x128xf32, #tpu.memory_space<vmem>>, vector<1x16xf32>,
        %get3A_1426 = arith.index_cast %add3A_1368 : i32 to index
        %get3A_1427 = arith.constant 80 : index
        %get3A_1428 = tpu.vector_load %arg12[%get3A_1426, %get3A_1427] {strides = array<i32>} : memref<128x128xf32, #tpu.memory_space<vmem>>, vector<1x16xf32>,
        %get3A_1429 = vector.shape_cast %get3A_1428 : vector<1x16xf32> to vector<16xf32>
        %mul3A_1430 = vector.broadcast %squeeze3A_1370 : f32 to vector<16xf32>
        %mul3A_1431 = arith.mulf %get3A_1429, %mul3A_1430 : vector<16xf32>
        %swap3A_1432 = arith.index_cast %add3A_1368 : i32 to index
        %swap3A_1433 = arith.constant 80 : index
        %swap3A_1434 = tpu.vector_load %arg12[%swap3A_1432, %swap3A_1433] {strides = array<i32>} : memref<128x128xf32, #tpu.memory_space<vmem>>, vector<1x16xf32>,
        %swap3A_1435 = vector.shape_cast %swap3A_1434 : vector<1x16xf32> to vector<16xf32>
        %swap3A_1436 = vector.shape_cast %mul3A_1431 : vector<16xf32> to vector<1x16xf32>
        tpu.vector_store %arg12[%swap3A_1432, %swap3A_1433], %swap3A_1436 {strides = array<i32>} : memref<128x128xf32, #tpu.memory_space<vmem>>, vector<1x16xf32>,
        %get3A_1437 = arith.index_cast %add3A_1368 : i32 to index
        %get3A_1438 = arith.constant 96 : index
        %get3A_1439 = tpu.vector_load %arg12[%get3A_1437, %get3A_1438] {strides = array<i32>} : memref<128x128xf32, #tpu.memory_space<vmem>>, vector<1x16xf32>,
        %get3A_1440 = vector.shape_cast %get3A_1439 : vector<1x16xf32> to vector<16xf32>
        %mul3A_1441 = vector.broadcast %squeeze3A_1370 : f32 to vector<16xf32>
        %mul3A_1442 = arith.mulf %get3A_1440, %mul3A_1441 : vector<16xf32>
        %swap3A_1443 = arith.index_cast %add3A_1368 : i32 to index
        %swap3A_1444 = arith.constant 96 : index
        %swap3A_1445 = tpu.vector_load %arg12[%swap3A_1443, %swap3A_1444] {strides = array<i32>} : memref<128x128xf32, #tpu.memory_space<vmem>>, vector<1x16xf32>,
        %swap3A_1446 = vector.shape_cast %swap3A_1445 : vector<1x16xf32> to vector<16xf32>
        %swap3A_1447 = vector.shape_cast %mul3A_1442 : vector<16xf32> to vector<1x16xf32>
        tpu.vector_store %arg12[%swap3A_1443, %swap3A_1444], %swap3A_1447 {strides = array<i32>} : memref<128x128xf32, #tpu.memory_space<vmem>>, vector<1x16xf32>,
        %get3A_1448 = arith.index_cast %add3A_1368 : i32 to index
        %get3A_1449 = arith.constant 112 : index
        %get3A_1450 = tpu.vector_load %arg12[%get3A_1448, %get3A_1449] {strides = array<i32>} : memref<128x128xf32, #tpu.memory_space<vmem>>, vector<1x16xf32>,
        %get3A_1451 = vector.shape_cast %get3A_1450 : vector<1x16xf32> to vector<16xf32>
        %mul3A_1452 = vector.broadcast %squeeze3A_1370 : f32 to vector<16xf32>
        %mul3A_1453 = arith.mulf %get3A_1451, %mul3A_1452 : vector<16xf32>
        %swap3A_1454 = arith.index_cast %add3A_1368 : i32 to index
        %swap3A_1455 = arith.constant 112 : index
        %swap3A_1456 = tpu.vector_load %arg12[%swap3A_1454, %swap3A_1455] {strides = array<i32>} : memref<128x128xf32, #tpu.memory_space<vmem>>, vector<1x16xf32>,
        %swap3A_1457 = vector.shape_cast %swap3A_1456 : vector<1x16xf32> to vector<16xf32>
        %swap3A_1458 = vector.shape_cast %mul3A_1453 : vector<16xf32> to vector<1x16xf32>
        tpu.vector_store %arg12[%swap3A_1454, %swap3A_1455], %swap3A_1458 {strides = array<i32>} : memref<128x128xf32, #tpu.memory_space<vmem>>, vector<1x16xf32>,
        %mul3A_1459 = arith.constant 16 : i32
        %mul3A_1460 = arith.muli %scan3A_47, %mul3A_1459 : i32
        %add3A_1461 = arith.constant 15 : i32
        %add3A_1462 = arith.addi %mul3A_1460, %add3A_1461 : i32
        %slice3A_1463 = vector.extract_strided_slice %get3A_51 {offsets = [15], sizes = [1], strides = [1]} : vector<16xf32> to vector<1xf32>
        %squeeze3A_1464 = vector.extract %slice3A_1463[0] : f32 from vector<1xf32>
        %get3A_1465 = arith.index_cast %add3A_1462 : i32 to index
        %get3A_1466 = arith.constant 0 : index
        %get3A_1467 = tpu.vector_load %arg12[%get3A_1465, %get3A_1466] {strides = array<i32>} : memref<128x128xf32, #tpu.memory_space<vmem>>, vector<1x16xf32>,
        %get3A_1468 = vector.shape_cast %get3A_1467 : vector<1x16xf32> to vector<16xf32>
        %mul3A_1469 = vector.broadcast %squeeze3A_1464 : f32 to vector<16xf32>
        %mul3A_1470 = arith.mulf %get3A_1468, %mul3A_1469 : vector<16xf32>
        %swap3A_1471 = arith.index_cast %add3A_1462 : i32 to index
        %swap3A_1472 = arith.constant 0 : index
        %swap3A_1473 = tpu.vector_load %arg12[%swap3A_1471, %swap3A_1472] {strides = array<i32>} : memref<128x128xf32, #tpu.memory_space<vmem>>, vector<1x16xf32>,
        %swap3A_1474 = vector.shape_cast %swap3A_1473 : vector<1x16xf32> to vector<16xf32>
        %swap3A_1475 = vector.shape_cast %mul3A_1470 : vector<16xf32> to vector<1x16xf32>
        tpu.vector_store %arg12[%swap3A_1471, %swap3A_1472], %swap3A_1475 {strides = array<i32>} : memref<128x128xf32, #tpu.memory_space<vmem>>, vector<1x16xf32>,
        %get3A_1476 = arith.index_cast %add3A_1462 : i32 to index
        %get3A_1477 = arith.constant 16 : index
        %get3A_1478 = tpu.vector_load %arg12[%get3A_1476, %get3A_1477] {strides = array<i32>} : memref<128x128xf32, #tpu.memory_space<vmem>>, vector<1x16xf32>,
        %get3A_1479 = vector.shape_cast %get3A_1478 : vector<1x16xf32> to vector<16xf32>
        %mul3A_1480 = vector.broadcast %squeeze3A_1464 : f32 to vector<16xf32>
        %mul3A_1481 = arith.mulf %get3A_1479, %mul3A_1480 : vector<16xf32>
        %swap3A_1482 = arith.index_cast %add3A_1462 : i32 to index
        %swap3A_1483 = arith.constant 16 : index
        %swap3A_1484 = tpu.vector_load %arg12[%swap3A_1482, %swap3A_1483] {strides = array<i32>} : memref<128x128xf32, #tpu.memory_space<vmem>>, vector<1x16xf32>,
        %swap3A_1485 = vector.shape_cast %swap3A_1484 : vector<1x16xf32> to vector<16xf32>
        %swap3A_1486 = vector.shape_cast %mul3A_1481 : vector<16xf32> to vector<1x16xf32>
        tpu.vector_store %arg12[%swap3A_1482, %swap3A_1483], %swap3A_1486 {strides = array<i32>} : memref<128x128xf32, #tpu.memory_space<vmem>>, vector<1x16xf32>,
        %get3A_1487 = arith.index_cast %add3A_1462 : i32 to index
        %get3A_1488 = arith.constant 32 : index
        %get3A_1489 = tpu.vector_load %arg12[%get3A_1487, %get3A_1488] {strides = array<i32>} : memref<128x128xf32, #tpu.memory_space<vmem>>, vector<1x16xf32>,
        %get3A_1490 = vector.shape_cast %get3A_1489 : vector<1x16xf32> to vector<16xf32>
        %mul3A_1491 = vector.broadcast %squeeze3A_1464 : f32 to vector<16xf32>
        %mul3A_1492 = arith.mulf %get3A_1490, %mul3A_1491 : vector<16xf32>
        %swap3A_1493 = arith.index_cast %add3A_1462 : i32 to index
        %swap3A_1494 = arith.constant 32 : index
        %swap3A_1495 = tpu.vector_load %arg12[%swap3A_1493, %swap3A_1494] {strides = array<i32>} : memref<128x128xf32, #tpu.memory_space<vmem>>, vector<1x16xf32>,
        %swap3A_1496 = vector.shape_cast %swap3A_1495 : vector<1x16xf32> to vector<16xf32>
        %swap3A_1497 = vector.shape_cast %mul3A_1492 : vector<16xf32> to vector<1x16xf32>
        tpu.vector_store %arg12[%swap3A_1493, %swap3A_1494], %swap3A_1497 {strides = array<i32>} : memref<128x128xf32, #tpu.memory_space<vmem>>, vector<1x16xf32>,
        %get3A_1498 = arith.index_cast %add3A_1462 : i32 to index
        %get3A_1499 = arith.constant 48 : index
        %get3A_1500 = tpu.vector_load %arg12[%get3A_1498, %get3A_1499] {strides = array<i32>} : memref<128x128xf32, #tpu.memory_space<vmem>>, vector<1x16xf32>,
        %get3A_1501 = vector.shape_cast %get3A_1500 : vector<1x16xf32> to vector<16xf32>
        %mul3A_1502 = vector.broadcast %squeeze3A_1464 : f32 to vector<16xf32>
        %mul3A_1503 = arith.mulf %get3A_1501, %mul3A_1502 : vector<16xf32>
        %swap3A_1504 = arith.index_cast %add3A_1462 : i32 to index
        %swap3A_1505 = arith.constant 48 : index
        %swap3A_1506 = tpu.vector_load %arg12[%swap3A_1504, %swap3A_1505] {strides = array<i32>} : memref<128x128xf32, #tpu.memory_space<vmem>>, vector<1x16xf32>,
        %swap3A_1507 = vector.shape_cast %swap3A_1506 : vector<1x16xf32> to vector<16xf32>
        %swap3A_1508 = vector.shape_cast %mul3A_1503 : vector<16xf32> to vector<1x16xf32>
        tpu.vector_store %arg12[%swap3A_1504, %swap3A_1505], %swap3A_1508 {strides = array<i32>} : memref<128x128xf32, #tpu.memory_space<vmem>>, vector<1x16xf32>,
        %get3A_1509 = arith.index_cast %add3A_1462 : i32 to index
        %get3A_1510 = arith.constant 64 : index
        %get3A_1511 = tpu.vector_load %arg12[%get3A_1509, %get3A_1510] {strides = array<i32>} : memref<128x128xf32, #tpu.memory_space<vmem>>, vector<1x16xf32>,
        %get3A_1512 = vector.shape_cast %get3A_1511 : vector<1x16xf32> to vector<16xf32>
        %mul3A_1513 = vector.broadcast %squeeze3A_1464 : f32 to vector<16xf32>
        %mul3A_1514 = arith.mulf %get3A_1512, %mul3A_1513 : vector<16xf32>
        %swap3A_1515 = arith.index_cast %add3A_1462 : i32 to index
        %swap3A_1516 = arith.constant 64 : index
        %swap3A_1517 = tpu.vector_load %arg12[%swap3A_1515, %swap3A_1516] {strides = array<i32>} : memref<128x128xf32, #tpu.memory_space<vmem>>, vector<1x16xf32>,
        %swap3A_1518 = vector.shape_cast %swap3A_1517 : vector<1x16xf32> to vector<16xf32>
        %swap3A_1519 = vector.shape_cast %mul3A_1514 : vector<16xf32> to vector<1x16xf32>
        tpu.vector_store %arg12[%swap3A_1515, %swap3A_1516], %swap3A_1519 {strides = array<i32>} : memref<128x128xf32, #tpu.memory_space<vmem>>, vector<1x16xf32>,
        %get3A_1520 = arith.index_cast %add3A_1462 : i32 to index
        %get3A_1521 = arith.constant 80 : index
        %get3A_1522 = tpu.vector_load %arg12[%get3A_1520, %get3A_1521] {strides = array<i32>} : memref<128x128xf32, #tpu.memory_space<vmem>>, vector<1x16xf32>,
        %get3A_1523 = vector.shape_cast %get3A_1522 : vector<1x16xf32> to vector<16xf32>
        %mul3A_1524 = vector.broadcast %squeeze3A_1464 : f32 to vector<16xf32>
        %mul3A_1525 = arith.mulf %get3A_1523, %mul3A_1524 : vector<16xf32>
        %swap3A_1526 = arith.index_cast %add3A_1462 : i32 to index
        %swap3A_1527 = arith.constant 80 : index
        %swap3A_1528 = tpu.vector_load %arg12[%swap3A_1526, %swap3A_1527] {strides = array<i32>} : memref<128x128xf32, #tpu.memory_space<vmem>>, vector<1x16xf32>,
        %swap3A_1529 = vector.shape_cast %swap3A_1528 : vector<1x16xf32> to vector<16xf32>
        %swap3A_1530 = vector.shape_cast %mul3A_1525 : vector<16xf32> to vector<1x16xf32>
        tpu.vector_store %arg12[%swap3A_1526, %swap3A_1527], %swap3A_1530 {strides = array<i32>} : memref<128x128xf32, #tpu.memory_space<vmem>>, vector<1x16xf32>,
        %get3A_1531 = arith.index_cast %add3A_1462 : i32 to index
        %get3A_1532 = arith.constant 96 : index
        %get3A_1533 = tpu.vector_load %arg12[%get3A_1531, %get3A_1532] {strides = array<i32>} : memref<128x128xf32, #tpu.memory_space<vmem>>, vector<1x16xf32>,
        %get3A_1534 = vector.shape_cast %get3A_1533 : vector<1x16xf32> to vector<16xf32>
        %mul3A_1535 = vector.broadcast %squeeze3A_1464 : f32 to vector<16xf32>
        %mul3A_1536 = arith.mulf %get3A_1534, %mul3A_1535 : vector<16xf32>
        %swap3A_1537 = arith.index_cast %add3A_1462 : i32 to index
        %swap3A_1538 = arith.constant 96 : index
        %swap3A_1539 = tpu.vector_load %arg12[%swap3A_1537, %swap3A_1538] {strides = array<i32>} : memref<128x128xf32, #tpu.memory_space<vmem>>, vector<1x16xf32>,
        %swap3A_1540 = vector.shape_cast %swap3A_1539 : vector<1x16xf32> to vector<16xf32>
        %swap3A_1541 = vector.shape_cast %mul3A_1536 : vector<16xf32> to vector<1x16xf32>
        tpu.vector_store %arg12[%swap3A_1537, %swap3A_1538], %swap3A_1541 {strides = array<i32>} : memref<128x128xf32, #tpu.memory_space<vmem>>, vector<1x16xf32>,
        %get3A_1542 = arith.index_cast %add3A_1462 : i32 to index
        %get3A_1543 = arith.constant 112 : index
        %get3A_1544 = tpu.vector_load %arg12[%get3A_1542, %get3A_1543] {strides = array<i32>} : memref<128x128xf32, #tpu.memory_space<vmem>>, vector<1x16xf32>,
        %get3A_1545 = vector.shape_cast %get3A_1544 : vector<1x16xf32> to vector<16xf32>
        %mul3A_1546 = vector.broadcast %squeeze3A_1464 : f32 to vector<16xf32>
        %mul3A_1547 = arith.mulf %get3A_1545, %mul3A_1546 : vector<16xf32>
        %swap3A_1548 = arith.index_cast %add3A_1462 : i32 to index
        %swap3A_1549 = arith.constant 112 : index
        %swap3A_1550 = tpu.vector_load %arg12[%swap3A_1548, %swap3A_1549] {strides = array<i32>} : memref<128x128xf32, #tpu.memory_space<vmem>>, vector<1x16xf32>,
        %swap3A_1551 = vector.shape_cast %swap3A_1550 : vector<1x16xf32> to vector<16xf32>
        %swap3A_1552 = vector.shape_cast %mul3A_1547 : vector<16xf32> to vector<1x16xf32>
        tpu.vector_store %arg12[%swap3A_1548, %swap3A_1549], %swap3A_1552 {strides = array<i32>} : memref<128x128xf32, #tpu.memory_space<vmem>>, vector<1x16xf32>,
      }
      %scan3A_46 = arith.constant 8 : i32
      "tpu.region"() ({
        %run_scoped3A = tpu.sem_alloc : memref<!tpu.dma_semaphore, #tpu.memory_space<semaphore_mem>>
        %dma_start3A_47 = arith.constant 0 : i32
        %dma_start3A_48 = arith.constant 0 : i32
        %dma_start3A_49 = tpu.memref_slice %arg7[%dma_start3A_47, %dma_start3A_48] : memref<10000x128xf32, #tpu.memory_space<vmem_shared>> -> memref<10000x128xf32, #tpu.memory_space<vmem_shared>>
        tpu.enqueue_indirect_dma source(%arg12 : memref<128x128xf32, #tpu.memory_space<vmem>>) target(%dma_start3A_49 : memref<10000x128xf32, #tpu.memory_space<vmem_shared>>) offsets(%arg10 : memref<128xi32, #tpu.memory_space<vmem>>) semaphore(%run_scoped3A : memref<!tpu.dma_semaphore, #tpu.memory_space<semaphore_mem>>) {add = true}
        %dma_wait3A_50 = arith.constant 0 : i32
        %dma_wait3A_51 = arith.constant 0 : i32
        %dma_wait3A_52 = tpu.memref_slice %arg7[%dma_wait3A_50, %dma_wait3A_51] : memref<10000x128xf32, #tpu.memory_space<vmem_shared>> -> memref<10000x128xf32, #tpu.memory_space<vmem_shared>>
        tpu.wait_indirect_dma semaphore(%run_scoped3A : memref<!tpu.dma_semaphore, #tpu.memory_space<semaphore_mem>>) src(%arg12 : memref<128x128xf32, #tpu.memory_space<vmem>>) dst(%dma_wait3A_52 : memref<10000x128xf32, #tpu.memory_space<vmem_shared>>)
        tpu.yield
      }) : () -> ()
    }
    %scan3A_21 = arith.constant 79 : i32
    %barrier3A_22 = arith.constant 0 : index
    tpu.barrier barrier_id(%barrier3A_22)
    %while3A_23 = arith.constant 0 : i32
    %while3A_24 = arith.subi %select_n3A, %while3A_23 : i32
    %while3A_25 = arith.addi %while3A_23, %while3A_24 : i32
    %while3A_26 = arith.constant 1 : i32
    %while3A_27 = arith.divsi %while3A_24, %while3A_26 : i32
    %while3A_28 = arith.muli %while3A_27, %while3A_26 : i32
    %while3A_29 = arith.addi %while3A_23, %while3A_28 : i32
    %while3A_30 = arith.constant 1 : i32
    scf.for %while3A_32 = %while3A_23 to %while3A_29 step %while3A_30  : i32 {
      %mul3A_33 = arith.constant 16 : i32
      %mul3A_34 = arith.muli %while3A_32, %mul3A_33 : i32
      %add3A_35 = arith.addi %mul3A_2, %mul3A_34 : i32
      %mul3A_36 = arith.constant 10000 : i32
      %mul3A_37 = arith.muli %arg0, %mul3A_36 : i32
      %add3A_38 = arith.addi %mul3A_37, %add3A_35 : i32
      "tpu.region"() ({
        %run_scoped3A = tpu.sem_alloc : memref<!tpu.dma_semaphore, #tpu.memory_space<semaphore_mem>>
        %dma_start3A = arith.constant 0 : i32
        %dma_start3A_39 = tpu.memref_slice %arg6[%add3A_38, %dma_start3A] : memref<20000x128xf32, #tpu.memory_space<hbm>> -> memref<16x128xf32, #tpu.memory_space<hbm>>
        %dma_start3A_40 = arith.constant 0 : i32
        %dma_start3A_41 = tpu.memref_slice %arg7[%add3A_35, %dma_start3A_40] : memref<10000x128xf32, #tpu.memory_space<vmem_shared>> -> memref<16x128xf32, #tpu.memory_space<vmem_shared>>
        tpu.enqueue_dma source(%dma_start3A_41 : memref<16x128xf32, #tpu.memory_space<vmem_shared>>) target(%dma_start3A_39 : memref<16x128xf32, #tpu.memory_space<hbm>>) target_semaphore(%run_scoped3A : memref<!tpu.dma_semaphore, #tpu.memory_space<semaphore_mem>>)
        %dma_wait3A = arith.constant 0 : i32
        %dma_wait3A_42 = tpu.memref_slice %arg6[%add3A_38, %dma_wait3A] : memref<20000x128xf32, #tpu.memory_space<hbm>> -> memref<16x128xf32, #tpu.memory_space<hbm>>
        %dma_wait3A_43 = arith.constant 0 : i32
        %dma_wait3A_44 = tpu.memref_slice %arg7[%add3A_35, %dma_wait3A_43] : memref<10000x128xf32, #tpu.memory_space<vmem_shared>> -> memref<16x128xf32, #tpu.memory_space<vmem_shared>>
        tpu.wait_dma2 semaphore(%run_scoped3A : memref<!tpu.dma_semaphore, #tpu.memory_space<semaphore_mem>>) src(%dma_wait3A_44 : memref<16x128xf32, #tpu.memory_space<vmem_shared>>) dst(%dma_wait3A_42 : memref<16x128xf32, #tpu.memory_space<hbm>>)
        tpu.yield
      }) : () -> ()
    }
    %while3A_31 = arith.constant 1 : i32
    scf.for %while3A_32 = %while3A_29 to %while3A_25 step %while3A_31  : i32 {
      %mul3A_33 = arith.constant 16 : i32
      %mul3A_34 = arith.muli %while3A_32, %mul3A_33 : i32
      %add3A_35 = arith.addi %mul3A_2, %mul3A_34 : i32
      %mul3A_36 = arith.constant 10000 : i32
      %mul3A_37 = arith.muli %arg0, %mul3A_36 : i32
      %add3A_38 = arith.addi %mul3A_37, %add3A_35 : i32
      "tpu.region"() ({
        %run_scoped3A = tpu.sem_alloc : memref<!tpu.dma_semaphore, #tpu.memory_space<semaphore_mem>>
        %dma_start3A = arith.constant 0 : i32
        %dma_start3A_39 = tpu.memref_slice %arg6[%add3A_38, %dma_start3A] : memref<20000x128xf32, #tpu.memory_space<hbm>> -> memref<16x128xf32, #tpu.memory_space<hbm>>
        %dma_start3A_40 = arith.constant 0 : i32
        %dma_start3A_41 = tpu.memref_slice %arg7[%add3A_35, %dma_start3A_40] : memref<10000x128xf32, #tpu.memory_space<vmem_shared>> -> memref<16x128xf32, #tpu.memory_space<vmem_shared>>
        tpu.enqueue_dma source(%dma_start3A_41 : memref<16x128xf32, #tpu.memory_space<vmem_shared>>) target(%dma_start3A_39 : memref<16x128xf32, #tpu.memory_space<hbm>>) target_semaphore(%run_scoped3A : memref<!tpu.dma_semaphore, #tpu.memory_space<semaphore_mem>>)
        %dma_wait3A = arith.constant 0 : i32
        %dma_wait3A_42 = tpu.memref_slice %arg6[%add3A_38, %dma_wait3A] : memref<20000x128xf32, #tpu.memory_space<hbm>> -> memref<16x128xf32, #tpu.memory_space<hbm>>
        %dma_wait3A_43 = arith.constant 0 : i32
        %dma_wait3A_44 = tpu.memref_slice %arg7[%add3A_35, %dma_wait3A_43] : memref<10000x128xf32, #tpu.memory_space<vmem_shared>> -> memref<16x128xf32, #tpu.memory_space<vmem_shared>>
        tpu.wait_dma2 semaphore(%run_scoped3A : memref<!tpu.dma_semaphore, #tpu.memory_space<semaphore_mem>>) src(%dma_wait3A_44 : memref<16x128xf32, #tpu.memory_space<vmem_shared>>) dst(%dma_wait3A_42 : memref<16x128xf32, #tpu.memory_space<hbm>>)
        tpu.yield
      }) : () -> ()
    }
    return
  }
}

module attributes {stable_mosaic.version = 14 : i64} {
  func.func @_tc_finish_body(%arg0: i32, %arg1: memref<1000x128xf32, #tpu.memory_space<vmem>>, %arg2: memref<1000x128xf32, #tpu.memory_space<vmem>>, %arg3: memref<128x128xf32, #tpu.memory_space<vmem>>, %arg4: memref<1x128xf32, #tpu.memory_space<vmem>>, %arg5: memref<1000x128xf32, #tpu.memory_space<vmem>>) attributes {dimension_semantics = [#tpu.dimension_semantics<arbitrary>], iteration_bounds = array<i64: 10>, scalar_prefetch = 0 : i64, scratch_operands = 0 : i64, tpu.core_type = #tpu.core_type<tc>, window_params = [{transform_indices = @transform_0, window_bounds = array<i64: 1000, 128>}, {transform_indices = @transform_1, window_bounds = array<i64: 1000, 128>}, {pipeline_mode = #tpu.pipeline_mode<synchronous>, transform_indices = @transform_2, window_bounds = array<i64: 128, 128>}, {pipeline_mode = #tpu.pipeline_mode<synchronous>, transform_indices = @transform_3, window_bounds = array<i64: 1, 128>}, {transform_indices = @transform_4, window_bounds = array<i64: 1000, 128>}]} {
    %get3A = arith.constant 0 : index
    %get3A_0 = arith.constant 0 : index
    %get3A_1 = vector.load %arg3[%get3A, %get3A_0] : memref<128x128xf32, #tpu.memory_space<vmem>>, vector<128x128xf32>
    %custom_jvp_call3A = arith.constant 0.000000e+00 : f32
    %max3A = vector.broadcast %custom_jvp_call3A : f32 to vector<128x128xf32>
    %max3A_2 = arith.maximumf %get3A_1, %max3A : vector<128x128xf32>
    %sub3A = vector.broadcast %custom_jvp_call3A : f32 to vector<128x128xf32>
    %sub3A_3 = arith.subf %get3A_1, %sub3A : vector<128x128xf32>
    %ne3A = arith.cmpf one, %sub3A_3, %sub3A_3 : vector<128x128xf32>
    %add3A = vector.broadcast %custom_jvp_call3A : f32 to vector<128x128xf32>
    %add3A_4 = arith.addf %get3A_1, %add3A : vector<128x128xf32>
    %abs3A = math.absf %sub3A_3 : vector<128x128xf32>
    %neg3A = arith.constant 0.000000e+00 : f32
    %neg3A_5 = vector.broadcast %neg3A : f32 to vector<128x128xf32>
    %neg3A_6 = arith.subf %neg3A_5, %abs3A : vector<128x128xf32>
    %exp3A = math.exp %neg3A_6 : vector<128x128xf32>
    %log1p3A = math.log1p %exp3A : vector<128x128xf32>
    %add3A_7 = arith.addf %max3A_2, %log1p3A : vector<128x128xf32>
    %select_n3A = arith.select %ne3A, %add3A_4, %add3A_7 : vector<128x128xi1>, vector<128x128xf32>
    %get3A_8 = arith.constant 0 : index
    %get3A_9 = arith.constant 0 : index
    %get3A_10 = vector.load %arg1[%get3A_8, %get3A_9] : memref<1000x128xf32, #tpu.memory_space<vmem>>, vector<1000x128xf32>
    %get3A_11 = arith.constant 0 : index
    %get3A_12 = arith.constant 0 : index
    %get3A_13 = vector.load %arg2[%get3A_11, %get3A_12] : memref<1000x128xf32, #tpu.memory_space<vmem>>, vector<1000x128xf32>
    %add3A_14 = arith.addf %get3A_10, %get3A_13 : vector<1000x128xf32>
    %dot_general3A = arith.constant dense<0.000000e+00> : vector<1000x128xf32>
    %dot_general3A_15 = tpu.matmul %add3A_14, %select_n3A, %dot_general3A {dimension_numbers = #tpu.dot_dimension_numbers<[1], [0], [0], [1], [0, 0, 1, 1], [], []>, transpose_lhs_hint = false} : vector<1000x128xf32>, vector<128x128xf32>, vector<1000x128xf32> -> vector<1000x128xf32>
    %get3A_16 = arith.constant 0 : index
    %get3A_17 = arith.constant 0 : index
    %get3A_18 = vector.load %arg4[%get3A_16, %get3A_17] : memref<1x128xf32, #tpu.memory_space<vmem>>, vector<1x128xf32>
    %add3A_19 = vector.broadcast %get3A_18 : vector<1x128xf32> to vector<1000x128xf32>
    %add3A_20 = arith.addf %dot_general3A_15, %add3A_19 : vector<1000x128xf32>
    %max3A_21 = arith.constant 0.000000e+00 : f32
    %max3A_22 = vector.broadcast %max3A_21 : f32 to vector<1000x128xf32>
    %max3A_23 = arith.maximumf %add3A_20, %max3A_22 : vector<1000x128xf32>
    %swap3A = arith.constant 0 : index
    %swap3A_24 = arith.constant 0 : index
    %swap3A_25 = vector.load %arg5[%swap3A, %swap3A_24] : memref<1000x128xf32, #tpu.memory_space<vmem>>, vector<1000x128xf32>
    tpu.vector_store %arg5[%swap3A, %swap3A_24], %max3A_23 {strides = array<i32>} : memref<1000x128xf32, #tpu.memory_space<vmem>>, vector<1000x128xf32>,
    return
  }
  func.func @transform_0(%arg0: i32) -> (i32, i32) {
    %c0_i32 = arith.constant 0 : i32
    %c0_i32_0 = arith.constant 0 : i32
    return %arg0, %c0_i32 : i32, i32
  }
  func.func @transform_1(%arg0: i32) -> (i32, i32) {
    %add3A = arith.constant 10 : i32
    %add3A_0 = arith.addi %arg0, %add3A : i32
    %c0_i32 = arith.constant 0 : i32
    %c0_i32_1 = arith.constant 0 : i32
    return %add3A_0, %c0_i32 : i32, i32
  }
  func.func @transform_2(%arg0: i32) -> (i32, i32) {
    %c0_i32 = arith.constant 0 : i32
    %c0_i32_0 = arith.constant 0 : i32
    %c0_i32_1 = arith.constant 0 : i32
    return %c0_i32, %c0_i32_0 : i32, i32
  }
  func.func @transform_3(%arg0: i32) -> (i32, i32) {
    %c0_i32 = arith.constant 0 : i32
    %c0_i32_0 = arith.constant 0 : i32
    %c0_i32_1 = arith.constant 0 : i32
    return %c0_i32, %c0_i32_0 : i32, i32
  }
  func.func @transform_4(%arg0: i32) -> (i32, i32) {
    %c0_i32 = arith.constant 0 : i32
    %c0_i32_0 = arith.constant 0 : i32
    return %arg0, %c0_i32 : i32, i32
  }
}

</mosaic_0001>

<sc_bundles>
// kernel: kernel.4.cloned.1.call-start
scs
__scs_entry_jumppad:
0x0: {  	(pc) =	sbr.rel $0x88, $3  }
0x1: {  	(tag) =	ssettag $0x0;
	lr =	simm.s32 $0x1  }
0x2: {  	[smem:$0x3F9C] =	sst lr;
	_ =	strace $0xD0000000  }
0x3: {  	_ = 	snop  }
0x4: {  	_ = 	snop  }
0x5: {  	_ = 	snop  }
0x6: {  	_ = 	snop  }
0x7: {  	_ = 	snop  }
__scs_overlays_trampoline_lowered:
0x8: {  	[smem:$0x3FAB] =	sst s0  }
0x9: {  	[smem:$0x3FAC] =	sst s1  }
0xa: {  	[smem:$0x3FAD] =	sst s2  }
0xb: {  	[smem:$0x3FAE] =	sst s3  }
0xc: {  	[smem:$0x3FAF] =	sst s4  }
0xd: {  	[smem:$0x3FB0] =	sst s5  }
0xe: {  	[smem:$0x3FB1] =	sst s6  }
0xf: {  	[smem:$0x3FB2] =	sst s7  }
0x10: {  	[smem:$0x3FB3] =	sst s8  }
0x11: {  	[smem:$0x3FB4] =	sst s9;
	s0 =	simm.s32 @!p0 $0x0  }
0x12: {  	s1 =	sld [smem:$0x3F9A];
	s0 =	simm.s32 @p0 $0x1  }
0x13: {  	[smem:$0x3FB5] =	sst s0;
	s0 =	simm.s32 @!p1 $0x0  }
0x14: {  	s2 =	sld [smem:$0x3F99];
	s0 =	simm.s32 @p1 $0x1  }
0x15: {  	[smem:$0x3FB6] =	sst s0;
	s0 =	simm.s32 @!p2 $0x0  }
0x16: {  	s3 =	sld [smem:$0x3FDB];
	s0 =	simm.s32 @p2 $0x1  }
0x17: {  	s4 =	simm.s32 $0x1BF5;
	[smem:$0x3FB8] =	sst s0  }
0x18: {  	s0 =	sld [smem:$0x3F9B];
	_ =	swait.ge [sflag:s4], $0x0  }
0x19: {  	s7 =	sld [smem:$0x3F9C]  }
0x1a: {  	s8 =	sadd.s32 $0xFFFFE003, lr  }
0x1b: {  	s9 =	sadd.s32 $0xFFFFFEF7, lr;
	s5 =	simm.s32 $0xFFFFFFFF;
	p2 =	slt.u32 s8, $0xFFFFF086  }
0x1c: {  	p1 =	slt.u32 s9, $0xF7A;
	s5 =	simm.s32 @!p2 $0x0  }
0x1d: {  	s5 =	simm.s32 @p1 $0x1;
	p0 =	seq.s32 s7, s2  }
0x1e: {  	s7 =	smul.u32 @!p0 $0xF7A, s2;
	p2 =	seq.s32 @!p0 s5, $0x0  }
0x1f: {  	s9 =	smul.u32 $0xF7A, s1;
	s8 =	simm.s32 @!p0 $0x1BF5;
	p2 =	por !p2, p0  }
0x20: {  	[sflag:s8] =	ssyncset.s32 @!p0 $0xFFFFF086;
	s6 =	sadd.s32 @!p0 s3, s7;
	s7 =	simm.s32 @!p0 $0x108  }
0x21: {  	s3 =	sadd.s32 s3, s9;
	s6 =	sadd.s32 @!p0 $0x88, s6;
	s7 =	simm.s32 @p2 $0x1082  }
0x22: {  	[simem:s7], [sflag:s8] =	dma.local @!p0 [hbm:s6], $0xF7A  }
0x23: {  	s9 =	sor.u32 $0xD0000000, s2;
	s6 =	simm.s32 $0x108;
	_ =	swait.ge @!p0 [sflag:s8], $0x0  }
0x24: {  	s3 =	sadd.s32 $0x88, s3;
	s6 =	simm.s32 @!p1 $0x1082;
	[sflag:s4] =	ssyncset.s32 $0xFFFFF086  }
0x25: {  	[simem:s6], [sflag:s4] =	dma.local [hbm:s3], $0xF7A  }
0x26: {  	[smem:$0x3F9C] =	sst s1;
	(tag) =	ssettag s2;
	_ =	strace s9  }
0x27: {  	s1 =	sld [smem:$0x3FAC]  }
0x28: {  	s2 =	sld [smem:$0x3FAD]  }
0x29: {  	s4 =	sld [smem:$0x3FAF]  }
0x2a: {  	p0 =	seq.s32 s5, $0x0;
	s5 =	sld [smem:$0x3FB0]  }
0x2b: {  	s6 =	sld [smem:$0x3FB1]  }
0x2c: {  	s7 =	sld [smem:$0x3FB2]  }
0x2d: {  	s3 =	simm.s32 $0x108;
	s8 =	sld [smem:$0x3FB3]  }
0x2e: {  	s3 =	simm.s32 @!p0 $0x1082;
	s9 =	sld [smem:$0x3FB4]  }
0x2f: {  	lr =	sadd.s32 s0, s3;
	s0 =	sld [smem:$0x3FAB]  }
0x30: {  	s3 =	sld [smem:$0x3FAE]  }
0x31: {  	[smem:$0x3FB7] =	sst s10  }
0x32: {  	s10 =	sld [smem:$0x3FB5];
	_ =	sdelay $0x3  }
0x33: {  	p0 =	seq.s32 s10, $0x1;
	s10 =	sld [smem:$0x3FB7];
	_ =	sdelay $0x3  }
0x34: {  	[smem:$0x3FB7] =	sst s10  }
0x35: {  	s10 =	sld [smem:$0x3FB6];
	_ =	sdelay $0x3  }
0x36: {  	p1 =	seq.s32 s10, $0x1;
	s10 =	sld [smem:$0x3FB7];
	_ =	sdelay $0x3  }
0x37: {  	[smem:$0x3FB7] =	sst s10  }
0x38: {  	s10 =	sld [smem:$0x3FB8]  }
0x39: {  	_ = 	snop;
	(pc) =	sbr.ind lr, $3  }
0x3a: {  	_ = 	snop  }
0x3b: {  	_ = 	snop  }
0x3c: {  	p2 =	seq.s32 s10, $0x1;
	s10 =	sld [smem:$0x3FB7]  }
0x3d: {  	_ =	shalt  }
0x3e: {  	_ =	shalt  }
0x3f: {  	_ =	shalt  }
0x40: {  	_ =	shalt  }
0x41: {  	_ =	shalt  }
0x42: {  	_ =	shalt  }
0x43: {  	_ =	shalt  }
0x44: {  	_ =	shalt  }
0x45: {  	_ =	shalt  }
0x46: {  	_ =	shalt  }
0x47: {  	_ =	shalt  }
0x48: {  	_ =	shalt  }
0x49: {  	_ =	shalt  }
0x4a: {  	_ =	shalt  }
0x4b: {  	_ =	shalt  }
0x4c: {  	_ =	shalt  }
0x4d: {  	_ =	shalt  }
0x4e: {  	_ =	shalt  }
0x4f: {  	_ =	shalt  }
0x50: {  	_ =	shalt  }
0x51: {  	_ =	shalt  }
0x52: {  	_ =	shalt  }
0x53: {  	_ =	shalt  }
0x54: {  	_ =	shalt  }
0x55: {  	_ =	shalt  }
0x56: {  	_ =	shalt  }
0x57: {  	_ =	shalt  }
0x58: {  	_ =	shalt  }
0x59: {  	_ =	shalt  }
0x5a: {  	_ =	shalt  }
0x5b: {  	_ =	shalt  }
0x5c: {  	_ =	shalt  }
0x5d: {  	_ =	shalt  }
0x5e: {  	_ =	shalt  }
0x5f: {  	_ =	shalt  }
0x60: {  	_ =	shalt  }
0x61: {  	_ =	shalt  }
0x62: {  	_ =	shalt  }
0x63: {  	_ =	shalt  }
0x64: {  	_ =	shalt  }
0x65: {  	_ =	shalt  }
0x66: {  	_ =	shalt  }
0x67: {  	_ =	shalt  }
0x68: {  	_ =	shalt  }
0x69: {  	_ =	shalt  }
0x6a: {  	_ =	shalt  }
0x6b: {  	_ =	shalt  }
0x6c: {  	_ =	shalt  }
0x6d: {  	_ =	shalt  }
0x6e: {  	_ =	shalt  }
0x6f: {  	_ =	shalt  }
0x70: {  	_ =	shalt  }
0x71: {  	_ =	shalt  }
0x72: {  	_ =	shalt  }
0x73: {  	_ =	shalt  }
0x74: {  	_ =	shalt  }
0x75: {  	_ =	shalt  }
0x76: {  	_ =	shalt  }
0x77: {  	_ =	shalt  }
0x78: {  	_ =	shalt  }
0x79: {  	_ =	shalt  }
0x7a: {  	_ =	shalt  }
0x7b: {  	_ =	shalt  }
0x7c: {  	_ =	shalt  }
0x7d: {  	_ =	shalt  }
0x7e: {  	_ =	shalt  }
0x7f: {  	_ =	shalt  }
0x80: {  	_ =	shalt  }
0x81: {  	_ =	shalt  }
0x82: {  	_ =	shalt  }
0x83: {  	_ =	shalt  }
0x84: {  	_ =	shalt  }
0x85: {  	_ =	shalt  }
0x86: {  	_ =	shalt  }
0x87: {  	_ =	shalt  }
.Lfunc_end0:
.L_simem_size_0:
called_computation_lowered:
.L_overlay_start_0:
0x88: {  	s2 =	sld [smem:$0x3FD9]  }
0x89: {  	s3 =	sld [smem:$0x3FFE];
	_ =	sdelay $0x1  }
0x8a: {  	s1 =	srdreg.scid  }
0x8b: {  	s0 =	sand.u32 $0x1, s1  }
0x8c: {  	s17 =	sshll.u32 s0, $0xA;
	s2 =	sadd.s32 s3, s2  }
0x8d: {  	s2 =	sadd.s32 s2, s17  }
0x8e: {  	[smem:$0x3FC3] =	sst s2  }
0x8f: {  	_ = 	snop  }
0x90: {  	s2 =	sld [smem:$0x3FC9]  }
0x91: {  	s18 =	sld [smem:$0x3FD0];
	(tm) =	ssettm $0x1  }
0x92: {  	s4 =	sld [smem:$0x3FFB];
	_ =	sdelay $0x3  }
0x93: {  	_ =	strace s4  }
0x94: {  	s4 =	sld [smem:$0x3FFC];
	_ =	sdelay $0x3  }
0x95: {  	_ =	strace s4  }
0x96: {  	s4 =	sld [smem:$0x3FFD];
	_ =	sdelay $0x3  }
0x97: {  	_ =	strace s4  }
0x98: {  	_ =	strace $0x8FFFFFFF  }
0x99: {  	s19 =	sld [smem:$0x3FDB];
	_ =	sdelay $0x1  }
0x9a: {  	s5 =	simm.s32 $_scs_section_size  }
0x9b: {  	s6 =	simm.s32 $_size__tile_overlayer_lowered;
	s7 =	simm.s32 $_tile_overlayer_lowered  }
0x9c: {  	s22 =	simm.s32 $0x1BFF;
	s21 =	sshll.u32 s7, $0x1;
	s4 =	sadd.s32 s5, s19  }
0x9d: {  	s8 =	simm.s32 $0x0;
	s20 =	sshll.u32 s6, $0x1;
	s6 =	sadd.s32 s21, s4  }
0x9e: {  	[timem:s8], [sflag:s22] =	dma.local [hbm:s6], s20  }
0x9f: {  	_ =	swait.ge [sflag:s22], s20  }
0xa0: {  	s5 =	ssub.s32 $0x0, s20;
	[sflag:s22] =	ssyncset.done $0x0  }
0xa1: {  	[sflag:s22] =	ssyncadd.s32 s5;
	_ =	sdelay $0x1  }
0xa2: {  	s23 =	simm.s32 $0x1B8B  }
0xa3: {  	_ =	swait.ge [sflag:s23], $0x1  }
0xa4: {  	[sflag:s23] =	ssyncset.done $0x0  }
0xa5: {  	s25 =	simm.s32 $0x1B8E;
	s24 =	sld [smem:$0x3FFE];
	[sflag:s23] =	ssyncadd.s32 $0xFFFFFFFF  }
0xa6: {  	s26 =	simm.s32 $execute0_lowered;
	[smem:$0x3FD2] =	sst s25  }
0xa7: {  	s6 =	sshll.u32 s26, $0x1;
	_ =	strace $0x80000046;
	[dreg:$0x1] =	wrdreg $0xFFFFFFFF  }
0xa8: {  	s28 =	simm.s32 $_size_execute0_lowered;
	s4 =	sadd.s32 s4, s6;
	[dreg:$0x0] =	wrdreg $0x0  }
0xa9: {  	s6 =	sshll.u32 s28, $0x1;
	[dreg:$0x2] =	wrdreg s4  }
0xaa: {  	[dreg:$0x3] =	wrdreg s6  }
0xab: {  	[dreg:$0x4] =	wrdreg $0xC0  }
0xac: {  	_ =	task [dreg:s8], $0x5FFFF  }
0xad: {  	[dreg:$0x1] =	wrdreg $0xFFFFFFFF  }
0xae: {  	[dreg:$0x0] =	wrdreg $0x60  }
0xaf: {  	[dreg:$0x2] =	wrdreg s2  }
0xb0: {  	[dreg:$0x3] =	wrdreg s18  }
0xb1: {  	[dreg:$0x4] =	wrdreg s24  }
0xb2: {  	[dreg:$0x5] =	wrdreg $0x0  }
0xb3: {  	[dreg:$0x6] =	wrdreg $0x9  }
0xb4: {  	_ =	task.clear_ibuf [dreg:s8], $0x7FFFF;
	_ =	strace $0x90000046  }
0xb5: {  	s29 =	simm.s32 $0x9;
	_ =	strace $0x80000048  }
0xb6: {  	_ =	swait.ge [sflag:s29], $0x1  }
0xb7: {  	[sflag:s29] =	ssyncadd.s32 $0xFFFFFFFF  }
0xb8: {  	_ =	strace $0x90000048  }
0xb9: {  	_ =	sfence  }
0xba: {  	s30 =	sld [smem:$0x0];
	_ =	sdelay $0x2  }
0xbb: {  	s31 =	sshll.u32 s1, $0xD;
	s1 =	sshrl.u32 s1, $0x2  }
0xbc: {  	s3 =	sand.u32 $0x4000, s31;
	s1 =	sadd.s32 s1, s30  }
0xbd: {  	s0 =	sor.u32 s3, s0;
	s1 =	sshll.u32 s1, $0x11  }
0xbe: {  	s0 =	sor.u32 s1, s0  }
0xbf: {  	s0 =	sadd.s32 $0x8F2B, s0  }
0xc0: {  	[sflag:s0] =	ssyncadd.remote.s32 $0x1  }
0xc1: {  	_ =	sfence.sel $0xFFFF  }
0xc2: {  	[dreg:$0x0] =	wrdreg $0xFFFFFFFF;
	(pc) =	sbr.abs _section_cstart, $3  }
0xc3: {  	[dreg:$0x1] =	wrdreg $0xFFFFFFFF  }
0xc4: {  	_ =	task.clear_ibuf [dreg:s8], $0x2FFFF;
	_ =	strace $0x9FFFFFFF  }
0xc5: {  	(tm) =	ssettm $0x7FFFFFFF  }
tec
execute0_lowered:
.L_overlay_start_1:
0x0: {  	(tag) =	ssettag $0x1  }
0x1: {  	s1 =	rddreg [dreg:$0x0]  }
0x2: {  	s2 =	rddreg [dreg:$0x1]  }
0x3: {  	s8 =	rddreg [dreg:$0x2]  }
0x4: {  	s3 =	rddreg [dreg:$0x3]  }
0x5: {  	s0 =	rddreg [dreg:$0x4];
	s4 =	simm.s32 $0x0  }
0x6: {  	s5 =	srdreg.scid;
	s15 =	simm.s32 $0x14080;
	s16 =	simm.s32 $0x14100  }
0x7: {  	s17 =	simm.s32 $0x14180;
	s18 =	simm.s32 $0x80;
	s19 =	simm.s32 $0x14200  }
0x8: {  	s20 =	simm.s32 $0x1;
	[smem:$0x7FF] =	sst s4;
	s9 =	sand.u32 $0x1, s5  }
0x9: {  	s6 =	sadd.s32 $0x400, s8;
	s7 =	sadd.s32 $0xA200, s8;
	s5 =	stileid.u32  }
0xa: {  	_ =	strace $0x80000047;
	s10 =	smul.u32 $0x27100, s9;
	s11 =	ssub.s32 $0x2, s9  }
0xb: {  	s31 =	smul.u32 $0x4E000, s5;
	s13 =	sshll.u32 s5, $0x1;
	p0 =	seq.s32 s5, $0xF  }
0xc: {  	s14 =	smul.u32 $0x2700, s5;
	s30 =	sshrl.u32 s11, $0x1;
	s13 =	sor.u32 s9, s13  }
0xd: {  	s12 =	sadd.s32 s10, s8;
	s8 =	simm.s32 $0x28;
	s10 =	sshrl.u32 s31, $0x2  }
0xe: {  	s11 =	ssub.s32 s11, s30;
	s8 =	simm.s32 @!p0 $0x27;
	s9 =	sadd.s32 s10, s3  }
0xf: {  	s10 =	smul.u32 $0x4F, s13;
	s11 =	smax.u32 s11, $0x1;
	s12 =	sadd.s32 s14, s12  }
0x10: {  	v0 =	vimm.f32 $0.0e+00;
	s13 =	simm.s32 $0x13880;
	s14 =	simm.s32 $0x2;
	s12 =	sadd.s32 $0x14000, s12  }
.LBB2_1:
0x11: {  	s21 =	simm.s32 $0x0;
	s22 =	simm.s32 $0x200  }
.LBB2_2:
0x12: {  	p0 =	sne.s32 s22, $0x1E00;
	[tilespmem:s21+$0x138F0] =	vst v0  }
0x13: {  	[tilespmem:s21+$0x13880] =	vst v0  }
0x14: {  	[tilespmem:s21+$0x13890] =	vst v0  }
.Ltmp0:
0x15: {  	[tilespmem:s21+$0x138A0] =	vst v0;
	(pc) =	sbr.rel @p0 .LBB2_2-.Ltmp0, $4  }
0x16: {  	[tilespmem:s21+$0x138B0] =	vst v0  }
0x17: {  	[tilespmem:s21+$0x138C0] =	vst v0  }
0x18: {  	[tilespmem:s21+$0x138D0] =	vst v0  }
0x19: {  	[tilespmem:s21+$0x138E0] =	vst v0;
	s21 =	sshra.s32 s22, $0x2;
	s22 =	sadd.s32 $0x200, s22  }
0x1a: {  	[tilespmem:s21+$0x138F0] =	vst v0  }
0x1b: {  	[tilespmem:s21+$0x13880] =	vst v0  }
0x1c: {  	[tilespmem:s21+$0x13890] =	vst v0  }
0x1d: {  	[tilespmem:s21+$0x138A0] =	vst v0  }
0x1e: {  	[tilespmem:s21+$0x138B0] =	vst v0  }
0x1f: {  	[tilespmem:s21+$0x138C0] =	vst v0;
	p0 =	sne.s32 s8, $0x1  }
.Ltmp1:
0x20: {  	[tilespmem:s21+$0x138D0] =	vst v0;
	(pc) =	sbr.rel @!p0 .LBB2_5-.Ltmp1, $4  }
0x21: {  	[tilespmem:s21+$0x138E0] =	vst v0  }
0x22: {  	[spmem:s9] =	stream.linear.scatter [tilespmem:s13], [sflag:$0x2], $0x800, $0x38;
	[tilespmem:$0x18200] =	vst v63  }
0x23: {  	_ =	swait.ge [sflag:s14], $0x800  }
0x24: {  	s21 =	sadd.s32 $0xFFFFFFFF, s8;
	s22 =	smov.u32 s9;
	[sflag:s14] =	ssyncset.done $0x0  }
.LBB2_4:
0x25: {  	p1 =	sne.s32 s21, $0x1;
	[sflag:s14] =	ssyncadd.s32 $0xFFFFF800;
	s22 =	sadd.s32 $0x800, s22  }
.Ltmp2:
0x26: {  	s21 =	sadd.s32 $0xFFFFFFFF, s21;
	(pc) =	sbr.rel @p1 .LBB2_4-.Ltmp2, $4  }
0x27: {  	_ = 	snop  }
0x28: {  	[spmem:s22] =	stream.linear.scatter [tilespmem:s13], [sflag:$0x2], $0x800, $0x38;
	[tilespmem:$0x18200] =	vst v63  }
0x29: {  	_ =	swait.ge [sflag:s14], $0x800  }
0x2a: {  	[sflag:s14] =	ssyncset.done $0x0  }
.LBB2_5:
0x2b: {  	[sflag:s14] =	ssyncadd.s32 $0xFFFFF800  }
0x2c: {  	s21 =	simm.s32 $0x0;
	s22 =	simm.s32 $0x0;
	[bflag:$0x0] =	sbarrier.arrive $0xFFFF  }
.LBB2_6:
0x2d: {  	s23 =	sadd.s32 s10, s22  }
0x2e: {  	s23 =	sshll.u32 s23, $0x4  }
0x2f: {  	s24 =	sadd.s32 s2, s23  }
0x30: {  	[tilespmem:s15], [sflag:$0x2] =	stream.linear.gather [hbm4b:s24+s21], $0x80, $0x38;
	[tilespmem:$0x18200] =	vst v63  }
0x31: {  	_ =	swait.ge [sflag:s14], $0x80  }
0x32: {  	[sflag:s14] =	ssyncset.done $0x0  }
0x33: {  	s29 =	sadd.s32 s6, s23;
	[sflag:s14] =	ssyncadd.s32 $0xFFFFFF80  }
0x34: {  	[tilespmem:s16], [sflag:$0x2] =	stream.linear.gather [hbm4b:s29+s21], $0x80, $0x38;
	[tilespmem:$0x18200] =	vst v63  }
0x35: {  	_ =	swait.ge [sflag:s14], $0x80  }
0x36: {  	[sflag:s14] =	ssyncset.done $0x0  }
0x37: {  	s23 =	sadd.s32 s7, s23;
	[sflag:s14] =	ssyncadd.s32 $0xFFFFFF80  }
0x38: {  	[tilespmem:s17], [sflag:$0x2] =	stream.linear.gather [hbm4b:s23+s21], $0x80, $0x38;
	[tilespmem:$0x18200] =	vst v63  }
0x39: {  	_ =	swait.ge [sflag:s14], $0x80  }
0x3a: {  	[sflag:s14] =	ssyncset.done $0x0  }
0x3b: {  	[sflag:s14] =	ssyncadd.s32 $0xFFFFFF80  }
0x3c: {  	[tilespmem:s19], [sflag:$0x1] =	stream.indirect.gather [hbm4b:s1+s18], $0x80, s15, s18, $0xb8;
	[tilespmem:$0x18200] =	vst v63  }
0x3d: {  	_ =	swait.ge [sflag:s20], $0x4000  }
0x3e: {  	s30 =	simm.s32 $0x0;
	[sflag:s20] =	ssyncset.done $0x0  }
0x3f: {  	s23 =	sand.u32 $0x3FFFFFF0, s30;
	[sflag:s20] =	ssyncadd.s32 $0xFFFFC000  }
0x40: {  	s31 =	simm.s32 $0x0;
	v1 =	vld [tilespmem:s23+$0x14180]  }
0x41: {  	s23 =	sand.u32 $0x3FFFF800, s31  }
0x42: {  	v3 =	vld [tilespmem:s23+$0x14220]  }
0x43: {  	v4 =	vld [tilespmem:s23+$0x14230]  }
0x44: {  	v10 =	vld [tilespmem:s23+$0x14260]  }
0x45: {  	v11 =	vld [tilespmem:s23+$0x14270];
	v2 =	vbroadcast v1, $0x0  }
0x46: {  	v12 =	vld [tilespmem:s23+$0x14280]  }
0x47: {  	v13 =	vld [tilespmem:s23+$0x14290];
	v3 =	vmul.f32 v3, v2  }
0x48: {  	v14 =	vld [tilespmem:s23+$0x142A0];
	v4 =	vmul.f32 v4, v2  }
0x49: {  	v9 =	vld [tilespmem:s23+$0x142B0];
	v23 =	vbroadcast v1, $0x1;
	v22 =	vmul.f32 v10, v2;
	[tilespmem:s23+$0x14220] =	vst v3  }
0x4a: {  	v7 =	vld [tilespmem:s23+$0x142C0];
	v11 =	vmul.f32 v11, v2;
	[tilespmem:s23+$0x14230] =	vst v4  }
0x4b: {  	v8 =	vld [tilespmem:s23+$0x142D0];
	v12 =	vmul.f32 v12, v23;
	[tilespmem:s23+$0x14260] =	vst v22  }
0x4c: {  	v25 =	vld [tilespmem:s23+$0x142F0];
	v13 =	vmul.f32 v13, v23;
	[tilespmem:s23+$0x14270] =	vst v11  }
0x4d: {  	v26 =	vld [tilespmem:s23+$0x14300];
	v14 =	vmul.f32 v14, v23;
	[tilespmem:s23+$0x14280] =	vst v12  }
0x4e: {  	v27 =	vld [tilespmem:s23+$0x14310];
	v9 =	vmul.f32 v9, v23;
	[tilespmem:s23+$0x14290] =	vst v13  }
0x4f: {  	v6 =	vld [tilespmem:s23+$0x14770];
	v7 =	vmul.f32 v7, v23;
	[tilespmem:s23+$0x142A0] =	vst v14  }
0x50: {  	v24 =	vld [tilespmem:s23+$0x142E0];
	v15 =	vbroadcast v1, $0x2;
	v8 =	vmul.f32 v8, v23;
	[tilespmem:s23+$0x142B0] =	vst v9  }
0x51: {  	v28 =	vld [tilespmem:s23+$0x14320];
	v10 =	vmul.f32 v25, v23;
	[tilespmem:s23+$0x142C0] =	vst v7  }
0x52: {  	v29 =	vld [tilespmem:s23+$0x14330];
	v5 =	vbroadcast v1, $0xA;
	v32 =	vmul.f32 v26, v15;
	[tilespmem:s23+$0x142D0] =	vst v8  }
0x53: {  	v30 =	vld [tilespmem:s23+$0x14340];
	v34 =	vmul.f32 v27, v15;
	[tilespmem:s23+$0x142F0] =	vst v10  }
0x54: {  	v33 =	vld [tilespmem:s23+$0x14360];
	v3 =	vmul.f32 v6, v5;
	[tilespmem:s23+$0x14300] =	vst v32  }
0x55: {  	v35 =	vld [tilespmem:s23+$0x14370];
	v11 =	vmul.f32 v24, v23;
	[tilespmem:s23+$0x14310] =	vst v34  }
0x56: {  	v36 =	vld [tilespmem:s23+$0x14380];
	v9 =	vmul.f32 v28, v15;
	[tilespmem:s23+$0x14770] =	vst v3  }
0x57: {  	v31 =	vld [tilespmem:s23+$0x14350];
	v7 =	vmul.f32 v29, v15;
	[tilespmem:s23+$0x142E0] =	vst v11  }
0x58: {  	v37 =	vld [tilespmem:s23+$0x14390];
	v8 =	vmul.f32 v30, v15;
	[tilespmem:s23+$0x14320] =	vst v9  }
0x59: {  	v38 =	vld [tilespmem:s23+$0x143A0];
	v41 =	vbroadcast v1, $0x3;
	v10 =	vmul.f32 v33, v15;
	[tilespmem:s23+$0x14330] =	vst v7  }
0x5a: {  	v39 =	vld [tilespmem:s23+$0x143B0];
	v12 =	vmul.f32 v35, v15;
	[tilespmem:s23+$0x14340] =	vst v8  }
0x5b: {  	v42 =	vld [tilespmem:s23+$0x143D0];
	v13 =	vmul.f32 v36, v41;
	[tilespmem:s23+$0x14360] =	vst v10  }
0x5c: {  	v43 =	vld [tilespmem:s23+$0x143E0];
	v11 =	vmul.f32 v31, v15;
	[tilespmem:s23+$0x14370] =	vst v12  }
0x5d: {  	v44 =	vld [tilespmem:s23+$0x143F0];
	v9 =	vmul.f32 v37, v41;
	[tilespmem:s23+$0x14380] =	vst v13  }
0x5e: {  	v40 =	vld [tilespmem:s23+$0x143C0];
	v7 =	vmul.f32 v38, v41;
	[tilespmem:s23+$0x14350] =	vst v11  }
0x5f: {  	v45 =	vld [tilespmem:s23+$0x14400];
	v8 =	vmul.f32 v39, v41;
	[tilespmem:s23+$0x14390] =	vst v9  }
0x60: {  	v46 =	vld [tilespmem:s23+$0x14410];
	v10 =	vmul.f32 v42, v41;
	[tilespmem:s23+$0x143A0] =	vst v7  }
0x61: {  	v47 =	vld [tilespmem:s23+$0x14420];
	v12 =	vmul.f32 v43, v41;
	[tilespmem:s23+$0x143B0] =	vst v8  }
0x62: {  	v49 =	vld [tilespmem:s23+$0x14440];
	v50 =	vbroadcast v1, $0x4;
	v13 =	vmul.f32 v44, v41;
	[tilespmem:s23+$0x143D0] =	vst v10  }
0x63: {  	v51 =	vld [tilespmem:s23+$0x14450];
	v11 =	vmul.f32 v40, v41;
	[tilespmem:s23+$0x143E0] =	vst v12  }
0x64: {  	v52 =	vld [tilespmem:s23+$0x14460];
	v9 =	vmul.f32 v45, v50;
	[tilespmem:s23+$0x143F0] =	vst v13  }
0x65: {  	v48 =	vld [tilespmem:s23+$0x14430];
	v7 =	vmul.f32 v46, v50;
	[tilespmem:s23+$0x143C0] =	vst v11  }
0x66: {  	v53 =	vld [tilespmem:s23+$0x14470];
	v8 =	vmul.f32 v47, v50;
	[tilespmem:s23+$0x14400] =	vst v9  }
0x67: {  	v54 =	vld [tilespmem:s23+$0x14480];
	v10 =	vmul.f32 v49, v50;
	[tilespmem:s23+$0x14410] =	vst v7  }
0x68: {  	v55 =	vld [tilespmem:s23+$0x14490];
	v12 =	vmul.f32 v51, v50;
	[tilespmem:s23+$0x14420] =	vst v8  }
0x69: {  	v57 =	vld [tilespmem:s23+$0x144B0];
	v13 =	vmul.f32 v52, v50;
	[tilespmem:s23+$0x14440] =	vst v10  }
0x6a: {  	v58 =	vld [tilespmem:s23+$0x144C0];
	v59 =	vbroadcast v1, $0x5;
	v11 =	vmul.f32 v48, v50;
	[tilespmem:s23+$0x14450] =	vst v12  }
0x6b: {  	v60 =	vld [tilespmem:s23+$0x144D0];
	v9 =	vmul.f32 v53, v50;
	[tilespmem:s23+$0x14460] =	vst v13  }
0x6c: {  	v56 =	vld [tilespmem:s23+$0x144A0];
	v7 =	vmul.f32 v54, v59;
	[tilespmem:s23+$0x14430] =	vst v11  }
0x6d: {  	v61 =	vld [tilespmem:s23+$0x144E0];
	v8 =	vmul.f32 v55, v59;
	[tilespmem:s23+$0x14470] =	vst v9  }
0x6e: {  	v62 =	vld [tilespmem:s23+$0x144F0];
	v10 =	vmul.f32 v57, v59;
	[tilespmem:s23+$0x14480] =	vst v7  }
0x6f: {  	v63 =	vld [tilespmem:s23+$0x14500];
	v12 =	vmul.f32 v58, v59;
	[tilespmem:s23+$0x14490] =	vst v8  }
0x70: {  	v19 =	vld [tilespmem:s23+$0x14520];
	v13 =	vmul.f32 v60, v59;
	[tilespmem:s23+$0x144B0] =	vst v10  }
0x71: {  	v20 =	vld [tilespmem:s23+$0x14530];
	v11 =	vmul.f32 v56, v59;
	[tilespmem:s23+$0x144C0] =	vst v12  }
0x72: {  	v21 =	vld [tilespmem:s23+$0x14540];
	v22 =	vbroadcast v1, $0x6;
	v9 =	vmul.f32 v61, v59;
	[tilespmem:s23+$0x144D0] =	vst v13  }
0x73: {  	v18 =	vld [tilespmem:s23+$0x14510];
	v7 =	vmul.f32 v62, v59;
	[tilespmem:s23+$0x144A0] =	vst v11  }
0x74: {  	v23 =	vld [tilespmem:s23+$0x14550];
	v8 =	vmul.f32 v63, v22;
	[tilespmem:s23+$0x144E0] =	vst v9  }
0x75: {  	v24 =	vld [tilespmem:s23+$0x14560];
	v10 =	vmul.f32 v19, v22;
	[tilespmem:s23+$0x144F0] =	vst v7  }
0x76: {  	v25 =	vld [tilespmem:s23+$0x14570];
	v12 =	vmul.f32 v20, v22;
	[tilespmem:s23+$0x14500] =	vst v8  }
0x77: {  	v27 =	vld [tilespmem:s23+$0x14590];
	v13 =	vmul.f32 v21, v22;
	[tilespmem:s23+$0x14520] =	vst v10  }
0x78: {  	v28 =	vld [tilespmem:s23+$0x145A0];
	v11 =	vmul.f32 v18, v22;
	[tilespmem:s23+$0x14530] =	vst v12  }
0x79: {  	v29 =	vld [tilespmem:s23+$0x145B0];
	v9 =	vmul.f32 v23, v22;
	[tilespmem:s23+$0x14540] =	vst v13  }
0x7a: {  	v31 =	vbroadcast v1, $0x7;
	v53 =	vld [tilespmem:s23+$0x14700];
	v7 =	vmul.f32 v24, v22;
	[tilespmem:s23+$0x14510] =	vst v11  }
0x7b: {  	v57 =	vld [tilespmem:s23+$0x14740];
	v8 =	vmul.f32 v25, v22;
	[tilespmem:s23+$0x14550] =	vst v9  }
0x7c: {  	v58 =	vld [tilespmem:s23+$0x14750];
	v10 =	vmul.f32 v27, v31;
	[tilespmem:s23+$0x14560] =	vst v7  }
0x7d: {  	v26 =	vld [tilespmem:s23+$0x14580];
	v12 =	vmul.f32 v28, v31;
	[tilespmem:s23+$0x14570] =	vst v8  }
0x7e: {  	v30 =	vld [tilespmem:s23+$0x145C0];
	v13 =	vmul.f32 v29, v31;
	[tilespmem:s23+$0x14590] =	vst v10  }
0x7f: {  	v32 =	vld [tilespmem:s23+$0x145D0];
	v59 =	vmul.f32 v53, v5;
	[tilespmem:s23+$0x145A0] =	vst v12  }
0x80: {  	v33 =	vld [tilespmem:s23+$0x145E0];
	v18 =	vmul.f32 v57, v5;
	[tilespmem:s23+$0x145B0] =	vst v13  }
0x81: {  	v35 =	vld [tilespmem:s23+$0x14600];
	v20 =	vmul.f32 v58, v5;
	[tilespmem:s23+$0x14700] =	vst v59  }
0x82: {  	v36 =	vld [tilespmem:s23+$0x14610];
	v11 =	vmul.f32 v26, v31;
	[tilespmem:s23+$0x14740] =	vst v18  }
0x83: {  	v37 =	vld [tilespmem:s23+$0x14620];
	v9 =	vmul.f32 v30, v31;
	[tilespmem:s23+$0x14750] =	vst v20  }
0x84: {  	v4 =	vld [tilespmem:s23+$0x14780];
	v40 =	vbroadcast v1, $0x8;
	v7 =	vmul.f32 v32, v31;
	[tilespmem:s23+$0x14580] =	vst v11  }
0x85: {  	v6 =	vld [tilespmem:s23+$0x14790];
	v8 =	vmul.f32 v33, v31;
	[tilespmem:s23+$0x145C0] =	vst v9  }
0x86: {  	v3 =	vld [tilespmem:s23+$0x149D0];
	v10 =	vmul.f32 v35, v40;
	[tilespmem:s23+$0x145D0] =	vst v7  }
0x87: {  	v61 =	vld [tilespmem:s23+$0x14200];
	v23 =	vbroadcast v1, $0xB;
	v12 =	vmul.f32 v36, v40;
	[tilespmem:s23+$0x145E0] =	vst v8  }
0x88: {  	v34 =	vld [tilespmem:s23+$0x145F0];
	v13 =	vmul.f32 v37, v40;
	[tilespmem:s23+$0x14600] =	vst v10  }
0x89: {  	v38 =	vld [tilespmem:s23+$0x14630];
	v27 =	vbroadcast v1, $0xF;
	v4 =	vmul.f32 v4, v23;
	[tilespmem:s23+$0x14610] =	vst v12  }
0x8a: {  	v39 =	vld [tilespmem:s23+$0x14640];
	v6 =	vmul.f32 v6, v23;
	[tilespmem:s23+$0x14620] =	vst v13  }
0x8b: {  	v41 =	vld [tilespmem:s23+$0x14650];
	v3 =	vmul.f32 v3, v27;
	[tilespmem:s23+$0x14780] =	vst v4  }
0x8c: {  	v43 =	vld [tilespmem:s23+$0x14670];
	v24 =	vmul.f32 v2, v61;
	[tilespmem:s23+$0x14790] =	vst v6  }
0x8d: {  	v44 =	vld [tilespmem:s23+$0x14680];
	v11 =	vmul.f32 v34, v31;
	[tilespmem:s23+$0x149D0] =	vst v3  }
0x8e: {  	v45 =	vld [tilespmem:s23+$0x14690];
	v9 =	vmul.f32 v38, v40;
	[tilespmem:s23+$0x14200] =	vst v24  }
0x8f: {  	v63 =	vld [tilespmem:s23+$0x14240];
	v7 =	vmul.f32 v39, v40;
	[tilespmem:s23+$0x145F0] =	vst v11  }
0x90: {  	v49 =	vbroadcast v1, $0x9;
	v29 =	vld [tilespmem:s23+$0x147F0];
	v8 =	vmul.f32 v41, v40;
	[tilespmem:s23+$0x14630] =	vst v9  }
0x91: {  	v42 =	vld [tilespmem:s23+$0x14660];
	v10 =	vmul.f32 v43, v40;
	[tilespmem:s23+$0x14640] =	vst v7  }
0x92: {  	v46 =	vld [tilespmem:s23+$0x146A0];
	v12 =	vmul.f32 v44, v49;
	[tilespmem:s23+$0x14650] =	vst v8  }
0x93: {  	v47 =	vld [tilespmem:s23+$0x146B0];
	v13 =	vmul.f32 v45, v49;
	[tilespmem:s23+$0x14670] =	vst v10  }
0x94: {  	v48 =	vld [tilespmem:s23+$0x146C0];
	v3 =	vmul.f32 v63, v2;
	[tilespmem:s23+$0x14680] =	vst v12  }
0x95: {  	v51 =	vld [tilespmem:s23+$0x146E0];
	v6 =	vmul.f32 v29, v23;
	[tilespmem:s23+$0x14690] =	vst v13  }
0x96: {  	v52 =	vld [tilespmem:s23+$0x146F0];
	v11 =	vmul.f32 v42, v40;
	[tilespmem:s23+$0x14240] =	vst v3  }
0x97: {  	v28 =	vld [tilespmem:s23+$0x147E0];
	v9 =	vmul.f32 v46, v49;
	[tilespmem:s23+$0x147F0] =	vst v6  }
0x98: {  	v26 =	vld [tilespmem:s23+$0x147D0];
	v7 =	vmul.f32 v47, v49;
	[tilespmem:s23+$0x14660] =	vst v11  }
0x99: {  	v30 =	vld [tilespmem:s23+$0x14800];
	v8 =	vmul.f32 v48, v49;
	[tilespmem:s23+$0x146A0] =	vst v9  }
0x9a: {  	v50 =	vld [tilespmem:s23+$0x146D0];
	v10 =	vmul.f32 v51, v49;
	[tilespmem:s23+$0x146B0] =	vst v7  }
0x9b: {  	v54 =	vld [tilespmem:s23+$0x14710];
	v12 =	vmul.f32 v52, v49;
	[tilespmem:s23+$0x146C0] =	vst v8  }
0x9c: {  	v55 =	vld [tilespmem:s23+$0x14720];
	v35 =	vbroadcast v1, $0xC;
	v40 =	vmul.f32 v28, v23;
	[tilespmem:s23+$0x146E0] =	vst v10  }
0x9d: {  	v56 =	vld [tilespmem:s23+$0x14730];
	v32 =	vmul.f32 v26, v23;
	[tilespmem:s23+$0x146F0] =	vst v12  }
0x9e: {  	v60 =	vld [tilespmem:s23+$0x14760];
	v15 =	vmul.f32 v30, v35;
	[tilespmem:s23+$0x147E0] =	vst v40  }
0x9f: {  	v62 =	vld [tilespmem:s23+$0x14210];
	v11 =	vmul.f32 v50, v49;
	[tilespmem:s23+$0x147D0] =	vst v32  }
0xa0: {  	v19 =	vld [tilespmem:s23+$0x14250];
	v9 =	vmul.f32 v54, v5;
	[tilespmem:s23+$0x14800] =	vst v15  }
0xa1: {  	v33 =	vld [tilespmem:s23+$0x14830];
	v7 =	vmul.f32 v55, v5;
	[tilespmem:s23+$0x146D0] =	vst v11  }
0xa2: {  	v61 =	vld [tilespmem:s23+$0x149F0];
	v8 =	vmul.f32 v56, v5;
	[tilespmem:s23+$0x14710] =	vst v9  }
0xa3: {  	v38 =	vld [tilespmem:s23+$0x14870];
	v5 =	vmul.f32 v60, v5;
	[tilespmem:s23+$0x14720] =	vst v7  }
0xa4: {  	v21 =	vld [tilespmem:s23+$0x147A0];
	v12 =	vmul.f32 v62, v2;
	[tilespmem:s23+$0x14730] =	vst v8  }
0xa5: {  	v22 =	vld [tilespmem:s23+$0x147B0];
	v2 =	vmul.f32 v19, v2;
	[tilespmem:s23+$0x14760] =	vst v5  }
0xa6: {  	v25 =	vld [tilespmem:s23+$0x147C0];
	v62 =	vmul.f32 v33, v35;
	[tilespmem:s23+$0x14210] =	vst v12  }
0xa7: {  	v31 =	vld [tilespmem:s23+$0x14810];
	v63 =	vmul.f32 v61, v27;
	[tilespmem:s23+$0x14250] =	vst v2  }
0xa8: {  	v34 =	vld [tilespmem:s23+$0x14840];
	v15 =	vmul.f32 v38, v35;
	[tilespmem:s23+$0x14830] =	vst v62  }
0xa9: {  	v41 =	vld [tilespmem:s23+$0x148A0];
	v7 =	vmul.f32 v21, v23;
	[tilespmem:s23+$0x149F0] =	vst v63  }
0xaa: {  	v46 =	vld [tilespmem:s23+$0x148E0];
	v8 =	vmul.f32 v22, v23;
	[tilespmem:s23+$0x14870] =	vst v15  }
0xab: {  	v36 =	vld [tilespmem:s23+$0x14850];
	v5 =	vmul.f32 v25, v23;
	[tilespmem:s23+$0x147A0] =	vst v7  }
0xac: {  	v44 =	vbroadcast v1, $0xD;
	v9 =	vmul.f32 v31, v35;
	v2 =	vld [tilespmem:s23+$0x14890];
	[tilespmem:s23+$0x147B0] =	vst v8  }
0xad: {  	v37 =	vld [tilespmem:s23+$0x14860];
	v12 =	vmul.f32 v34, v35;
	[tilespmem:s23+$0x147C0] =	vst v5  }
0xae: {  	v39 =	vld [tilespmem:s23+$0x14880];
	v11 =	vmul.f32 v41, v44;
	[tilespmem:s23+$0x14810] =	vst v9  }
0xaf: {  	v42 =	vld [tilespmem:s23+$0x148B0];
	v51 =	vmul.f32 v46, v44;
	[tilespmem:s23+$0x14840] =	vst v12  }
0xb0: {  	v48 =	vld [tilespmem:s23+$0x14910];
	v8 =	vmul.f32 v36, v35;
	[tilespmem:s23+$0x148A0] =	vst v11  }
0xb1: {  	v49 =	vld [tilespmem:s23+$0x14920];
	[tilespmem:s23+$0x148E0] =	vst v51;
	v2 =	vmul.f32 v2, v44  }
0xb2: {  	v50 =	vld [tilespmem:s23+$0x14930];
	v5 =	vmul.f32 v37, v35;
	[tilespmem:s23+$0x14850] =	vst v8  }
0xb3: {  	v1 =	vbroadcast v1, $0xE;
	v9 =	vmul.f32 v39, v44;
	[tilespmem:s23+$0x14890] =	vst v2;
	v2 =	vld [tilespmem:s23+$0x14900]  }
0xb4: {  	v60 =	vld [tilespmem:s23+$0x149E0];
	v12 =	vmul.f32 v42, v44;
	[tilespmem:s23+$0x14860] =	vst v5  }
0xb5: {  	v45 =	vld [tilespmem:s23+$0x148D0];
	v11 =	vmul.f32 v48, v1;
	[tilespmem:s23+$0x14880] =	vst v9  }
0xb6: {  	v47 =	vld [tilespmem:s23+$0x148F0];
	v10 =	vmul.f32 v49, v1;
	[tilespmem:s23+$0x148B0] =	vst v12  }
0xb7: {  	v43 =	vld [tilespmem:s23+$0x148C0];
	v6 =	vmul.f32 v50, v1;
	[tilespmem:s23+$0x14910] =	vst v11  }
0xb8: {  	v55 =	vld [tilespmem:s23+$0x14980];
	[tilespmem:s23+$0x14920] =	vst v10;
	v2 =	vmul.f32 v2, v1  }
0xb9: {  	v57 =	vld [tilespmem:s23+$0x149A0];
	v4 =	vmul.f32 v60, v27;
	[tilespmem:s23+$0x14930] =	vst v6  }
0xba: {  	v5 =	vmul.f32 v45, v44;
	[tilespmem:s23+$0x14900] =	vst v2;
	v2 =	vld [tilespmem:s23+$0x14970]  }
0xbb: {  	v52 =	vld [tilespmem:s23+$0x14940];
	v9 =	vmul.f32 v47, v44;
	[tilespmem:s23+$0x149E0] =	vst v4  }
0xbc: {  	v56 =	vld [tilespmem:s23+$0x14990];
	v8 =	vmul.f32 v43, v44;
	[tilespmem:s23+$0x148D0] =	vst v5  }
0xbd: {  	v54 =	vld [tilespmem:s23+$0x14960];
	v11 =	vmul.f32 v55, v27;
	[tilespmem:s23+$0x148F0] =	vst v9  }
0xbe: {  	v58 =	vld [tilespmem:s23+$0x149B0];
	v6 =	vmul.f32 v57, v27;
	[tilespmem:s23+$0x148C0] =	vst v8  }
0xbf: {  	v53 =	vld [tilespmem:s23+$0x14950];
	[tilespmem:s23+$0x14980] =	vst v11;
	v2 =	vmul.f32 v2, v1  }
0xc0: {  	v59 =	vld [tilespmem:s23+$0x149C0];
	v5 =	vmul.f32 v52, v1;
	[tilespmem:s23+$0x149A0] =	vst v6  }
0xc1: {  	[tilespmem:s23+$0x14970] =	vst v2;
	v2 =	vmul.f32 v56, v27  }
0xc2: {  	v3 =	vld [tilespmem:s23+$0x14820];
	v9 =	vmul.f32 v54, v1;
	[tilespmem:s23+$0x14940] =	vst v5  }
0xc3: {  	[tilespmem:s23+$0x14990] =	vst v2;
	v2 =	vmul.f32 v58, v27  }
0xc4: {  	[tilespmem:s23+$0x14960] =	vst v9;
	v1 =	vmul.f32 v53, v1  }
0xc5: {  	[tilespmem:s23+$0x149B0] =	vst v2;
	v2 =	vmul.f32 v59, v27  }
0xc6: {  	[tilespmem:s23+$0x14950] =	vst v1  }
0xc7: {  	s24 =	simm.s32 $0x1;
	[tilespmem:s23+$0x149C0] =	vst v2;
	v2 =	vmul.f32 v3, v35  }
.LBB2_7:
0xc8: {  	s25 =	sshll.u32 s24, $0x4  }
0xc9: {  	p1 =	sne.s32 s24, $0x7;
	[tilespmem:s23+$0x14820] =	vst v2;
	s23 =	smov.u32 s24;
	s24 =	sadd.s32 $0x1, s24  }
0xca: {  	s25 =	sand.u32 $0x3FFFFFF0, s25  }
0xcb: {  	s23 =	sshll.u32 s23, $0xB;
	v1 =	vld [tilespmem:s25+$0x14180]  }
0xcc: {  	s23 =	sand.u32 $0x3FFFF800, s23  }
0xcd: {  	v8 =	vld [tilespmem:s23+$0x142C0]  }
0xce: {  	v9 =	vld [tilespmem:s23+$0x142D0]  }
0xcf: {  	v10 =	vld [tilespmem:s23+$0x142B0]  }
0xd0: {  	v2 =	vbroadcast v1, $0x0;
	v3 =	vld [tilespmem:s23+$0x14220];
	v7 =	vbroadcast v1, $0x4  }
0xd1: {  	v5 =	vld [tilespmem:s23+$0x14230]  }
0xd2: {  	v6 =	vld [tilespmem:s23+$0x14770]  }
0xd3: {  	v11 =	vld [tilespmem:s23+$0x14260]  }
0xd4: {  	v12 =	vld [tilespmem:s23+$0x14270]  }
0xd5: {  	v4 =	vbroadcast v1, $0xA;
	v3 =	vmul.f32 v3, v2;
	v13 =	vld [tilespmem:s23+$0x14280]  }
0xd6: {  	v5 =	vmul.f32 v5, v2;
	v14 =	vld [tilespmem:s23+$0x14290]  }
0xd7: {  	[tilespmem:s23+$0x14220] =	vst v3;
	v15 =	vld [tilespmem:s23+$0x142A0];
	v3 =	vmul.f32 v6, v4  }
0xd8: {  	[tilespmem:s23+$0x14230] =	vst v5;
	v6 =	vmul.f32 v11, v2;
	v11 =	vbroadcast v1, $0x1;
	v5 =	vld [tilespmem:s23+$0x14780]  }
0xd9: {  	v12 =	vmul.f32 v12, v2;
	[tilespmem:s23+$0x14770] =	vst v3;
	v3 =	vld [tilespmem:s23+$0x149D0]  }
0xda: {  	[tilespmem:s23+$0x14260] =	vst v6;
	v13 =	vmul.f32 v13, v11;
	v6 =	vld [tilespmem:s23+$0x14790]  }
0xdb: {  	[tilespmem:s23+$0x14270] =	vst v12;
	v12 =	vmul.f32 v14, v11;
	v14 =	vld [tilespmem:s23+$0x142E0]  }
0xdc: {  	[tilespmem:s23+$0x14280] =	vst v13;
	v13 =	vmul.f32 v15, v11;
	v15 =	vld [tilespmem:s23+$0x142F0]  }
0xdd: {  	v10 =	vmul.f32 v10, v11;
	[tilespmem:s23+$0x14290] =	vst v12;
	v12 =	vld [tilespmem:s23+$0x14300]  }
0xde: {  	v8 =	vmul.f32 v8, v11;
	[tilespmem:s23+$0x142A0] =	vst v13;
	v13 =	vld [tilespmem:s23+$0x14310]  }
0xdf: {  	v9 =	vmul.f32 v9, v11;
	[tilespmem:s23+$0x142B0] =	vst v10;
	v10 =	vld [tilespmem:s23+$0x14320]  }
0xe0: {  	[tilespmem:s23+$0x142C0] =	vst v8;
	v8 =	vmul.f32 v14, v11;
	v14 =	vbroadcast v1, $0x2;
	v16 =	vld [tilespmem:s23+$0x14330]  }
0xe1: {  	[tilespmem:s23+$0x142D0] =	vst v9;
	v9 =	vmul.f32 v15, v11;
	v11 =	vld [tilespmem:s23+$0x14340]  }
0xe2: {  	[tilespmem:s23+$0x142E0] =	vst v8;
	v8 =	vmul.f32 v12, v14;
	v12 =	vld [tilespmem:s23+$0x14350]  }
0xe3: {  	[tilespmem:s23+$0x142F0] =	vst v9;
	v9 =	vmul.f32 v13, v14;
	v13 =	vld [tilespmem:s23+$0x14360]  }
0xe4: {  	[tilespmem:s23+$0x14300] =	vst v8;
	v8 =	vmul.f32 v10, v14;
	v10 =	vld [tilespmem:s23+$0x14370]  }
0xe5: {  	[tilespmem:s23+$0x14310] =	vst v9;
	v9 =	vmul.f32 v16, v14;
	v15 =	vld [tilespmem:s23+$0x14380]  }
0xe6: {  	[tilespmem:s23+$0x14320] =	vst v8;
	v8 =	vmul.f32 v11, v14;
	v11 =	vld [tilespmem:s23+$0x14390]  }
0xe7: {  	[tilespmem:s23+$0x14330] =	vst v9;
	v9 =	vmul.f32 v12, v14;
	v12 =	vld [tilespmem:s23+$0x143A0]  }
0xe8: {  	[tilespmem:s23+$0x14340] =	vst v8;
	v8 =	vmul.f32 v13, v14;
	v13 =	vbroadcast v1, $0x3;
	v16 =	vld [tilespmem:s23+$0x143B0]  }
0xe9: {  	[tilespmem:s23+$0x14350] =	vst v9;
	v9 =	vmul.f32 v10, v14;
	v10 =	vld [tilespmem:s23+$0x143C0]  }
0xea: {  	[tilespmem:s23+$0x14360] =	vst v8;
	v8 =	vmul.f32 v15, v13;
	v14 =	vld [tilespmem:s23+$0x143D0]  }
0xeb: {  	[tilespmem:s23+$0x14370] =	vst v9;
	v9 =	vmul.f32 v11, v13;
	v11 =	vld [tilespmem:s23+$0x143E0]  }
0xec: {  	[tilespmem:s23+$0x14380] =	vst v8;
	v8 =	vmul.f32 v12, v13;
	v12 =	vld [tilespmem:s23+$0x143F0]  }
0xed: {  	[tilespmem:s23+$0x14390] =	vst v9;
	v9 =	vmul.f32 v16, v13;
	v15 =	vld [tilespmem:s23+$0x14400]  }
0xee: {  	[tilespmem:s23+$0x143A0] =	vst v8;
	v8 =	vmul.f32 v10, v13;
	v10 =	vld [tilespmem:s23+$0x14410]  }
0xef: {  	[tilespmem:s23+$0x143B0] =	vst v9;
	v9 =	vmul.f32 v14, v13;
	v14 =	vld [tilespmem:s23+$0x14420]  }
0xf0: {  	[tilespmem:s23+$0x143C0] =	vst v8;
	v8 =	vmul.f32 v11, v13;
	v11 =	vld [tilespmem:s23+$0x14430]  }
0xf1: {  	[tilespmem:s23+$0x143D0] =	vst v9;
	v9 =	vmul.f32 v12, v13;
	v12 =	vld [tilespmem:s23+$0x14440]  }
0xf2: {  	[tilespmem:s23+$0x143E0] =	vst v8;
	v8 =	vmul.f32 v15, v7;
	v13 =	vld [tilespmem:s23+$0x14450]  }
0xf3: {  	[tilespmem:s23+$0x143F0] =	vst v9;
	v9 =	vmul.f32 v10, v7;
	v10 =	vld [tilespmem:s23+$0x14460]  }
0xf4: {  	[tilespmem:s23+$0x14400] =	vst v8;
	v8 =	vmul.f32 v14, v7;
	v14 =	vld [tilespmem:s23+$0x14470]  }
0xf5: {  	[tilespmem:s23+$0x14410] =	vst v9;
	v9 =	vmul.f32 v11, v7;
	v11 =	vld [tilespmem:s23+$0x14480]  }
0xf6: {  	[tilespmem:s23+$0x14420] =	vst v8;
	v8 =	vmul.f32 v12, v7;
	v12 =	vld [tilespmem:s23+$0x14490]  }
0xf7: {  	[tilespmem:s23+$0x14430] =	vst v9;
	v9 =	vmul.f32 v13, v7;
	v13 =	vld [tilespmem:s23+$0x144A0]  }
0xf8: {  	[tilespmem:s23+$0x14440] =	vst v8;
	v8 =	vmul.f32 v10, v7;
	v10 =	vbroadcast v1, $0x5;
	v15 =	vld [tilespmem:s23+$0x144B0]  }
0xf9: {  	[tilespmem:s23+$0x14450] =	vst v9;
	v7 =	vmul.f32 v14, v7;
	v9 =	vld [tilespmem:s23+$0x144C0]  }
0xfa: {  	[tilespmem:s23+$0x14460] =	vst v8;
	v8 =	vmul.f32 v11, v10;
	v11 =	vld [tilespmem:s23+$0x144D0]  }
0xfb: {  	[tilespmem:s23+$0x14470] =	vst v7;
	v7 =	vmul.f32 v12, v10;
	v12 =	vld [tilespmem:s23+$0x144E0]  }
0xfc: {  	[tilespmem:s23+$0x14480] =	vst v8;
	v8 =	vmul.f32 v13, v10;
	v13 =	vld [tilespmem:s23+$0x144F0]  }
0xfd: {  	[tilespmem:s23+$0x14490] =	vst v7;
	v7 =	vmul.f32 v15, v10;
	v14 =	vld [tilespmem:s23+$0x14500]  }
0xfe: {  	[tilespmem:s23+$0x144A0] =	vst v8;
	v8 =	vmul.f32 v9, v10;
	v9 =	vld [tilespmem:s23+$0x14510]  }
0xff: {  	[tilespmem:s23+$0x144B0] =	vst v7;
	v7 =	vmul.f32 v11, v10;
	v11 =	vld [tilespmem:s23+$0x14520]  }
0x100: {  	[tilespmem:s23+$0x144C0] =	vst v8;
	v8 =	vmul.f32 v12, v10;
	v12 =	vbroadcast v1, $0x6;
	v15 =	vld [tilespmem:s23+$0x14530]  }
0x101: {  	[tilespmem:s23+$0x144D0] =	vst v7;
	v7 =	vmul.f32 v13, v10;
	v10 =	vld [tilespmem:s23+$0x14540]  }
0x102: {  	[tilespmem:s23+$0x144E0] =	vst v8;
	v8 =	vmul.f32 v14, v12;
	v13 =	vld [tilespmem:s23+$0x14550]  }
0x103: {  	[tilespmem:s23+$0x144F0] =	vst v7;
	v7 =	vmul.f32 v9, v12;
	v9 =	vld [tilespmem:s23+$0x14560]  }
0x104: {  	[tilespmem:s23+$0x14500] =	vst v8;
	v8 =	vmul.f32 v11, v12;
	v11 =	vld [tilespmem:s23+$0x14570]  }
0x105: {  	[tilespmem:s23+$0x14510] =	vst v7;
	v7 =	vmul.f32 v15, v12;
	v14 =	vld [tilespmem:s23+$0x14580]  }
0x106: {  	[tilespmem:s23+$0x14520] =	vst v8;
	v8 =	vmul.f32 v10, v12;
	v10 =	vld [tilespmem:s23+$0x14590]  }
0x107: {  	[tilespmem:s23+$0x14530] =	vst v7;
	v7 =	vmul.f32 v13, v12;
	v13 =	vld [tilespmem:s23+$0x145A0]  }
0x108: {  	[tilespmem:s23+$0x14540] =	vst v8;
	v8 =	vmul.f32 v9, v12;
	v9 =	vbroadcast v1, $0x7;
	v15 =	vld [tilespmem:s23+$0x145B0]  }
0x109: {  	[tilespmem:s23+$0x14550] =	vst v7;
	v7 =	vmul.f32 v11, v12;
	v11 =	vld [tilespmem:s23+$0x145C0]  }
0x10a: {  	[tilespmem:s23+$0x14560] =	vst v8;
	v8 =	vmul.f32 v14, v9;
	v12 =	vld [tilespmem:s23+$0x145D0]  }
0x10b: {  	[tilespmem:s23+$0x14570] =	vst v7;
	v7 =	vmul.f32 v10, v9;
	v10 =	vld [tilespmem:s23+$0x145E0]  }
0x10c: {  	[tilespmem:s23+$0x14580] =	vst v8;
	v8 =	vmul.f32 v13, v9;
	v13 =	vld [tilespmem:s23+$0x145F0]  }
0x10d: {  	[tilespmem:s23+$0x14590] =	vst v7;
	v7 =	vmul.f32 v15, v9;
	v14 =	vld [tilespmem:s23+$0x14600]  }
0x10e: {  	[tilespmem:s23+$0x145A0] =	vst v8;
	v8 =	vmul.f32 v11, v9;
	v11 =	vld [tilespmem:s23+$0x14610]  }
0x10f: {  	[tilespmem:s23+$0x145B0] =	vst v7;
	v7 =	vmul.f32 v12, v9;
	v12 =	vld [tilespmem:s23+$0x14620]  }
0x110: {  	[tilespmem:s23+$0x145C0] =	vst v8;
	v8 =	vmul.f32 v10, v9;
	v10 =	vbroadcast v1, $0x8;
	v15 =	vld [tilespmem:s23+$0x14630]  }
0x111: {  	[tilespmem:s23+$0x145D0] =	vst v7;
	v7 =	vmul.f32 v13, v9;
	v9 =	vld [tilespmem:s23+$0x14640]  }
0x112: {  	[tilespmem:s23+$0x145E0] =	vst v8;
	v8 =	vmul.f32 v14, v10;
	v13 =	vld [tilespmem:s23+$0x14650]  }
0x113: {  	[tilespmem:s23+$0x145F0] =	vst v7;
	v7 =	vmul.f32 v11, v10;
	v11 =	vld [tilespmem:s23+$0x14660]  }
0x114: {  	[tilespmem:s23+$0x14600] =	vst v8;
	v8 =	vmul.f32 v12, v10;
	v12 =	vld [tilespmem:s23+$0x14670]  }
0x115: {  	[tilespmem:s23+$0x14610] =	vst v7;
	v7 =	vmul.f32 v15, v10;
	v14 =	vld [tilespmem:s23+$0x14680]  }
0x116: {  	[tilespmem:s23+$0x14620] =	vst v8;
	v8 =	vmul.f32 v9, v10;
	v9 =	vld [tilespmem:s23+$0x14690]  }
0x117: {  	[tilespmem:s23+$0x14630] =	vst v7;
	v7 =	vmul.f32 v13, v10;
	v13 =	vld [tilespmem:s23+$0x146A0]  }
0x118: {  	[tilespmem:s23+$0x14640] =	vst v8;
	v8 =	vmul.f32 v11, v10;
	v11 =	vbroadcast v1, $0x9;
	v15 =	vld [tilespmem:s23+$0x146B0]  }
0x119: {  	[tilespmem:s23+$0x14650] =	vst v7;
	v7 =	vmul.f32 v12, v10;
	v10 =	vld [tilespmem:s23+$0x146C0]  }
0x11a: {  	[tilespmem:s23+$0x14660] =	vst v8;
	v8 =	vmul.f32 v14, v11;
	v12 =	vld [tilespmem:s23+$0x146D0]  }
0x11b: {  	[tilespmem:s23+$0x14670] =	vst v7;
	v7 =	vmul.f32 v9, v11;
	v9 =	vld [tilespmem:s23+$0x146E0]  }
0x11c: {  	[tilespmem:s23+$0x14680] =	vst v8;
	v8 =	vmul.f32 v13, v11;
	v13 =	vld [tilespmem:s23+$0x146F0]  }
0x11d: {  	[tilespmem:s23+$0x14690] =	vst v7;
	v7 =	vmul.f32 v15, v11;
	v14 =	vld [tilespmem:s23+$0x14700]  }
0x11e: {  	[tilespmem:s23+$0x146A0] =	vst v8;
	v8 =	vmul.f32 v10, v11;
	v10 =	vld [tilespmem:s23+$0x14710]  }
0x11f: {  	[tilespmem:s23+$0x146B0] =	vst v7;
	v7 =	vmul.f32 v12, v11;
	v12 =	vld [tilespmem:s23+$0x14720]  }
0x120: {  	[tilespmem:s23+$0x146C0] =	vst v8;
	v8 =	vmul.f32 v9, v11;
	v9 =	vld [tilespmem:s23+$0x14730]  }
0x121: {  	[tilespmem:s23+$0x146D0] =	vst v7;
	v7 =	vmul.f32 v13, v11;
	v11 =	vld [tilespmem:s23+$0x14740]  }
0x122: {  	[tilespmem:s23+$0x146E0] =	vst v8;
	v8 =	vmul.f32 v14, v4;
	v13 =	vld [tilespmem:s23+$0x14750]  }
0x123: {  	[tilespmem:s23+$0x146F0] =	vst v7;
	v7 =	vmul.f32 v10, v4;
	v10 =	vld [tilespmem:s23+$0x14760]  }
0x124: {  	v14 =	vld [tilespmem:s23+$0x14200];
	[tilespmem:s23+$0x14700] =	vst v8;
	v8 =	vmul.f32 v12, v4  }
0x125: {  	v12 =	vld [tilespmem:s23+$0x14210];
	[tilespmem:s23+$0x14710] =	vst v7;
	v7 =	vmul.f32 v9, v4  }
0x126: {  	v9 =	vld [tilespmem:s23+$0x14240];
	[tilespmem:s23+$0x14720] =	vst v8;
	v8 =	vmul.f32 v11, v4  }
0x127: {  	v11 =	vld [tilespmem:s23+$0x14250];
	[tilespmem:s23+$0x14730] =	vst v7;
	v7 =	vmul.f32 v13, v4  }
0x128: {  	[tilespmem:s23+$0x14740] =	vst v8;
	v8 =	vmul.f32 v10, v4;
	v10 =	vbroadcast v1, $0xB;
	v13 =	vld [tilespmem:s23+$0x147A0]  }
0x129: {  	v4 =	vbroadcast v1, $0xF;
	v14 =	vmul.f32 v2, v14;
	[tilespmem:s23+$0x14750] =	vst v7;
	v7 =	vld [tilespmem:s23+$0x147B0]  }
0x12a: {  	v12 =	vmul.f32 v12, v2;
	[tilespmem:s23+$0x14760] =	vst v8;
	v5 =	vmul.f32 v5, v10;
	v8 =	vld [tilespmem:s23+$0x147C0]  }
0x12b: {  	v6 =	vmul.f32 v6, v10;
	[tilespmem:s23+$0x14200] =	vst v14;
	v9 =	vmul.f32 v9, v2;
	v14 =	vld [tilespmem:s23+$0x147D0]  }
0x12c: {  	v3 =	vmul.f32 v3, v4;
	v11 =	vmul.f32 v11, v2;
	[tilespmem:s23+$0x14780] =	vst v5;
	v2 =	vld [tilespmem:s23+$0x147E0]  }
0x12d: {  	[tilespmem:s23+$0x14790] =	vst v6;
	v5 =	vmul.f32 v13, v10;
	v6 =	vld [tilespmem:s23+$0x147F0]  }
0x12e: {  	v7 =	vmul.f32 v7, v10;
	v13 =	vld [tilespmem:s23+$0x14800];
	[tilespmem:s23+$0x149D0] =	vst v3  }
0x12f: {  	[tilespmem:s23+$0x14210] =	vst v12;
	v3 =	vmul.f32 v8, v10;
	v8 =	vld [tilespmem:s23+$0x14810]  }
0x130: {  	[tilespmem:s23+$0x14240] =	vst v9;
	v9 =	vmul.f32 v14, v10;
	v12 =	vld [tilespmem:s23+$0x14820]  }
0x131: {  	v14 =	vbroadcast v1, $0xC;
	[tilespmem:s23+$0x147A0] =	vst v5;
	v5 =	vmul.f32 v2, v10;
	v15 =	vld [tilespmem:s23+$0x14830]  }
0x132: {  	[tilespmem:s23+$0x147D0] =	vst v9;
	v6 =	vmul.f32 v6, v10;
	v9 =	vld [tilespmem:s23+$0x14840]  }
0x133: {  	[tilespmem:s23+$0x147B0] =	vst v7;
	v2 =	vmul.f32 v13, v14;
	v7 =	vld [tilespmem:s23+$0x14850]  }
0x134: {  	[tilespmem:s23+$0x147C0] =	vst v3;
	v3 =	vmul.f32 v8, v14;
	v8 =	vld [tilespmem:s23+$0x14860]  }
0x135: {  	[tilespmem:s23+$0x14800] =	vst v2;
	v2 =	vmul.f32 v12, v14;
	v10 =	vld [tilespmem:s23+$0x14870]  }
0x136: {  	[tilespmem:s23+$0x14810] =	vst v3;
	v3 =	vld [tilespmem:s23+$0x14880]  }
0x137: {  	[tilespmem:s23+$0x14250] =	vst v11;
	v9 =	vmul.f32 v9, v14;
	v11 =	vld [tilespmem:s23+$0x14890]  }
0x138: {  	[tilespmem:s23+$0x147E0] =	vst v5;
	v5 =	vmul.f32 v7, v14;
	v7 =	vld [tilespmem:s23+$0x148A0]  }
0x139: {  	[tilespmem:s23+$0x14840] =	vst v9;
	v8 =	vmul.f32 v8, v14;
	v9 =	vbroadcast v1, $0xD;
	v12 =	vld [tilespmem:s23+$0x148B0]  }
0x13a: {  	[tilespmem:s23+$0x14850] =	vst v5;
	v5 =	vmul.f32 v10, v14;
	v10 =	vld [tilespmem:s23+$0x148C0]  }
0x13b: {  	[tilespmem:s23+$0x14860] =	vst v8;
	v3 =	vmul.f32 v3, v9;
	v8 =	vld [tilespmem:s23+$0x148D0]  }
0x13c: {  	[tilespmem:s23+$0x14870] =	vst v5;
	v5 =	vmul.f32 v11, v9;
	v11 =	vld [tilespmem:s23+$0x148E0]  }
0x13d: {  	[tilespmem:s23+$0x14880] =	vst v3;
	v3 =	vmul.f32 v7, v9;
	v7 =	vld [tilespmem:s23+$0x148F0]  }
0x13e: {  	[tilespmem:s23+$0x14890] =	vst v5;
	v5 =	vmul.f32 v12, v9;
	v12 =	vld [tilespmem:s23+$0x14900]  }
0x13f: {  	[tilespmem:s23+$0x148A0] =	vst v3;
	v3 =	vmul.f32 v10, v9;
	v10 =	vld [tilespmem:s23+$0x14910]  }
0x140: {  	[tilespmem:s23+$0x148B0] =	vst v5;
	v5 =	vmul.f32 v8, v9;
	v8 =	vld [tilespmem:s23+$0x14920]  }
0x141: {  	v1 =	vbroadcast v1, $0xE;
	[tilespmem:s23+$0x147F0] =	vst v6;
	v6 =	vmul.f32 v11, v9;
	v11 =	vld [tilespmem:s23+$0x14930]  }
0x142: {  	[tilespmem:s23+$0x148D0] =	vst v5;
	v5 =	vmul.f32 v7, v9;
	v7 =	vld [tilespmem:s23+$0x14940]  }
0x143: {  	[tilespmem:s23+$0x148E0] =	vst v6;
	v6 =	vmul.f32 v12, v1;
	v9 =	vld [tilespmem:s23+$0x14950]  }
0x144: {  	[tilespmem:s23+$0x148F0] =	vst v5;
	v5 =	vmul.f32 v10, v1;
	v10 =	vld [tilespmem:s23+$0x14960]  }
0x145: {  	[tilespmem:s23+$0x14900] =	vst v6;
	v6 =	vmul.f32 v8, v1;
	v8 =	vld [tilespmem:s23+$0x14970]  }
0x146: {  	[tilespmem:s23+$0x14910] =	vst v5;
	v5 =	vmul.f32 v11, v1;
	v11 =	vld [tilespmem:s23+$0x14980]  }
0x147: {  	[tilespmem:s23+$0x14920] =	vst v6;
	v6 =	vmul.f32 v7, v1;
	v7 =	vld [tilespmem:s23+$0x14990]  }
0x148: {  	[tilespmem:s23+$0x14930] =	vst v5;
	v5 =	vmul.f32 v9, v1;
	v9 =	vld [tilespmem:s23+$0x149A0]  }
0x149: {  	[tilespmem:s23+$0x14940] =	vst v6;
	v6 =	vmul.f32 v10, v1;
	v10 =	vld [tilespmem:s23+$0x149B0]  }
0x14a: {  	[tilespmem:s23+$0x148C0] =	vst v3;
	v1 =	vmul.f32 v8, v1;
	v3 =	vld [tilespmem:s23+$0x149C0]  }
0x14b: {  	[tilespmem:s23+$0x14960] =	vst v6;
	v6 =	vmul.f32 v11, v4;
	v8 =	vld [tilespmem:s23+$0x149E0]  }
0x14c: {  	[tilespmem:s23+$0x14970] =	vst v1;
	v1 =	vmul.f32 v7, v4;
	v7 =	vld [tilespmem:s23+$0x149F0]  }
0x14d: {  	[tilespmem:s23+$0x14980] =	vst v6;
	v6 =	vmul.f32 v9, v4  }
0x14e: {  	[tilespmem:s23+$0x14990] =	vst v1;
	v1 =	vmul.f32 v10, v4  }
0x14f: {  	v9 =	vmul.f32 v15, v14;
	[tilespmem:s23+$0x149A0] =	vst v6  }
0x150: {  	[tilespmem:s23+$0x149B0] =	vst v1;
	v1 =	vmul.f32 v3, v4  }
.Ltmp3:
0x151: {  	[tilespmem:s23+$0x14830] =	vst v9;
	v3 =	vmul.f32 v7, v4;
	(pc) =	sbr.rel @p1 .LBB2_7-.Ltmp3, $4  }
0x152: {  	[tilespmem:s23+$0x149C0] =	vst v1  }
0x153: {  	v1 =	vmul.f32 v8, v4;
	[tilespmem:s23+$0x149F0] =	vst v3  }
0x154: {  	[tilespmem:s23+$0x14950] =	vst v5  }
0x155: {  	[tilespmem:s23+$0x149E0] =	vst v1  }
0x156: {  	s22 =	sadd.s32 $0x1, s22  }
0x157: {  	p1 =	sne.s32 s22, $0x4F  }
.Ltmp4:
0x158: {  	[tilespmem:s23+$0x14820] =	vst v2;
	(pc) =	sbr.rel @p1 .LBB2_6-.Ltmp4, $4  }
0x159: {  	[spmem:s3] =	stream.indirect.scatter.add.f32 [tilespmem:s19], [sflag:$0x2], $0x80, s16, s18, $0xb8;
	[tilespmem:$0x18200] =	vst v63  }
0x15a: {  	_ =	swait.ge [sflag:s14], $0x4000  }
0x15b: {  	[sflag:s14] =	ssyncset.done $0x0  }
0x15c: {  	[sflag:s14] =	ssyncadd.s32 $0xFFFFC000  }
.Ltmp5:
0x15d: {  	(pc) =	sbr.rel @!p0 .LBB2_11-.Ltmp5, $4  }
0x15e: {  	s21 =	sshll.u32 s5, $0x6;
	[bflag:$0x0] =	sbarrier.arrive $0xFFFF  }
0x15f: {  	s22 =	sshrl.u32 s9, $0x3;
	s23 =	sadd.s32 $0x800, s9;
	s21 =	sor.u32 $0x1C02, s21  }
0x160: {  	[hbm:s12], [sflag:s21] =	dma.local [spmem:s22], $0x100  }
0x161: {  	s24 =	smov.u32 s12;
	s22 =	sadd.s32 $0xFFFFFFFF, s8;
	_ =	swait.ge [sflag:s14], $0x100  }
.LBB2_10:
0x162: {  	[sflag:s14] =	ssyncset.done $0x0;
	s24 =	sadd.s32 $0x100, s24;
	p0 =	sne.s32 s22, $0x1  }
.Ltmp6:
0x163: {  	s25 =	sshrl.u32 s23, $0x3;
	[sflag:s14] =	ssyncadd.s32 $0xFFFFFF00;
	(pc) =	sbr.rel @p0 .LBB2_10-.Ltmp6, $3  }
0x164: {  	[hbm:s24], [sflag:s21] =	dma.local [spmem:s25], $0x100  }
0x165: {  	s22 =	sadd.s32 $0xFFFFFFFF, s22;
	_ =	sdelay $0x1  }
0x166: {  	s23 =	sadd.s32 $0x800, s23;
	_ =	swait.ge [sflag:s14], $0x100  }
.LBB2_11:
0x167: {  	s4 =	sadd.s32 $0x1, s4  }
0x168: {  	p0 =	sne.s32 s4, s11  }
.Ltmp7:
0x169: {  	_ = 	snop;
	(pc) =	sbr.rel @p0 .LBB2_1-.Ltmp7, $3  }
0x16a: {  	_ =	sdelay $0x1  }
0x16b: {  	[sflag:s14] =	ssyncset.done $0x0  }
0x16c: {  	[sflag:s14] =	ssyncadd.s32 $0xFFFFFF00  }
0x16d: {  	_ =	sfence.sel $0x180000  }
0x16e: {  	[bflag:$0x0] =	sbarrier.arrive $0xFFFF  }
0x16f: {  	p0 =	sne.s32 s5, $0x0;
	_ =	strace $0x90000047  }
0x170: {  	s0 =	sadd.s32 @!p0 $0x100000, s0;
	[bflag:$0x2] =	sbarrier.arrive $0xFFFF  }
0x171: {  	[sflag:s0] =	ssyncadd.tile.s32 @!p0 $0x1;
	_ =	shalt  }
.Lfunc_end2:
_tile_overlayer_lowered:
.L_overlay_start_2:
0x172: {  	(tag) =	ssettag $0x2  }
0x173: {  	s0 =	rddreg [dreg:$0x0];
	s2 =	stileid.u32  }
0x174: {  	s1 =	rddreg [dreg:$0x1];
	p0 =	sne.s32 s2, $0x0  }
0x175: {  	s3 =	rddreg [dreg:$0x2];
	[bflag:$0x3] =	sbarrier.arrive $0xFFFF;
	s2 =	simm.s32 @!p0 $0x1C02  }
0x176: {  	[timem:s3], [sflag:s2] =	dma.local @!p0 [hbm:s0], s1  }
0x177: {  	s0 =	simm.s32 @!p0 $0x2  }
0x178: {  	_ =	swait.ge @!p0 [sflag:s0], s1  }
0x179: {  	s1 =	ssub.s32 @!p0 $0x0, s1;
	[sflag:s0] =	ssyncset.done @!p0 $0x0  }
0x17a: {  	[sflag:s0] =	ssyncadd.s32 @!p0 s1  }
0x17b: {  	[bflag:$0x3] =	sbarrier.arrive $0xFFFF  }
0x17c: {  	_ =	shalt  }

</sc_bundles>
